<compile_context>
chip_gen: v7x
topology: tpu7x:2x2x1
jax: 0.10.2.dev20260603
libtpu: 0.0.44.dev20260713+nightly
codegen_flags: <defaults>
</compile_context>

<pallas_src>
import functools

import jax
import jax.numpy as jnp
from jax import lax
from jax.experimental import pallas as pl
from jax.experimental.pallas import tpu as pltpu
from jax.experimental.pallas import tpu_sc as plsc

N = 10000
E = 320000
D_IN = 128
H = 256
D_OUT = 10
G = 64

N_PAD = 10240
K = 128
NC = 2
NS = 16
HH = H // 2
NCHUNK = 2560
E_PAD = NCHUNK * K
CH_W = NCHUNK // (NC * NS)

KS = 64
DEPTH = 4
CH_T2 = E_PAD // KS // NS
BCHS = 80

_HIGH = lax.Precision.DEFAULT


def _deg_body(dst2d_hbm, deg_hbm, acc_sh, didx, ones_v, zeros_v, dsem):
    c = lax.axis_index("c")
    s = lax.axis_index("s")
    wid = c * NS + s

    @pl.loop(0, K, step=16)
    def _(j):
        ones_v[pl.ds(j, 16)] = jnp.full((16,), 1.0, jnp.float32)
        zeros_v[pl.ds(j, 16)] = jnp.zeros((16,), jnp.float32)

    @pl.loop(0, 5)
    def _(i):
        pltpu.sync_copy(zeros_v, acc_sh.at[pl.ds(s * 640 + i * K, K)])

    pltpu.sync_copy(dst2d_hbm.at[pl.ds(wid * CH_W, CH_W)], didx)

    plsc.subcore_barrier()

    @pl.loop(0, CH_W, step=8)
    def _(i):
        for k in range(8):
            pltpu.async_copy(ones_v, acc_sh.at[didx.at[i + k]], dsem, add=True)
        for k in range(8):
            pltpu.make_async_copy(ones_v, acc_sh.at[didx.at[i + k]], dsem).wait()

    plsc.subcore_barrier()
    pltpu.sync_copy(acc_sh.at[pl.ds(s * 640, 640)],
                    deg_hbm.at[c, pl.ds(s * 640, 640)])


def _agg_body(lo_hbm, hi_hbm, src_hbm, dst2d_hbm, out_lo, out_hi,
              acc_sh, sidx, didx, rows, *sems):
    c = lax.axis_index("c")
    s = lax.axis_index("s")

    @pl.loop(0, DEPTH * KS)
    def _(r):
        @pl.loop(0, HH, step=16)
        def _(j):
            rows[r, pl.ds(j, 16)] = jnp.zeros((16,), jnp.float32)

    @pl.loop(0, 5)
    def _(i):
        pltpu.sync_copy(rows.at[pl.ds(0, 128)],
                        acc_sh.at[pl.ds(s * 640 + i * 128, 128)])

    plsc.subcore_barrier()

    def _slot(k):
        return rows.at[pl.ds(k * KS, KS)]

    def _gather(slot, i, sem):
        idx = sidx.at[pl.ds(i * KS, KS)]

        @pl.when(c == 0)
        def _():
            pltpu.async_copy(lo_hbm.at[idx], _slot(slot), sem)

        @pl.when(c == 1)
        def _():
            pltpu.async_copy(hi_hbm.at[idx], _slot(slot), sem)

    def _gwait(slot, i, sem):
        idx = sidx.at[pl.ds(i * KS, KS)]

        @pl.when(c == 0)
        def _():
            pltpu.make_async_copy(lo_hbm.at[idx], _slot(slot), sem).wait()

        @pl.when(c == 1)
        def _():
            pltpu.make_async_copy(hi_hbm.at[idx], _slot(slot), sem).wait()

    def _scatter(slot, i):
        pltpu.sync_copy(_slot(slot), acc_sh.at[didx.at[i]], add=True)

    @pl.loop(0, CH_T2 // BCHS)
    def _(b):
        c0 = s * CH_T2 + b * BCHS
        pltpu.sync_copy(src_hbm.at[pl.ds(c0 * KS, BCHS * KS)], sidx)
        pltpu.sync_copy(dst2d_hbm.at[pl.ds(c0, BCHS)], didx)
        for k in range(DEPTH):
            _gather(k, k, sems[k])

        @pl.loop(0, BCHS, step=DEPTH)
        def _(i):
            for k in range(DEPTH):
                _gwait(k, i + k, sems[k])
                _scatter(k, i + k)

                @pl.when(i + k + DEPTH < BCHS)
                def _():
                    _gather(k, i + k + DEPTH, sems[k])

    plsc.subcore_barrier()

    @pl.when(c == 0)
    def _():
        pltpu.sync_copy(acc_sh.at[pl.ds(s * 640, 640)],
                        out_lo.at[pl.ds(s * 640, 640)])

    @pl.when(c == 1)
    def _():
        pltpu.sync_copy(acc_sh.at[pl.ds(s * 640, 640)],
                        out_hi.at[pl.ds(s * 640, 640)])


@functools.cache
def _sc_kernels():
    mesh = plsc.VectorSubcoreMesh(core_axis_name="c", subcore_axis_name="s")
    deg_sc = pl.kernel(
        _deg_body,
        out_type=jax.ShapeDtypeStruct((NC, N_PAD), jnp.float32),
        mesh=mesh,
        scratch_types=[
            pltpu.VMEM_SHARED((N_PAD,), jnp.float32),
            pltpu.VMEM((CH_W, K), jnp.int32),
            pltpu.VMEM((K,), jnp.float32),
            pltpu.VMEM((K,), jnp.float32),
            pltpu.SemaphoreType.DMA,
        ],
    )
    agg_sc = pl.kernel(
        _agg_body,
        out_type=[jax.ShapeDtypeStruct((N_PAD, HH), jnp.float32),
                  jax.ShapeDtypeStruct((N_PAD, HH), jnp.float32)],
        mesh=mesh,
        scratch_types=[
            pltpu.VMEM_SHARED((N_PAD, HH), jnp.float32),
            pltpu.VMEM((BCHS * KS,), jnp.int32),
            pltpu.VMEM((BCHS, KS), jnp.int32),
            pltpu.VMEM((DEPTH * KS, HH), jnp.float32),
        ] + [pltpu.SemaphoreType.DMA] * DEPTH,
    )
    return deg_sc, agg_sc


def _mm1_body(x_ref, w_ref, d0_ref, d1_ref, lo_ref, hi_ref, dinv_ref):
    deg = d0_ref[...] + d1_ref[...] + 1.0
    dinv = lax.rsqrt(deg)
    hp = jnp.dot(x_ref[...], w_ref[...],
                 preferred_element_type=jnp.float32, precision=_HIGH) * dinv
    lo_ref[...] = hp[:, :HH]
    hi_ref[...] = hp[:, HH:]
    dinv_ref[...] = dinv


def _layer2_body(alo_ref, ahi_ref, lo_ref, hi_ref, dinv_ref, b1_ref, w2_ref,
                 olo_ref, ohi_ref):
    dinv = dinv_ref[...]
    h1 = jnp.concatenate(
        [alo_ref[...] + lo_ref[...], ahi_ref[...] + hi_ref[...]], axis=1)
    h1 = jnp.maximum(h1 * dinv + b1_ref[...], 0.0)
    hp2 = jnp.dot(h1, w2_ref[...],
                  preferred_element_type=jnp.float32, precision=_HIGH) * dinv
    olo_ref[...] = hp2[:, :HH]
    ohi_ref[...] = hp2[:, HH:]


def _final_body(alo_ref, ahi_ref, lo_ref, hi_ref, dinv_ref, b2_ref,
                batch_ref, wc_ref, bc_ref, o_ref):
    dinv = dinv_ref[...]
    h2 = jnp.concatenate(
        [alo_ref[...] + lo_ref[...], ahi_ref[...] + hi_ref[...]], axis=1)
    h2 = jnp.maximum(h2 * dinv + b2_ref[...], 0.0)
    pt = (lax.broadcasted_iota(jnp.int32, (G, N_PAD), 0)
          == batch_ref[...]).astype(jnp.float32)
    sums = jnp.dot(pt, h2, preferred_element_type=jnp.float32, precision=_HIGH)
    counts = jnp.sum(pt, axis=1, keepdims=True)
    pooled = sums / jnp.maximum(counts, 1.0)
    o_ref[...] = jnp.dot(pooled, wc_ref[...],
                         preferred_element_type=jnp.float32,
                         precision=_HIGH) + bc_ref[...]


def _mm1(x, W1, d0, d1):
    nb = 10
    rb = N_PAD // nb
    row = lambda i: (i, 0)
    full = lambda i: (0, 0)
    return pl.pallas_call(
        _mm1_body,
        grid=(nb,),
        in_specs=[pl.BlockSpec((rb, D_IN), row),
                  pl.BlockSpec((D_IN, H), full),
                  pl.BlockSpec((rb, 1), row),
                  pl.BlockSpec((rb, 1), row)],
        out_specs=[pl.BlockSpec((rb, HH), row),
                   pl.BlockSpec((rb, HH), row),
                   pl.BlockSpec((rb, 1), row)],
        out_shape=[jax.ShapeDtypeStruct((N_PAD, HH), jnp.float32),
                   jax.ShapeDtypeStruct((N_PAD, HH), jnp.float32),
                   jax.ShapeDtypeStruct((N_PAD, 1), jnp.float32)])(x, W1, d0, d1)


def _layer2(alo, ahi, lo, hi, dinv, b1r, W2):
    nb = 10
    rb = N_PAD // nb
    row = lambda i: (i, 0)
    full = lambda i: (0, 0)
    return pl.pallas_call(
        _layer2_body,
        grid=(nb,),
        in_specs=[pl.BlockSpec((rb, HH), row),
                  pl.BlockSpec((rb, HH), row),
                  pl.BlockSpec((rb, HH), row),
                  pl.BlockSpec((rb, HH), row),
                  pl.BlockSpec((rb, 1), row),
                  pl.BlockSpec((1, H), full),
                  pl.BlockSpec((H, H), full)],
        out_specs=[pl.BlockSpec((rb, HH), row),
                   pl.BlockSpec((rb, HH), row)],
        out_shape=[jax.ShapeDtypeStruct((N_PAD, HH), jnp.float32),
                   jax.ShapeDtypeStruct((N_PAD, HH), jnp.float32)],
    )(alo, ahi, lo, hi, dinv, b1r, W2)


def _final(alo, ahi, lo, hi, dinv, b2r, batch_row, Wc, bcr):
    return pl.pallas_call(
        _final_body,
        out_shape=jax.ShapeDtypeStruct((G, D_OUT), jnp.float32),
    )(alo, ahi, lo, hi, dinv, b2r, batch_row, Wc, bcr)


def kernel(x, edge_index, batch, W1, b1, W2, b2, Wc, bc):
    fill = (jnp.arange(E_PAD - E, dtype=jnp.int32) % (N_PAD - N))
    src = jnp.concatenate([edge_index[0], fill])
    dst_p = jnp.concatenate([edge_index[1], N + fill])
    dst2d = dst_p.reshape(NCHUNK, K)
    dst2ds = dst_p.reshape(E_PAD // KS, KS)
    x_pad = jnp.concatenate(
        [x, jnp.zeros((N_PAD - N, D_IN), jnp.float32)])
    batch_pad = jnp.concatenate(
        [batch, jnp.full((N_PAD - N,), G, jnp.int32)]).reshape(1, N_PAD)
    _deg_sc, _agg_sc = _sc_kernels()

    degp = _deg_sc(dst2d)
    lo1, hi1, dinv = _mm1(x_pad, W1, degp[0, :, None], degp[1, :, None])

    alo1, ahi1 = _agg_sc(lo1, hi1, src, dst2ds)
    lo2, hi2 = _layer2(alo1, ahi1, lo1, hi1, dinv,
                       b1.reshape(1, H), W2)

    alo2, ahi2 = _agg_sc(lo2, hi2, src, dst2ds)
    return _final(alo2, ahi2, lo2, hi2, dinv,
                  b2.reshape(1, H), batch_pad, Wc,
                  bc.reshape(1, D_OUT))

# --- scband reference (transcript-rebuilt; emitter-appended) ---
"""Pipeline reference for scband-gnn-86440511800132 (READ-ONLY COPY).

The authoritative reference and input builder live on the scoring server;
editing this copy changes nothing except your own understanding.
"""

import jax, jax.numpy as jnp
import numpy as np

N = 10000
E = 320000
D_IN = 128
H = 256
D_OUT = 10
G = 64


def setup_inputs(seed: int = 0) -> dict:
    key = jax.random.key(seed)
    ks = jax.random.split(key, 10)
    x = jax.random.normal(ks[0], (N, D_IN), dtype=jnp.float32)
    edge_index = jax.random.randint(ks[1], (2, E), 0, N, dtype=jnp.int32)
    batch = jnp.sort(jax.random.randint(ks[2], (N,), 0, G, dtype=jnp.int32))
    W1 = jax.random.normal(ks[3], (D_IN, H), dtype=jnp.float32) * (1.0 / np.sqrt(D_IN))
    b1 = jnp.zeros((H,), dtype=jnp.float32)
    W2 = jax.random.normal(ks[4], (H, H), dtype=jnp.float32) * (1.0 / np.sqrt(H))
    b2 = jnp.zeros((H,), dtype=jnp.float32)
    Wc = jax.random.normal(ks[5], (H, D_OUT), dtype=jnp.float32) * (1.0 / np.sqrt(H))
    bc = jnp.zeros((D_OUT,), dtype=jnp.float32)
    return {"x": x, "edge_index": edge_index, "batch": batch,
            "W1": W1, "b1": b1, "W2": W2, "b2": b2, "Wc": Wc, "bc": bc}


def gcn_conv(x, edge_index, W, b):
    # Faithful PyG GCNConv: x' = D^{-1/2} (A + I) D^{-1/2} X W + b
    n = x.shape[0]
    loop = jnp.arange(n, dtype=edge_index.dtype)
    src = jnp.concatenate([edge_index[0], loop])
    dst = jnp.concatenate([edge_index[1], loop])
    deg = jnp.zeros((n,), dtype=jnp.float32).at[dst].add(1.0)
    deg_inv_sqrt = jnp.where(deg > 0, deg ** -0.5, 0.0)
    norm = deg_inv_sqrt[src] * deg_inv_sqrt[dst]
    h = x @ W
    msg = h[src] * norm[:, None]
    out = jnp.zeros((n, W.shape[1]), dtype=jnp.float32).at[dst].add(msg)
    return out + b


def reference(x, edge_index, batch, W1, b1, W2, b2, Wc, bc):
    h = jax.nn.relu(gcn_conv(x, edge_index, W1, b1))
    h = jax.nn.relu(gcn_conv(h, edge_index, W2, b2))
    sums = jax.ops.segment_sum(h, batch, num_segments=G)
    counts = jax.ops.segment_sum(jnp.ones((h.shape[0],), dtype=jnp.float32), batch, num_segments=G)
    pooled = sums / jnp.maximum(counts, 1.0)[:, None]
    return pooled @ Wc + bc

if __name__ == "__main__":
    import jax
    _d = setup_inputs()
    print(jax.jit(kernel)(*tuple(_d.values())))

</pallas_src>

<mosaic_0001>
#map = affine_map<(d0, d1) -> (0, 0)>
module attributes {stable_mosaic.version = 14 : i64} {
  func.func @_deg_body(%arg0: i32, %arg1: i32, %arg2: memref<2560x128xi32, #tpu.memory_space<hbm>>, %arg3: memref<2x10240xf32, #tpu.memory_space<hbm>>, %arg4: memref<10240xf32, #tpu.memory_space<vmem_shared>>, %arg5: memref<80x128xi32, #tpu.memory_space<vmem>>, %arg6: memref<128xf32, #tpu.memory_space<vmem>>, %arg7: memref<128xf32, #tpu.memory_space<vmem>>, %arg8: memref<!tpu.dma_semaphore, #tpu.memory_space<semaphore_mem>>) attributes {dimension_semantics = [#tpu.dimension_semantics<core_parallel>, #tpu.dimension_semantics<subcore_parallel>], iteration_bounds = array<i64: 2, 16>, scalar_prefetch = 0 : i64, scratch_operands = 5 : i64, tpu.core_type = #tpu.core_type<sc_vector_subcore>, window_params = [{transform_indices = #map}, {transform_indices = #map}]} {
    %mul3A = arith.constant 16 : i32
    %mul3A_0 = arith.muli %arg0, %mul3A : i32
    %add3A = arith.addi %mul3A_0, %arg1 : i32
    %scan3A = arith.constant 0 : i32
    %scan3A_1 = arith.constant 8 : i32
    %scan3A_2 = arith.addi %scan3A, %scan3A_1 : i32
    %scan3A_3 = arith.constant 1 : i32
    scf.for %scan3A_22 = %scan3A to %scan3A_2 step %scan3A_3  : i32 {
      %mul3A_23 = arith.constant 16 : i32
      %mul3A_24 = arith.muli %scan3A_22, %mul3A_23 : i32
      %add3A_25 = arith.constant 0 : i32
      %add3A_26 = arith.addi %add3A_25, %mul3A_24 : i32
      %broadcast_in_dim3A = arith.constant 1.000000e+00 : f32
      %broadcast_in_dim3A_27 = vector.broadcast %broadcast_in_dim3A : f32 to vector<16xf32>
      %swap3A = arith.index_cast %add3A_26 : i32 to index
      %swap3A_28 = tpu.vector_load %arg6[%swap3A] {strides = array<i32>} : memref<128xf32, #tpu.memory_space<vmem>>, vector<16xf32>,
      %swap3A_29 = vector.shape_cast %swap3A_28 : vector<16xf32> to vector<16xf32>
      %swap3A_30 = vector.shape_cast %broadcast_in_dim3A_27 : vector<16xf32> to vector<16xf32>
      tpu.vector_store %arg6[%swap3A], %swap3A_30 {strides = array<i32>} : memref<128xf32, #tpu.memory_space<vmem>>, vector<16xf32>,
      %broadcast_in_dim3A_31 = arith.constant 0.000000e+00 : f32
      %broadcast_in_dim3A_32 = vector.broadcast %broadcast_in_dim3A_31 : f32 to vector<16xf32>
      %swap3A_33 = arith.index_cast %add3A_26 : i32 to index
      %swap3A_34 = tpu.vector_load %arg7[%swap3A_33] {strides = array<i32>} : memref<128xf32, #tpu.memory_space<vmem>>, vector<16xf32>,
      %swap3A_35 = vector.shape_cast %swap3A_34 : vector<16xf32> to vector<16xf32>
      %swap3A_36 = vector.shape_cast %broadcast_in_dim3A_32 : vector<16xf32> to vector<16xf32>
      tpu.vector_store %arg7[%swap3A_33], %swap3A_36 {strides = array<i32>} : memref<128xf32, #tpu.memory_space<vmem>>, vector<16xf32>,
    }
    %scan3A_4 = arith.constant 8 : i32
    %scan3A_5 = arith.constant 0 : i32
    %scan3A_6 = arith.constant 5 : i32
    %scan3A_7 = arith.addi %scan3A_5, %scan3A_6 : i32
    %scan3A_8 = arith.constant 1 : i32
    scf.for %scan3A_22 = %scan3A_5 to %scan3A_7 step %scan3A_8  : i32 {
      %mul3A_23 = arith.constant 1 : i32
      %mul3A_24 = arith.muli %scan3A_22, %mul3A_23 : i32
      %add3A_25 = arith.constant 0 : i32
      %add3A_26 = arith.addi %add3A_25, %mul3A_24 : i32
      %mul3A_27 = arith.constant 640 : i32
      %mul3A_28 = arith.muli %arg1, %mul3A_27 : i32
      %mul3A_29 = arith.constant 128 : i32
      %mul3A_30 = arith.muli %add3A_26, %mul3A_29 : i32
      %add3A_31 = arith.addi %mul3A_28, %mul3A_30 : i32
      "tpu.region"() ({
        %run_scoped3A = tpu.sem_alloc : memref<!tpu.dma_semaphore, #tpu.memory_space<semaphore_mem>>
        %dma_start3A = tpu.memref_slice %arg4[%add3A_31] : memref<10240xf32, #tpu.memory_space<vmem_shared>> -> memref<128xf32, #tpu.memory_space<vmem_shared>>
        %dma_start3A_32 = tpu.memref_slice %arg4[%add3A_31] : memref<10240xf32, #tpu.memory_space<vmem_shared>> -> memref<128xf32, #tpu.memory_space<vmem_shared>>
        tpu.enqueue_dma source(%arg7 : memref<128xf32, #tpu.memory_space<vmem>>) target(%dma_start3A_32 : memref<128xf32, #tpu.memory_space<vmem_shared>>) target_semaphore(%run_scoped3A : memref<!tpu.dma_semaphore, #tpu.memory_space<semaphore_mem>>)
        %dma_wait3A = tpu.memref_slice %arg4[%add3A_31] : memref<10240xf32, #tpu.memory_space<vmem_shared>> -> memref<128xf32, #tpu.memory_space<vmem_shared>>
        %dma_wait3A_33 = tpu.memref_slice %arg4[%add3A_31] : memref<10240xf32, #tpu.memory_space<vmem_shared>> -> memref<128xf32, #tpu.memory_space<vmem_shared>>
        tpu.wait_dma2 semaphore(%run_scoped3A : memref<!tpu.dma_semaphore, #tpu.memory_space<semaphore_mem>>) src(%arg7 : memref<128xf32, #tpu.memory_space<vmem>>) dst(%dma_wait3A_33 : memref<128xf32, #tpu.memory_space<vmem_shared>>)
        tpu.yield
      }) : () -> ()
    }
    %scan3A_9 = arith.constant 5 : i32
    %mul3A_10 = arith.constant 80 : i32
    %mul3A_11 = arith.muli %add3A, %mul3A_10 : i32
    "tpu.region"() ({
      %run_scoped3A = tpu.sem_alloc : memref<!tpu.dma_semaphore, #tpu.memory_space<semaphore_mem>>
      %dma_start3A = arith.constant 0 : i32
      %dma_start3A_22 = tpu.memref_slice %arg2[%mul3A_11, %dma_start3A] : memref<2560x128xi32, #tpu.memory_space<hbm>> -> memref<80x128xi32, #tpu.memory_space<hbm>>
      %dma_start3A_23 = arith.constant 0 : i32
      %dma_start3A_24 = tpu.memref_slice %arg2[%mul3A_11, %dma_start3A_23] : memref<2560x128xi32, #tpu.memory_space<hbm>> -> memref<80x128xi32, #tpu.memory_space<hbm>>
      tpu.enqueue_dma source(%dma_start3A_24 : memref<80x128xi32, #tpu.memory_space<hbm>>) target(%arg5 : memref<80x128xi32, #tpu.memory_space<vmem>>) target_semaphore(%run_scoped3A : memref<!tpu.dma_semaphore, #tpu.memory_space<semaphore_mem>>)
      %dma_wait3A = arith.constant 0 : i32
      %dma_wait3A_25 = tpu.memref_slice %arg2[%mul3A_11, %dma_wait3A] : memref<2560x128xi32, #tpu.memory_space<hbm>> -> memref<80x128xi32, #tpu.memory_space<hbm>>
      %dma_wait3A_26 = arith.constant 0 : i32
      %dma_wait3A_27 = tpu.memref_slice %arg2[%mul3A_11, %dma_wait3A_26] : memref<2560x128xi32, #tpu.memory_space<hbm>> -> memref<80x128xi32, #tpu.memory_space<hbm>>
      tpu.wait_dma2 semaphore(%run_scoped3A : memref<!tpu.dma_semaphore, #tpu.memory_space<semaphore_mem>>) src(%dma_wait3A_27 : memref<80x128xi32, #tpu.memory_space<hbm>>) dst(%arg5 : memref<80x128xi32, #tpu.memory_space<vmem>>)
      tpu.yield
    }) : () -> ()
    %barrier3A = arith.constant 0 : index
    tpu.barrier barrier_id(%barrier3A)
    %scan3A_12 = arith.constant 0 : i32
    %scan3A_13 = arith.constant 10 : i32
    %scan3A_14 = arith.addi %scan3A_12, %scan3A_13 : i32
    %scan3A_15 = arith.constant 1 : i32
    scf.for %scan3A_22 = %scan3A_12 to %scan3A_14 step %scan3A_15  : i32 {
      %mul3A_23 = arith.constant 8 : i32
      %mul3A_24 = arith.muli %scan3A_22, %mul3A_23 : i32
      %add3A_25 = arith.constant 0 : i32
      %add3A_26 = arith.addi %add3A_25, %mul3A_24 : i32
      %add3A_27 = arith.constant 0 : i32
      %add3A_28 = arith.addi %add3A_26, %add3A_27 : i32
      %dma_start3A = arith.constant 0 : i32
      %dma_start3A_29 = tpu.memref_slice %arg5[%add3A_28, %dma_start3A] : memref<80x128xi32, #tpu.memory_space<vmem>> -> memref<1x128xi32, #tpu.memory_space<vmem>>
      %dma_start3A_30 = tpu.memref_squeeze %dma_start3A_29 : memref<1x128xi32, #tpu.memory_space<vmem>> -> memref<128xi32, #tpu.memory_space<vmem>>
      %dma_start3A_31 = arith.constant 0 : i32
      %dma_start3A_32 = tpu.memref_slice %arg4[%dma_start3A_31] : memref<10240xf32, #tpu.memory_space<vmem_shared>> -> memref<10240xf32, #tpu.memory_space<vmem_shared>>
      tpu.enqueue_indirect_dma source(%arg6 : memref<128xf32, #tpu.memory_space<vmem>>) target(%dma_start3A_32 : memref<10240xf32, #tpu.memory_space<vmem_shared>>) offsets(%dma_start3A_30 : memref<128xi32, #tpu.memory_space<vmem>>) semaphore(%arg8 : memref<!tpu.dma_semaphore, #tpu.memory_space<semaphore_mem>>) {add = true}
      %add3A_33 = arith.constant 1 : i32
      %add3A_34 = arith.addi %add3A_26, %add3A_33 : i32
      %dma_start3A_35 = arith.constant 0 : i32
      %dma_start3A_36 = tpu.memref_slice %arg5[%add3A_34, %dma_start3A_35] : memref<80x128xi32, #tpu.memory_space<vmem>> -> memref<1x128xi32, #tpu.memory_space<vmem>>
      %dma_start3A_37 = tpu.memref_squeeze %dma_start3A_36 : memref<1x128xi32, #tpu.memory_space<vmem>> -> memref<128xi32, #tpu.memory_space<vmem>>
      %dma_start3A_38 = arith.constant 0 : i32
      %dma_start3A_39 = tpu.memref_slice %arg4[%dma_start3A_38] : memref<10240xf32, #tpu.memory_space<vmem_shared>> -> memref<10240xf32, #tpu.memory_space<vmem_shared>>
      tpu.enqueue_indirect_dma source(%arg6 : memref<128xf32, #tpu.memory_space<vmem>>) target(%dma_start3A_39 : memref<10240xf32, #tpu.memory_space<vmem_shared>>) offsets(%dma_start3A_37 : memref<128xi32, #tpu.memory_space<vmem>>) semaphore(%arg8 : memref<!tpu.dma_semaphore, #tpu.memory_space<semaphore_mem>>) {add = true}
      %add3A_40 = arith.constant 2 : i32
      %add3A_41 = arith.addi %add3A_26, %add3A_40 : i32
      %dma_start3A_42 = arith.constant 0 : i32
      %dma_start3A_43 = tpu.memref_slice %arg5[%add3A_41, %dma_start3A_42] : memref<80x128xi32, #tpu.memory_space<vmem>> -> memref<1x128xi32, #tpu.memory_space<vmem>>
      %dma_start3A_44 = tpu.memref_squeeze %dma_start3A_43 : memref<1x128xi32, #tpu.memory_space<vmem>> -> memref<128xi32, #tpu.memory_space<vmem>>
      %dma_start3A_45 = arith.constant 0 : i32
      %dma_start3A_46 = tpu.memref_slice %arg4[%dma_start3A_45] : memref<10240xf32, #tpu.memory_space<vmem_shared>> -> memref<10240xf32, #tpu.memory_space<vmem_shared>>
      tpu.enqueue_indirect_dma source(%arg6 : memref<128xf32, #tpu.memory_space<vmem>>) target(%dma_start3A_46 : memref<10240xf32, #tpu.memory_space<vmem_shared>>) offsets(%dma_start3A_44 : memref<128xi32, #tpu.memory_space<vmem>>) semaphore(%arg8 : memref<!tpu.dma_semaphore, #tpu.memory_space<semaphore_mem>>) {add = true}
      %add3A_47 = arith.constant 3 : i32
      %add3A_48 = arith.addi %add3A_26, %add3A_47 : i32
      %dma_start3A_49 = arith.constant 0 : i32
      %dma_start3A_50 = tpu.memref_slice %arg5[%add3A_48, %dma_start3A_49] : memref<80x128xi32, #tpu.memory_space<vmem>> -> memref<1x128xi32, #tpu.memory_space<vmem>>
      %dma_start3A_51 = tpu.memref_squeeze %dma_start3A_50 : memref<1x128xi32, #tpu.memory_space<vmem>> -> memref<128xi32, #tpu.memory_space<vmem>>
      %dma_start3A_52 = arith.constant 0 : i32
      %dma_start3A_53 = tpu.memref_slice %arg4[%dma_start3A_52] : memref<10240xf32, #tpu.memory_space<vmem_shared>> -> memref<10240xf32, #tpu.memory_space<vmem_shared>>
      tpu.enqueue_indirect_dma source(%arg6 : memref<128xf32, #tpu.memory_space<vmem>>) target(%dma_start3A_53 : memref<10240xf32, #tpu.memory_space<vmem_shared>>) offsets(%dma_start3A_51 : memref<128xi32, #tpu.memory_space<vmem>>) semaphore(%arg8 : memref<!tpu.dma_semaphore, #tpu.memory_space<semaphore_mem>>) {add = true}
      %add3A_54 = arith.constant 4 : i32
      %add3A_55 = arith.addi %add3A_26, %add3A_54 : i32
      %dma_start3A_56 = arith.constant 0 : i32
      %dma_start3A_57 = tpu.memref_slice %arg5[%add3A_55, %dma_start3A_56] : memref<80x128xi32, #tpu.memory_space<vmem>> -> memref<1x128xi32, #tpu.memory_space<vmem>>
      %dma_start3A_58 = tpu.memref_squeeze %dma_start3A_57 : memref<1x128xi32, #tpu.memory_space<vmem>> -> memref<128xi32, #tpu.memory_space<vmem>>
      %dma_start3A_59 = arith.constant 0 : i32
      %dma_start3A_60 = tpu.memref_slice %arg4[%dma_start3A_59] : memref<10240xf32, #tpu.memory_space<vmem_shared>> -> memref<10240xf32, #tpu.memory_space<vmem_shared>>
      tpu.enqueue_indirect_dma source(%arg6 : memref<128xf32, #tpu.memory_space<vmem>>) target(%dma_start3A_60 : memref<10240xf32, #tpu.memory_space<vmem_shared>>) offsets(%dma_start3A_58 : memref<128xi32, #tpu.memory_space<vmem>>) semaphore(%arg8 : memref<!tpu.dma_semaphore, #tpu.memory_space<semaphore_mem>>) {add = true}
      %add3A_61 = arith.constant 5 : i32
      %add3A_62 = arith.addi %add3A_26, %add3A_61 : i32
      %dma_start3A_63 = arith.constant 0 : i32
      %dma_start3A_64 = tpu.memref_slice %arg5[%add3A_62, %dma_start3A_63] : memref<80x128xi32, #tpu.memory_space<vmem>> -> memref<1x128xi32, #tpu.memory_space<vmem>>
      %dma_start3A_65 = tpu.memref_squeeze %dma_start3A_64 : memref<1x128xi32, #tpu.memory_space<vmem>> -> memref<128xi32, #tpu.memory_space<vmem>>
      %dma_start3A_66 = arith.constant 0 : i32
      %dma_start3A_67 = tpu.memref_slice %arg4[%dma_start3A_66] : memref<10240xf32, #tpu.memory_space<vmem_shared>> -> memref<10240xf32, #tpu.memory_space<vmem_shared>>
      tpu.enqueue_indirect_dma source(%arg6 : memref<128xf32, #tpu.memory_space<vmem>>) target(%dma_start3A_67 : memref<10240xf32, #tpu.memory_space<vmem_shared>>) offsets(%dma_start3A_65 : memref<128xi32, #tpu.memory_space<vmem>>) semaphore(%arg8 : memref<!tpu.dma_semaphore, #tpu.memory_space<semaphore_mem>>) {add = true}
      %add3A_68 = arith.constant 6 : i32
      %add3A_69 = arith.addi %add3A_26, %add3A_68 : i32
      %dma_start3A_70 = arith.constant 0 : i32
      %dma_start3A_71 = tpu.memref_slice %arg5[%add3A_69, %dma_start3A_70] : memref<80x128xi32, #tpu.memory_space<vmem>> -> memref<1x128xi32, #tpu.memory_space<vmem>>
      %dma_start3A_72 = tpu.memref_squeeze %dma_start3A_71 : memref<1x128xi32, #tpu.memory_space<vmem>> -> memref<128xi32, #tpu.memory_space<vmem>>
      %dma_start3A_73 = arith.constant 0 : i32
      %dma_start3A_74 = tpu.memref_slice %arg4[%dma_start3A_73] : memref<10240xf32, #tpu.memory_space<vmem_shared>> -> memref<10240xf32, #tpu.memory_space<vmem_shared>>
      tpu.enqueue_indirect_dma source(%arg6 : memref<128xf32, #tpu.memory_space<vmem>>) target(%dma_start3A_74 : memref<10240xf32, #tpu.memory_space<vmem_shared>>) offsets(%dma_start3A_72 : memref<128xi32, #tpu.memory_space<vmem>>) semaphore(%arg8 : memref<!tpu.dma_semaphore, #tpu.memory_space<semaphore_mem>>) {add = true}
      %add3A_75 = arith.constant 7 : i32
      %add3A_76 = arith.addi %add3A_26, %add3A_75 : i32
      %dma_start3A_77 = arith.constant 0 : i32
      %dma_start3A_78 = tpu.memref_slice %arg5[%add3A_76, %dma_start3A_77] : memref<80x128xi32, #tpu.memory_space<vmem>> -> memref<1x128xi32, #tpu.memory_space<vmem>>
      %dma_start3A_79 = tpu.memref_squeeze %dma_start3A_78 : memref<1x128xi32, #tpu.memory_space<vmem>> -> memref<128xi32, #tpu.memory_space<vmem>>
      %dma_start3A_80 = arith.constant 0 : i32
      %dma_start3A_81 = tpu.memref_slice %arg4[%dma_start3A_80] : memref<10240xf32, #tpu.memory_space<vmem_shared>> -> memref<10240xf32, #tpu.memory_space<vmem_shared>>
      tpu.enqueue_indirect_dma source(%arg6 : memref<128xf32, #tpu.memory_space<vmem>>) target(%dma_start3A_81 : memref<10240xf32, #tpu.memory_space<vmem_shared>>) offsets(%dma_start3A_79 : memref<128xi32, #tpu.memory_space<vmem>>) semaphore(%arg8 : memref<!tpu.dma_semaphore, #tpu.memory_space<semaphore_mem>>) {add = true}
      %add3A_82 = arith.constant 0 : i32
      %add3A_83 = arith.addi %add3A_26, %add3A_82 : i32
      %dma_wait3A = arith.constant 0 : i32
      %dma_wait3A_84 = tpu.memref_slice %arg5[%add3A_83, %dma_wait3A] : memref<80x128xi32, #tpu.memory_space<vmem>> -> memref<1x128xi32, #tpu.memory_space<vmem>>
      %dma_wait3A_85 = tpu.memref_squeeze %dma_wait3A_84 : memref<1x128xi32, #tpu.memory_space<vmem>> -> memref<128xi32, #tpu.memory_space<vmem>>
      %dma_wait3A_86 = arith.constant 0 : i32
      %dma_wait3A_87 = tpu.memref_slice %arg4[%dma_wait3A_86] : memref<10240xf32, #tpu.memory_space<vmem_shared>> -> memref<10240xf32, #tpu.memory_space<vmem_shared>>
      tpu.wait_indirect_dma semaphore(%arg8 : memref<!tpu.dma_semaphore, #tpu.memory_space<semaphore_mem>>) src(%arg6 : memref<128xf32, #tpu.memory_space<vmem>>) dst(%dma_wait3A_87 : memref<10240xf32, #tpu.memory_space<vmem_shared>>)
      %add3A_88 = arith.constant 1 : i32
      %add3A_89 = arith.addi %add3A_26, %add3A_88 : i32
      %dma_wait3A_90 = arith.constant 0 : i32
      %dma_wait3A_91 = tpu.memref_slice %arg5[%add3A_89, %dma_wait3A_90] : memref<80x128xi32, #tpu.memory_space<vmem>> -> memref<1x128xi32, #tpu.memory_space<vmem>>
      %dma_wait3A_92 = tpu.memref_squeeze %dma_wait3A_91 : memref<1x128xi32, #tpu.memory_space<vmem>> -> memref<128xi32, #tpu.memory_space<vmem>>
      %dma_wait3A_93 = arith.constant 0 : i32
      %dma_wait3A_94 = tpu.memref_slice %arg4[%dma_wait3A_93] : memref<10240xf32, #tpu.memory_space<vmem_shared>> -> memref<10240xf32, #tpu.memory_space<vmem_shared>>
      tpu.wait_indirect_dma semaphore(%arg8 : memref<!tpu.dma_semaphore, #tpu.memory_space<semaphore_mem>>) src(%arg6 : memref<128xf32, #tpu.memory_space<vmem>>) dst(%dma_wait3A_94 : memref<10240xf32, #tpu.memory_space<vmem_shared>>)
      %add3A_95 = arith.constant 2 : i32
      %add3A_96 = arith.addi %add3A_26, %add3A_95 : i32
      %dma_wait3A_97 = arith.constant 0 : i32
      %dma_wait3A_98 = tpu.memref_slice %arg5[%add3A_96, %dma_wait3A_97] : memref<80x128xi32, #tpu.memory_space<vmem>> -> memref<1x128xi32, #tpu.memory_space<vmem>>
      %dma_wait3A_99 = tpu.memref_squeeze %dma_wait3A_98 : memref<1x128xi32, #tpu.memory_space<vmem>> -> memref<128xi32, #tpu.memory_space<vmem>>
      %dma_wait3A_100 = arith.constant 0 : i32
      %dma_wait3A_101 = tpu.memref_slice %arg4[%dma_wait3A_100] : memref<10240xf32, #tpu.memory_space<vmem_shared>> -> memref<10240xf32, #tpu.memory_space<vmem_shared>>
      tpu.wait_indirect_dma semaphore(%arg8 : memref<!tpu.dma_semaphore, #tpu.memory_space<semaphore_mem>>) src(%arg6 : memref<128xf32, #tpu.memory_space<vmem>>) dst(%dma_wait3A_101 : memref<10240xf32, #tpu.memory_space<vmem_shared>>)
      %add3A_102 = arith.constant 3 : i32
      %add3A_103 = arith.addi %add3A_26, %add3A_102 : i32
      %dma_wait3A_104 = arith.constant 0 : i32
      %dma_wait3A_105 = tpu.memref_slice %arg5[%add3A_103, %dma_wait3A_104] : memref<80x128xi32, #tpu.memory_space<vmem>> -> memref<1x128xi32, #tpu.memory_space<vmem>>
      %dma_wait3A_106 = tpu.memref_squeeze %dma_wait3A_105 : memref<1x128xi32, #tpu.memory_space<vmem>> -> memref<128xi32, #tpu.memory_space<vmem>>
      %dma_wait3A_107 = arith.constant 0 : i32
      %dma_wait3A_108 = tpu.memref_slice %arg4[%dma_wait3A_107] : memref<10240xf32, #tpu.memory_space<vmem_shared>> -> memref<10240xf32, #tpu.memory_space<vmem_shared>>
      tpu.wait_indirect_dma semaphore(%arg8 : memref<!tpu.dma_semaphore, #tpu.memory_space<semaphore_mem>>) src(%arg6 : memref<128xf32, #tpu.memory_space<vmem>>) dst(%dma_wait3A_108 : memref<10240xf32, #tpu.memory_space<vmem_shared>>)
      %add3A_109 = arith.constant 4 : i32
      %add3A_110 = arith.addi %add3A_26, %add3A_109 : i32
      %dma_wait3A_111 = arith.constant 0 : i32
      %dma_wait3A_112 = tpu.memref_slice %arg5[%add3A_110, %dma_wait3A_111] : memref<80x128xi32, #tpu.memory_space<vmem>> -> memref<1x128xi32, #tpu.memory_space<vmem>>
      %dma_wait3A_113 = tpu.memref_squeeze %dma_wait3A_112 : memref<1x128xi32, #tpu.memory_space<vmem>> -> memref<128xi32, #tpu.memory_space<vmem>>
      %dma_wait3A_114 = arith.constant 0 : i32
      %dma_wait3A_115 = tpu.memref_slice %arg4[%dma_wait3A_114] : memref<10240xf32, #tpu.memory_space<vmem_shared>> -> memref<10240xf32, #tpu.memory_space<vmem_shared>>
      tpu.wait_indirect_dma semaphore(%arg8 : memref<!tpu.dma_semaphore, #tpu.memory_space<semaphore_mem>>) src(%arg6 : memref<128xf32, #tpu.memory_space<vmem>>) dst(%dma_wait3A_115 : memref<10240xf32, #tpu.memory_space<vmem_shared>>)
      %add3A_116 = arith.constant 5 : i32
      %add3A_117 = arith.addi %add3A_26, %add3A_116 : i32
      %dma_wait3A_118 = arith.constant 0 : i32
      %dma_wait3A_119 = tpu.memref_slice %arg5[%add3A_117, %dma_wait3A_118] : memref<80x128xi32, #tpu.memory_space<vmem>> -> memref<1x128xi32, #tpu.memory_space<vmem>>
      %dma_wait3A_120 = tpu.memref_squeeze %dma_wait3A_119 : memref<1x128xi32, #tpu.memory_space<vmem>> -> memref<128xi32, #tpu.memory_space<vmem>>
      %dma_wait3A_121 = arith.constant 0 : i32
      %dma_wait3A_122 = tpu.memref_slice %arg4[%dma_wait3A_121] : memref<10240xf32, #tpu.memory_space<vmem_shared>> -> memref<10240xf32, #tpu.memory_space<vmem_shared>>
      tpu.wait_indirect_dma semaphore(%arg8 : memref<!tpu.dma_semaphore, #tpu.memory_space<semaphore_mem>>) src(%arg6 : memref<128xf32, #tpu.memory_space<vmem>>) dst(%dma_wait3A_122 : memref<10240xf32, #tpu.memory_space<vmem_shared>>)
      %add3A_123 = arith.constant 6 : i32
      %add3A_124 = arith.addi %add3A_26, %add3A_123 : i32
      %dma_wait3A_125 = arith.constant 0 : i32
      %dma_wait3A_126 = tpu.memref_slice %arg5[%add3A_124, %dma_wait3A_125] : memref<80x128xi32, #tpu.memory_space<vmem>> -> memref<1x128xi32, #tpu.memory_space<vmem>>
      %dma_wait3A_127 = tpu.memref_squeeze %dma_wait3A_126 : memref<1x128xi32, #tpu.memory_space<vmem>> -> memref<128xi32, #tpu.memory_space<vmem>>
      %dma_wait3A_128 = arith.constant 0 : i32
      %dma_wait3A_129 = tpu.memref_slice %arg4[%dma_wait3A_128] : memref<10240xf32, #tpu.memory_space<vmem_shared>> -> memref<10240xf32, #tpu.memory_space<vmem_shared>>
      tpu.wait_indirect_dma semaphore(%arg8 : memref<!tpu.dma_semaphore, #tpu.memory_space<semaphore_mem>>) src(%arg6 : memref<128xf32, #tpu.memory_space<vmem>>) dst(%dma_wait3A_129 : memref<10240xf32, #tpu.memory_space<vmem_shared>>)
      %add3A_130 = arith.constant 7 : i32
      %add3A_131 = arith.addi %add3A_26, %add3A_130 : i32
      %dma_wait3A_132 = arith.constant 0 : i32
      %dma_wait3A_133 = tpu.memref_slice %arg5[%add3A_131, %dma_wait3A_132] : memref<80x128xi32, #tpu.memory_space<vmem>> -> memref<1x128xi32, #tpu.memory_space<vmem>>
      %dma_wait3A_134 = tpu.memref_squeeze %dma_wait3A_133 : memref<1x128xi32, #tpu.memory_space<vmem>> -> memref<128xi32, #tpu.memory_space<vmem>>
      %dma_wait3A_135 = arith.constant 0 : i32
      %dma_wait3A_136 = tpu.memref_slice %arg4[%dma_wait3A_135] : memref<10240xf32, #tpu.memory_space<vmem_shared>> -> memref<10240xf32, #tpu.memory_space<vmem_shared>>
      tpu.wait_indirect_dma semaphore(%arg8 : memref<!tpu.dma_semaphore, #tpu.memory_space<semaphore_mem>>) src(%arg6 : memref<128xf32, #tpu.memory_space<vmem>>) dst(%dma_wait3A_136 : memref<10240xf32, #tpu.memory_space<vmem_shared>>)
    }
    %scan3A_16 = arith.constant 10 : i32
    %barrier3A_17 = arith.constant 0 : index
    tpu.barrier barrier_id(%barrier3A_17)
    %mul3A_18 = arith.constant 640 : i32
    %mul3A_19 = arith.muli %arg1, %mul3A_18 : i32
    %mul3A_20 = arith.constant 640 : i32
    %mul3A_21 = arith.muli %arg1, %mul3A_20 : i32
    "tpu.region"() ({
      %run_scoped3A = tpu.sem_alloc : memref<!tpu.dma_semaphore, #tpu.memory_space<semaphore_mem>>
      %dma_start3A = tpu.memref_slice %arg3[%arg0, %mul3A_21] : memref<2x10240xf32, #tpu.memory_space<hbm>> -> memref<1x640xf32, #tpu.memory_space<hbm>>
      %dma_start3A_22 = tpu.memref_squeeze %dma_start3A : memref<1x640xf32, #tpu.memory_space<hbm>> -> memref<640xf32, #tpu.memory_space<hbm>>
      %dma_start3A_23 = tpu.memref_slice %arg4[%mul3A_19] : memref<10240xf32, #tpu.memory_space<vmem_shared>> -> memref<640xf32, #tpu.memory_space<vmem_shared>>
      tpu.enqueue_dma source(%dma_start3A_23 : memref<640xf32, #tpu.memory_space<vmem_shared>>) target(%dma_start3A_22 : memref<640xf32, #tpu.memory_space<hbm>>) target_semaphore(%run_scoped3A : memref<!tpu.dma_semaphore, #tpu.memory_space<semaphore_mem>>)
      %dma_wait3A = tpu.memref_slice %arg3[%arg0, %mul3A_21] : memref<2x10240xf32, #tpu.memory_space<hbm>> -> memref<1x640xf32, #tpu.memory_space<hbm>>
      %dma_wait3A_24 = tpu.memref_squeeze %dma_wait3A : memref<1x640xf32, #tpu.memory_space<hbm>> -> memref<640xf32, #tpu.memory_space<hbm>>
      %dma_wait3A_25 = tpu.memref_slice %arg4[%mul3A_19] : memref<10240xf32, #tpu.memory_space<vmem_shared>> -> memref<640xf32, #tpu.memory_space<vmem_shared>>
      tpu.wait_dma2 semaphore(%run_scoped3A : memref<!tpu.dma_semaphore, #tpu.memory_space<semaphore_mem>>) src(%dma_wait3A_25 : memref<640xf32, #tpu.memory_space<vmem_shared>>) dst(%dma_wait3A_24 : memref<640xf32, #tpu.memory_space<hbm>>)
      tpu.yield
    }) : () -> ()
    return
  }
}

#map = affine_map<(d0, d1) -> (0, 0)>
#map1 = affine_map<(d0, d1) -> (0)>
module attributes {stable_mosaic.version = 14 : i64} {
  func.func @_agg_body(%arg0: i32, %arg1: i32, %arg2: memref<10240x128xf32, #tpu.memory_space<hbm>>, %arg3: memref<10240x128xf32, #tpu.memory_space<hbm>>, %arg4: memref<327680xi32, #tpu.memory_space<hbm>>, %arg5: memref<5120x64xi32, #tpu.memory_space<hbm>>, %arg6: memref<10240x128xf32, #tpu.memory_space<hbm>>, %arg7: memref<10240x128xf32, #tpu.memory_space<hbm>>, %arg8: memref<10240x128xf32, #tpu.memory_space<vmem_shared>>, %arg9: memref<5120xi32, #tpu.memory_space<vmem>>, %arg10: memref<80x64xi32, #tpu.memory_space<vmem>>, %arg11: memref<256x128xf32, #tpu.memory_space<vmem>>, %arg12: memref<!tpu.dma_semaphore, #tpu.memory_space<semaphore_mem>>, %arg13: memref<!tpu.dma_semaphore, #tpu.memory_space<semaphore_mem>>, %arg14: memref<!tpu.dma_semaphore, #tpu.memory_space<semaphore_mem>>, %arg15: memref<!tpu.dma_semaphore, #tpu.memory_space<semaphore_mem>>) attributes {dimension_semantics = [#tpu.dimension_semantics<core_parallel>, #tpu.dimension_semantics<subcore_parallel>], iteration_bounds = array<i64: 2, 16>, scalar_prefetch = 0 : i64, scratch_operands = 8 : i64, tpu.core_type = #tpu.core_type<sc_vector_subcore>, window_params = [{transform_indices = #map}, {transform_indices = #map}, {transform_indices = #map1}, {transform_indices = #map}, {transform_indices = #map}, {transform_indices = #map}]} {
    %scan3A = arith.constant 0 : i32
    %scan3A_0 = arith.constant 256 : i32
    %scan3A_1 = arith.addi %scan3A, %scan3A_0 : i32
    %scan3A_2 = arith.constant 1 : i32
    scf.for %scan3A_22 = %scan3A to %scan3A_1 step %scan3A_2  : i32 {
      %mul3A = arith.constant 1 : i32
      %mul3A_23 = arith.muli %scan3A_22, %mul3A : i32
      %add3A = arith.constant 0 : i32
      %add3A_24 = arith.addi %add3A, %mul3A_23 : i32
      %scan3A_25 = arith.constant 0 : i32
      %scan3A_26 = arith.constant 8 : i32
      %scan3A_27 = arith.addi %scan3A_25, %scan3A_26 : i32
      %scan3A_28 = arith.constant 1 : i32
      scf.for %scan3A_30 = %scan3A_25 to %scan3A_27 step %scan3A_28  : i32 {
        %mul3A_31 = arith.constant 16 : i32
        %mul3A_32 = arith.muli %scan3A_30, %mul3A_31 : i32
        %add3A_33 = arith.constant 0 : i32
        %add3A_34 = arith.addi %add3A_33, %mul3A_32 : i32
        %broadcast_in_dim3A = arith.constant 0.000000e+00 : f32
        %broadcast_in_dim3A_35 = vector.broadcast %broadcast_in_dim3A : f32 to vector<16xf32>
        %swap3A = arith.index_cast %add3A_24 : i32 to index
        %swap3A_36 = arith.index_cast %add3A_34 : i32 to index
        %swap3A_37 = tpu.vector_load %arg11[%swap3A, %swap3A_36] {strides = array<i32>} : memref<256x128xf32, #tpu.memory_space<vmem>>, vector<1x16xf32>,
        %swap3A_38 = vector.shape_cast %swap3A_37 : vector<1x16xf32> to vector<16xf32>
        %swap3A_39 = vector.shape_cast %broadcast_in_dim3A_35 : vector<16xf32> to vector<1x16xf32>
        tpu.vector_store %arg11[%swap3A, %swap3A_36], %swap3A_39 {strides = array<i32>} : memref<256x128xf32, #tpu.memory_space<vmem>>, vector<1x16xf32>,
      }
      %scan3A_29 = arith.constant 8 : i32
    }
    %scan3A_3 = arith.constant 256 : i32
    %scan3A_4 = arith.constant 0 : i32
    %scan3A_5 = arith.constant 5 : i32
    %scan3A_6 = arith.addi %scan3A_4, %scan3A_5 : i32
    %scan3A_7 = arith.constant 1 : i32
    scf.for %scan3A_22 = %scan3A_4 to %scan3A_6 step %scan3A_7  : i32 {
      %mul3A = arith.constant 1 : i32
      %mul3A_23 = arith.muli %scan3A_22, %mul3A : i32
      %add3A = arith.constant 0 : i32
      %add3A_24 = arith.addi %add3A, %mul3A_23 : i32
      %mul3A_25 = arith.constant 640 : i32
      %mul3A_26 = arith.muli %arg1, %mul3A_25 : i32
      %mul3A_27 = arith.constant 128 : i32
      %mul3A_28 = arith.muli %add3A_24, %mul3A_27 : i32
      %add3A_29 = arith.addi %mul3A_26, %mul3A_28 : i32
      "tpu.region"() ({
        %run_scoped3A = tpu.sem_alloc : memref<!tpu.dma_semaphore, #tpu.memory_space<semaphore_mem>>
        %dma_start3A = arith.constant 0 : i32
        %dma_start3A_30 = arith.constant 0 : i32
        %dma_start3A_31 = tpu.memref_slice %arg11[%dma_start3A, %dma_start3A_30] : memref<256x128xf32, #tpu.memory_space<vmem>> -> memref<128x128xf32, #tpu.memory_space<vmem>>
        %dma_start3A_32 = arith.constant 0 : i32
        %dma_start3A_33 = tpu.memref_slice %arg8[%add3A_29, %dma_start3A_32] : memref<10240x128xf32, #tpu.memory_space<vmem_shared>> -> memref<128x128xf32, #tpu.memory_space<vmem_shared>>
        %dma_start3A_34 = arith.constant 0 : i32
        %dma_start3A_35 = tpu.memref_slice %arg8[%add3A_29, %dma_start3A_34] : memref<10240x128xf32, #tpu.memory_space<vmem_shared>> -> memref<128x128xf32, #tpu.memory_space<vmem_shared>>
        %dma_start3A_36 = arith.constant 0 : i32
        %dma_start3A_37 = arith.constant 0 : i32
        %dma_start3A_38 = tpu.memref_slice %arg11[%dma_start3A_36, %dma_start3A_37] : memref<256x128xf32, #tpu.memory_space<vmem>> -> memref<128x128xf32, #tpu.memory_space<vmem>>
        tpu.enqueue_dma source(%dma_start3A_38 : memref<128x128xf32, #tpu.memory_space<vmem>>) target(%dma_start3A_35 : memref<128x128xf32, #tpu.memory_space<vmem_shared>>) target_semaphore(%run_scoped3A : memref<!tpu.dma_semaphore, #tpu.memory_space<semaphore_mem>>)
        %dma_wait3A = arith.constant 0 : i32
        %dma_wait3A_39 = arith.constant 0 : i32
        %dma_wait3A_40 = tpu.memref_slice %arg11[%dma_wait3A, %dma_wait3A_39] : memref<256x128xf32, #tpu.memory_space<vmem>> -> memref<128x128xf32, #tpu.memory_space<vmem>>
        %dma_wait3A_41 = arith.constant 0 : i32
        %dma_wait3A_42 = tpu.memref_slice %arg8[%add3A_29, %dma_wait3A_41] : memref<10240x128xf32, #tpu.memory_space<vmem_shared>> -> memref<128x128xf32, #tpu.memory_space<vmem_shared>>
        %dma_wait3A_43 = arith.constant 0 : i32
        %dma_wait3A_44 = tpu.memref_slice %arg8[%add3A_29, %dma_wait3A_43] : memref<10240x128xf32, #tpu.memory_space<vmem_shared>> -> memref<128x128xf32, #tpu.memory_space<vmem_shared>>
        %dma_wait3A_45 = arith.constant 0 : i32
        %dma_wait3A_46 = arith.constant 0 : i32
        %dma_wait3A_47 = tpu.memref_slice %arg11[%dma_wait3A_45, %dma_wait3A_46] : memref<256x128xf32, #tpu.memory_space<vmem>> -> memref<128x128xf32, #tpu.memory_space<vmem>>
        tpu.wait_dma2 semaphore(%run_scoped3A : memref<!tpu.dma_semaphore, #tpu.memory_space<semaphore_mem>>) src(%dma_wait3A_47 : memref<128x128xf32, #tpu.memory_space<vmem>>) dst(%dma_wait3A_44 : memref<128x128xf32, #tpu.memory_space<vmem_shared>>)
        tpu.yield
      }) : () -> ()
    }
    %scan3A_8 = arith.constant 5 : i32
    %barrier3A = arith.constant 0 : index
    tpu.barrier barrier_id(%barrier3A)
    %scan3A_9 = arith.constant 0 : i32
    %scan3A_10 = arith.constant 4 : i32
    %scan3A_11 = arith.addi %scan3A_9, %scan3A_10 : i32
    %scan3A_12 = arith.constant 1 : i32
    scf.for %scan3A_22 = %scan3A_9 to %scan3A_11 step %scan3A_12  : i32 {
      %mul3A = arith.constant 1 : i32
      %mul3A_23 = arith.muli %scan3A_22, %mul3A : i32
      %add3A = arith.constant 0 : i32
      %add3A_24 = arith.addi %add3A, %mul3A_23 : i32
      %mul3A_25 = arith.constant 320 : i32
      %mul3A_26 = arith.muli %arg1, %mul3A_25 : i32
      %mul3A_27 = arith.constant 80 : i32
      %mul3A_28 = arith.muli %add3A_24, %mul3A_27 : i32
      %add3A_29 = arith.addi %mul3A_26, %mul3A_28 : i32
      %mul3A_30 = arith.constant 64 : i32
      %mul3A_31 = arith.muli %add3A_29, %mul3A_30 : i32
      "tpu.region"() ({
        %run_scoped3A = tpu.sem_alloc : memref<!tpu.dma_semaphore, #tpu.memory_space<semaphore_mem>>
        %dma_start3A = tpu.memref_slice %arg4[%mul3A_31] : memref<327680xi32, #tpu.memory_space<hbm>> -> memref<5120xi32, #tpu.memory_space<hbm>>
        %dma_start3A_77 = tpu.memref_slice %arg4[%mul3A_31] : memref<327680xi32, #tpu.memory_space<hbm>> -> memref<5120xi32, #tpu.memory_space<hbm>>
        tpu.enqueue_dma source(%dma_start3A_77 : memref<5120xi32, #tpu.memory_space<hbm>>) target(%arg9 : memref<5120xi32, #tpu.memory_space<vmem>>) target_semaphore(%run_scoped3A : memref<!tpu.dma_semaphore, #tpu.memory_space<semaphore_mem>>)
        %dma_wait3A = tpu.memref_slice %arg4[%mul3A_31] : memref<327680xi32, #tpu.memory_space<hbm>> -> memref<5120xi32, #tpu.memory_space<hbm>>
        %dma_wait3A_78 = tpu.memref_slice %arg4[%mul3A_31] : memref<327680xi32, #tpu.memory_space<hbm>> -> memref<5120xi32, #tpu.memory_space<hbm>>
        tpu.wait_dma2 semaphore(%run_scoped3A : memref<!tpu.dma_semaphore, #tpu.memory_space<semaphore_mem>>) src(%dma_wait3A_78 : memref<5120xi32, #tpu.memory_space<hbm>>) dst(%arg9 : memref<5120xi32, #tpu.memory_space<vmem>>)
        tpu.yield
      }) : () -> ()
      "tpu.region"() ({
        %run_scoped3A = tpu.sem_alloc : memref<!tpu.dma_semaphore, #tpu.memory_space<semaphore_mem>>
        %dma_start3A = arith.constant 0 : i32
        %dma_start3A_77 = tpu.memref_slice %arg5[%add3A_29, %dma_start3A] : memref<5120x64xi32, #tpu.memory_space<hbm>> -> memref<80x64xi32, #tpu.memory_space<hbm>>
        %dma_start3A_78 = arith.constant 0 : i32
        %dma_start3A_79 = tpu.memref_slice %arg5[%add3A_29, %dma_start3A_78] : memref<5120x64xi32, #tpu.memory_space<hbm>> -> memref<80x64xi32, #tpu.memory_space<hbm>>
        tpu.enqueue_dma source(%dma_start3A_79 : memref<80x64xi32, #tpu.memory_space<hbm>>) target(%arg10 : memref<80x64xi32, #tpu.memory_space<vmem>>) target_semaphore(%run_scoped3A : memref<!tpu.dma_semaphore, #tpu.memory_space<semaphore_mem>>)
        %dma_wait3A = arith.constant 0 : i32
        %dma_wait3A_80 = tpu.memref_slice %arg5[%add3A_29, %dma_wait3A] : memref<5120x64xi32, #tpu.memory_space<hbm>> -> memref<80x64xi32, #tpu.memory_space<hbm>>
        %dma_wait3A_81 = arith.constant 0 : i32
        %dma_wait3A_82 = tpu.memref_slice %arg5[%add3A_29, %dma_wait3A_81] : memref<5120x64xi32, #tpu.memory_space<hbm>> -> memref<80x64xi32, #tpu.memory_space<hbm>>
        tpu.wait_dma2 semaphore(%run_scoped3A : memref<!tpu.dma_semaphore, #tpu.memory_space<semaphore_mem>>) src(%dma_wait3A_82 : memref<80x64xi32, #tpu.memory_space<hbm>>) dst(%arg10 : memref<80x64xi32, #tpu.memory_space<vmem>>)
        tpu.yield
      }) : () -> ()
      %eq3A_32 = arith.constant 0 : i32
      %eq3A_33 = arith.cmpi eq, %arg0, %eq3A_32 : i32
      %convert_element_type3A_34 = arith.extui %eq3A_33 : i1 to i32
      %cond3A_35 = arith.constant 0 : i32
      %cond3A_36 = arith.cmpi ne, %convert_element_type3A_34, %cond3A_35 : i32
      scf.if %cond3A_36 {
        %dma_start3A = arith.constant 0 : i32
        %dma_start3A_77 = arith.constant 0 : i32
        %dma_start3A_78 = tpu.memref_slice %arg11[%dma_start3A, %dma_start3A_77] : memref<256x128xf32, #tpu.memory_space<vmem>> -> memref<64x128xf32, #tpu.memory_space<vmem>>
        %dma_start3A_79 = arith.constant 0 : i32
        %dma_start3A_80 = tpu.memref_slice %arg9[%dma_start3A_79] : memref<5120xi32, #tpu.memory_space<vmem>> -> memref<64xi32, #tpu.memory_space<vmem>>
        %dma_start3A_81 = arith.constant 0 : i32
        %dma_start3A_82 = arith.constant 0 : i32
        %dma_start3A_83 = tpu.memref_slice %arg2[%dma_start3A_81, %dma_start3A_82] : memref<10240x128xf32, #tpu.memory_space<hbm>> -> memref<10240x128xf32, #tpu.memory_space<hbm>>
        tpu.enqueue_indirect_dma source(%dma_start3A_83 : memref<10240x128xf32, #tpu.memory_space<hbm>>) target(%dma_start3A_78 : memref<64x128xf32, #tpu.memory_space<vmem>>) offsets(%dma_start3A_80 : memref<64xi32, #tpu.memory_space<vmem>>) semaphore(%arg12 : memref<!tpu.dma_semaphore, #tpu.memory_space<semaphore_mem>>)
      } else {
      }
      %eq3A_37 = arith.constant 1 : i32
      %eq3A_38 = arith.cmpi eq, %arg0, %eq3A_37 : i32
      %convert_element_type3A_39 = arith.extui %eq3A_38 : i1 to i32
      %cond3A_40 = arith.constant 0 : i32
      %cond3A_41 = arith.cmpi ne, %convert_element_type3A_39, %cond3A_40 : i32
      scf.if %cond3A_41 {
        %dma_start3A = arith.constant 0 : i32
        %dma_start3A_77 = arith.constant 0 : i32
        %dma_start3A_78 = tpu.memref_slice %arg11[%dma_start3A, %dma_start3A_77] : memref<256x128xf32, #tpu.memory_space<vmem>> -> memref<64x128xf32, #tpu.memory_space<vmem>>
        %dma_start3A_79 = arith.constant 0 : i32
        %dma_start3A_80 = tpu.memref_slice %arg9[%dma_start3A_79] : memref<5120xi32, #tpu.memory_space<vmem>> -> memref<64xi32, #tpu.memory_space<vmem>>
        %dma_start3A_81 = arith.constant 0 : i32
        %dma_start3A_82 = arith.constant 0 : i32
        %dma_start3A_83 = tpu.memref_slice %arg3[%dma_start3A_81, %dma_start3A_82] : memref<10240x128xf32, #tpu.memory_space<hbm>> -> memref<10240x128xf32, #tpu.memory_space<hbm>>
        tpu.enqueue_indirect_dma source(%dma_start3A_83 : memref<10240x128xf32, #tpu.memory_space<hbm>>) target(%dma_start3A_78 : memref<64x128xf32, #tpu.memory_space<vmem>>) offsets(%dma_start3A_80 : memref<64xi32, #tpu.memory_space<vmem>>) semaphore(%arg12 : memref<!tpu.dma_semaphore, #tpu.memory_space<semaphore_mem>>)
      } else {
      }
      %eq3A_42 = arith.constant 0 : i32
      %eq3A_43 = arith.cmpi eq, %arg0, %eq3A_42 : i32
      %convert_element_type3A_44 = arith.extui %eq3A_43 : i1 to i32
      %cond3A_45 = arith.constant 0 : i32
      %cond3A_46 = arith.cmpi ne, %convert_element_type3A_44, %cond3A_45 : i32
      scf.if %cond3A_46 {
        %dma_start3A = arith.constant 64 : i32
        %dma_start3A_77 = arith.constant 0 : i32
        %dma_start3A_78 = tpu.memref_slice %arg11[%dma_start3A, %dma_start3A_77] : memref<256x128xf32, #tpu.memory_space<vmem>> -> memref<64x128xf32, #tpu.memory_space<vmem>>
        %dma_start3A_79 = arith.constant 64 : i32
        %dma_start3A_80 = tpu.memref_slice %arg9[%dma_start3A_79] : memref<5120xi32, #tpu.memory_space<vmem>> -> memref<64xi32, #tpu.memory_space<vmem>>
        %dma_start3A_81 = arith.constant 0 : i32
        %dma_start3A_82 = arith.constant 0 : i32
        %dma_start3A_83 = tpu.memref_slice %arg2[%dma_start3A_81, %dma_start3A_82] : memref<10240x128xf32, #tpu.memory_space<hbm>> -> memref<10240x128xf32, #tpu.memory_space<hbm>>
        tpu.enqueue_indirect_dma source(%dma_start3A_83 : memref<10240x128xf32, #tpu.memory_space<hbm>>) target(%dma_start3A_78 : memref<64x128xf32, #tpu.memory_space<vmem>>) offsets(%dma_start3A_80 : memref<64xi32, #tpu.memory_space<vmem>>) semaphore(%arg13 : memref<!tpu.dma_semaphore, #tpu.memory_space<semaphore_mem>>)
      } else {
      }
      %eq3A_47 = arith.constant 1 : i32
      %eq3A_48 = arith.cmpi eq, %arg0, %eq3A_47 : i32
      %convert_element_type3A_49 = arith.extui %eq3A_48 : i1 to i32
      %cond3A_50 = arith.constant 0 : i32
      %cond3A_51 = arith.cmpi ne, %convert_element_type3A_49, %cond3A_50 : i32
      scf.if %cond3A_51 {
        %dma_start3A = arith.constant 64 : i32
        %dma_start3A_77 = arith.constant 0 : i32
        %dma_start3A_78 = tpu.memref_slice %arg11[%dma_start3A, %dma_start3A_77] : memref<256x128xf32, #tpu.memory_space<vmem>> -> memref<64x128xf32, #tpu.memory_space<vmem>>
        %dma_start3A_79 = arith.constant 64 : i32
        %dma_start3A_80 = tpu.memref_slice %arg9[%dma_start3A_79] : memref<5120xi32, #tpu.memory_space<vmem>> -> memref<64xi32, #tpu.memory_space<vmem>>
        %dma_start3A_81 = arith.constant 0 : i32
        %dma_start3A_82 = arith.constant 0 : i32
        %dma_start3A_83 = tpu.memref_slice %arg3[%dma_start3A_81, %dma_start3A_82] : memref<10240x128xf32, #tpu.memory_space<hbm>> -> memref<10240x128xf32, #tpu.memory_space<hbm>>
        tpu.enqueue_indirect_dma source(%dma_start3A_83 : memref<10240x128xf32, #tpu.memory_space<hbm>>) target(%dma_start3A_78 : memref<64x128xf32, #tpu.memory_space<vmem>>) offsets(%dma_start3A_80 : memref<64xi32, #tpu.memory_space<vmem>>) semaphore(%arg13 : memref<!tpu.dma_semaphore, #tpu.memory_space<semaphore_mem>>)
      } else {
      }
      %eq3A_52 = arith.constant 0 : i32
      %eq3A_53 = arith.cmpi eq, %arg0, %eq3A_52 : i32
      %convert_element_type3A_54 = arith.extui %eq3A_53 : i1 to i32
      %cond3A_55 = arith.constant 0 : i32
      %cond3A_56 = arith.cmpi ne, %convert_element_type3A_54, %cond3A_55 : i32
      scf.if %cond3A_56 {
        %dma_start3A = arith.constant 128 : i32
        %dma_start3A_77 = arith.constant 0 : i32
        %dma_start3A_78 = tpu.memref_slice %arg11[%dma_start3A, %dma_start3A_77] : memref<256x128xf32, #tpu.memory_space<vmem>> -> memref<64x128xf32, #tpu.memory_space<vmem>>
        %dma_start3A_79 = arith.constant 128 : i32
        %dma_start3A_80 = tpu.memref_slice %arg9[%dma_start3A_79] : memref<5120xi32, #tpu.memory_space<vmem>> -> memref<64xi32, #tpu.memory_space<vmem>>
        %dma_start3A_81 = arith.constant 0 : i32
        %dma_start3A_82 = arith.constant 0 : i32
        %dma_start3A_83 = tpu.memref_slice %arg2[%dma_start3A_81, %dma_start3A_82] : memref<10240x128xf32, #tpu.memory_space<hbm>> -> memref<10240x128xf32, #tpu.memory_space<hbm>>
        tpu.enqueue_indirect_dma source(%dma_start3A_83 : memref<10240x128xf32, #tpu.memory_space<hbm>>) target(%dma_start3A_78 : memref<64x128xf32, #tpu.memory_space<vmem>>) offsets(%dma_start3A_80 : memref<64xi32, #tpu.memory_space<vmem>>) semaphore(%arg14 : memref<!tpu.dma_semaphore, #tpu.memory_space<semaphore_mem>>)
      } else {
      }
      %eq3A_57 = arith.constant 1 : i32
      %eq3A_58 = arith.cmpi eq, %arg0, %eq3A_57 : i32
      %convert_element_type3A_59 = arith.extui %eq3A_58 : i1 to i32
      %cond3A_60 = arith.constant 0 : i32
      %cond3A_61 = arith.cmpi ne, %convert_element_type3A_59, %cond3A_60 : i32
      scf.if %cond3A_61 {
        %dma_start3A = arith.constant 128 : i32
        %dma_start3A_77 = arith.constant 0 : i32
        %dma_start3A_78 = tpu.memref_slice %arg11[%dma_start3A, %dma_start3A_77] : memref<256x128xf32, #tpu.memory_space<vmem>> -> memref<64x128xf32, #tpu.memory_space<vmem>>
        %dma_start3A_79 = arith.constant 128 : i32
        %dma_start3A_80 = tpu.memref_slice %arg9[%dma_start3A_79] : memref<5120xi32, #tpu.memory_space<vmem>> -> memref<64xi32, #tpu.memory_space<vmem>>
        %dma_start3A_81 = arith.constant 0 : i32
        %dma_start3A_82 = arith.constant 0 : i32
        %dma_start3A_83 = tpu.memref_slice %arg3[%dma_start3A_81, %dma_start3A_82] : memref<10240x128xf32, #tpu.memory_space<hbm>> -> memref<10240x128xf32, #tpu.memory_space<hbm>>
        tpu.enqueue_indirect_dma source(%dma_start3A_83 : memref<10240x128xf32, #tpu.memory_space<hbm>>) target(%dma_start3A_78 : memref<64x128xf32, #tpu.memory_space<vmem>>) offsets(%dma_start3A_80 : memref<64xi32, #tpu.memory_space<vmem>>) semaphore(%arg14 : memref<!tpu.dma_semaphore, #tpu.memory_space<semaphore_mem>>)
      } else {
      }
      %eq3A_62 = arith.constant 0 : i32
      %eq3A_63 = arith.cmpi eq, %arg0, %eq3A_62 : i32
      %convert_element_type3A_64 = arith.extui %eq3A_63 : i1 to i32
      %cond3A_65 = arith.constant 0 : i32
      %cond3A_66 = arith.cmpi ne, %convert_element_type3A_64, %cond3A_65 : i32
      scf.if %cond3A_66 {
        %dma_start3A = arith.constant 192 : i32
        %dma_start3A_77 = arith.constant 0 : i32
        %dma_start3A_78 = tpu.memref_slice %arg11[%dma_start3A, %dma_start3A_77] : memref<256x128xf32, #tpu.memory_space<vmem>> -> memref<64x128xf32, #tpu.memory_space<vmem>>
        %dma_start3A_79 = arith.constant 192 : i32
        %dma_start3A_80 = tpu.memref_slice %arg9[%dma_start3A_79] : memref<5120xi32, #tpu.memory_space<vmem>> -> memref<64xi32, #tpu.memory_space<vmem>>
        %dma_start3A_81 = arith.constant 0 : i32
        %dma_start3A_82 = arith.constant 0 : i32
        %dma_start3A_83 = tpu.memref_slice %arg2[%dma_start3A_81, %dma_start3A_82] : memref<10240x128xf32, #tpu.memory_space<hbm>> -> memref<10240x128xf32, #tpu.memory_space<hbm>>
        tpu.enqueue_indirect_dma source(%dma_start3A_83 : memref<10240x128xf32, #tpu.memory_space<hbm>>) target(%dma_start3A_78 : memref<64x128xf32, #tpu.memory_space<vmem>>) offsets(%dma_start3A_80 : memref<64xi32, #tpu.memory_space<vmem>>) semaphore(%arg15 : memref<!tpu.dma_semaphore, #tpu.memory_space<semaphore_mem>>)
      } else {
      }
      %eq3A_67 = arith.constant 1 : i32
      %eq3A_68 = arith.cmpi eq, %arg0, %eq3A_67 : i32
      %convert_element_type3A_69 = arith.extui %eq3A_68 : i1 to i32
      %cond3A_70 = arith.constant 0 : i32
      %cond3A_71 = arith.cmpi ne, %convert_element_type3A_69, %cond3A_70 : i32
      scf.if %cond3A_71 {
        %dma_start3A = arith.constant 192 : i32
        %dma_start3A_77 = arith.constant 0 : i32
        %dma_start3A_78 = tpu.memref_slice %arg11[%dma_start3A, %dma_start3A_77] : memref<256x128xf32, #tpu.memory_space<vmem>> -> memref<64x128xf32, #tpu.memory_space<vmem>>
        %dma_start3A_79 = arith.constant 192 : i32
        %dma_start3A_80 = tpu.memref_slice %arg9[%dma_start3A_79] : memref<5120xi32, #tpu.memory_space<vmem>> -> memref<64xi32, #tpu.memory_space<vmem>>
        %dma_start3A_81 = arith.constant 0 : i32
        %dma_start3A_82 = arith.constant 0 : i32
        %dma_start3A_83 = tpu.memref_slice %arg3[%dma_start3A_81, %dma_start3A_82] : memref<10240x128xf32, #tpu.memory_space<hbm>> -> memref<10240x128xf32, #tpu.memory_space<hbm>>
        tpu.enqueue_indirect_dma source(%dma_start3A_83 : memref<10240x128xf32, #tpu.memory_space<hbm>>) target(%dma_start3A_78 : memref<64x128xf32, #tpu.memory_space<vmem>>) offsets(%dma_start3A_80 : memref<64xi32, #tpu.memory_space<vmem>>) semaphore(%arg15 : memref<!tpu.dma_semaphore, #tpu.memory_space<semaphore_mem>>)
      } else {
      }
      %scan3A_72 = arith.constant 0 : i32
      %scan3A_73 = arith.constant 20 : i32
      %scan3A_74 = arith.addi %scan3A_72, %scan3A_73 : i32
      %scan3A_75 = arith.constant 1 : i32
      scf.for %scan3A_77 = %scan3A_72 to %scan3A_74 step %scan3A_75  : i32 {
        %mul3A_78 = arith.constant 4 : i32
        %mul3A_79 = arith.muli %scan3A_77, %mul3A_78 : i32
        %add3A_80 = arith.constant 0 : i32
        %add3A_81 = arith.addi %add3A_80, %mul3A_79 : i32
        %add3A_82 = arith.constant 0 : i32
        %add3A_83 = arith.addi %add3A_81, %add3A_82 : i32
        %mul3A_84 = arith.constant 64 : i32
        %mul3A_85 = arith.muli %add3A_83, %mul3A_84 : i32
        %eq3A_86 = arith.constant 0 : i32
        %eq3A_87 = arith.cmpi eq, %arg0, %eq3A_86 : i32
        %convert_element_type3A_88 = arith.extui %eq3A_87 : i1 to i32
        %cond3A_89 = arith.constant 0 : i32
        %cond3A_90 = arith.cmpi ne, %convert_element_type3A_88, %cond3A_89 : i32
        scf.if %cond3A_90 {
          %dma_wait3A = arith.constant 0 : i32
          %dma_wait3A_181 = arith.constant 0 : i32
          %dma_wait3A_182 = tpu.memref_slice %arg11[%dma_wait3A, %dma_wait3A_181] : memref<256x128xf32, #tpu.memory_space<vmem>> -> memref<64x128xf32, #tpu.memory_space<vmem>>
          %dma_wait3A_183 = tpu.memref_slice %arg9[%mul3A_85] : memref<5120xi32, #tpu.memory_space<vmem>> -> memref<64xi32, #tpu.memory_space<vmem>>
          %dma_wait3A_184 = arith.constant 0 : i32
          %dma_wait3A_185 = arith.constant 0 : i32
          %dma_wait3A_186 = tpu.memref_slice %arg2[%dma_wait3A_184, %dma_wait3A_185] : memref<10240x128xf32, #tpu.memory_space<hbm>> -> memref<10240x128xf32, #tpu.memory_space<hbm>>
          tpu.wait_indirect_dma semaphore(%arg12 : memref<!tpu.dma_semaphore, #tpu.memory_space<semaphore_mem>>) src(%dma_wait3A_186 : memref<10240x128xf32, #tpu.memory_space<hbm>>) dst(%dma_wait3A_182 : memref<64x128xf32, #tpu.memory_space<vmem>>)
        } else {
        }
        %eq3A_91 = arith.constant 1 : i32
        %eq3A_92 = arith.cmpi eq, %arg0, %eq3A_91 : i32
        %convert_element_type3A_93 = arith.extui %eq3A_92 : i1 to i32
        %cond3A_94 = arith.constant 0 : i32
        %cond3A_95 = arith.cmpi ne, %convert_element_type3A_93, %cond3A_94 : i32
        scf.if %cond3A_95 {
          %dma_wait3A = arith.constant 0 : i32
          %dma_wait3A_181 = arith.constant 0 : i32
          %dma_wait3A_182 = tpu.memref_slice %arg11[%dma_wait3A, %dma_wait3A_181] : memref<256x128xf32, #tpu.memory_space<vmem>> -> memref<64x128xf32, #tpu.memory_space<vmem>>
          %dma_wait3A_183 = tpu.memref_slice %arg9[%mul3A_85] : memref<5120xi32, #tpu.memory_space<vmem>> -> memref<64xi32, #tpu.memory_space<vmem>>
          %dma_wait3A_184 = arith.constant 0 : i32
          %dma_wait3A_185 = arith.constant 0 : i32
          %dma_wait3A_186 = tpu.memref_slice %arg3[%dma_wait3A_184, %dma_wait3A_185] : memref<10240x128xf32, #tpu.memory_space<hbm>> -> memref<10240x128xf32, #tpu.memory_space<hbm>>
          tpu.wait_indirect_dma semaphore(%arg12 : memref<!tpu.dma_semaphore, #tpu.memory_space<semaphore_mem>>) src(%dma_wait3A_186 : memref<10240x128xf32, #tpu.memory_space<hbm>>) dst(%dma_wait3A_182 : memref<64x128xf32, #tpu.memory_space<vmem>>)
        } else {
        }
        %add3A_96 = arith.constant 0 : i32
        %add3A_97 = arith.addi %add3A_81, %add3A_96 : i32
        "tpu.region"() ({
          %run_scoped3A = tpu.sem_alloc : memref<!tpu.dma_semaphore, #tpu.memory_space<semaphore_mem>>
          %dma_start3A = arith.constant 0 : i32
          %dma_start3A_181 = arith.constant 0 : i32
          %dma_start3A_182 = tpu.memref_slice %arg11[%dma_start3A, %dma_start3A_181] : memref<256x128xf32, #tpu.memory_space<vmem>> -> memref<64x128xf32, #tpu.memory_space<vmem>>
          %dma_start3A_183 = arith.constant 0 : i32
          %dma_start3A_184 = tpu.memref_slice %arg10[%add3A_97, %dma_start3A_183] : memref<80x64xi32, #tpu.memory_space<vmem>> -> memref<1x64xi32, #tpu.memory_space<vmem>>
          %dma_start3A_185 = tpu.memref_squeeze %dma_start3A_184 : memref<1x64xi32, #tpu.memory_space<vmem>> -> memref<64xi32, #tpu.memory_space<vmem>>
          %dma_start3A_186 = arith.constant 0 : i32
          %dma_start3A_187 = arith.constant 0 : i32
          %dma_start3A_188 = tpu.memref_slice %arg8[%dma_start3A_186, %dma_start3A_187] : memref<10240x128xf32, #tpu.memory_space<vmem_shared>> -> memref<10240x128xf32, #tpu.memory_space<vmem_shared>>
          tpu.enqueue_indirect_dma source(%dma_start3A_182 : memref<64x128xf32, #tpu.memory_space<vmem>>) target(%dma_start3A_188 : memref<10240x128xf32, #tpu.memory_space<vmem_shared>>) offsets(%dma_start3A_185 : memref<64xi32, #tpu.memory_space<vmem>>) semaphore(%run_scoped3A : memref<!tpu.dma_semaphore, #tpu.memory_space<semaphore_mem>>) {add = true}
          %dma_wait3A = arith.constant 0 : i32
          %dma_wait3A_189 = arith.constant 0 : i32
          %dma_wait3A_190 = tpu.memref_slice %arg11[%dma_wait3A, %dma_wait3A_189] : memref<256x128xf32, #tpu.memory_space<vmem>> -> memref<64x128xf32, #tpu.memory_space<vmem>>
          %dma_wait3A_191 = arith.constant 0 : i32
          %dma_wait3A_192 = tpu.memref_slice %arg10[%add3A_97, %dma_wait3A_191] : memref<80x64xi32, #tpu.memory_space<vmem>> -> memref<1x64xi32, #tpu.memory_space<vmem>>
          %dma_wait3A_193 = tpu.memref_squeeze %dma_wait3A_192 : memref<1x64xi32, #tpu.memory_space<vmem>> -> memref<64xi32, #tpu.memory_space<vmem>>
          %dma_wait3A_194 = arith.constant 0 : i32
          %dma_wait3A_195 = arith.constant 0 : i32
          %dma_wait3A_196 = tpu.memref_slice %arg8[%dma_wait3A_194, %dma_wait3A_195] : memref<10240x128xf32, #tpu.memory_space<vmem_shared>> -> memref<10240x128xf32, #tpu.memory_space<vmem_shared>>
          tpu.wait_indirect_dma semaphore(%run_scoped3A : memref<!tpu.dma_semaphore, #tpu.memory_space<semaphore_mem>>) src(%dma_wait3A_190 : memref<64x128xf32, #tpu.memory_space<vmem>>) dst(%dma_wait3A_196 : memref<10240x128xf32, #tpu.memory_space<vmem_shared>>)
          tpu.yield
        }) : () -> ()
        %add3A_98 = arith.constant 0 : i32
        %add3A_99 = arith.addi %add3A_81, %add3A_98 : i32
        %add3A_100 = arith.constant 4 : i32
        %add3A_101 = arith.addi %add3A_99, %add3A_100 : i32
        %lt3A = arith.constant 80 : i32
        %lt3A_102 = arith.cmpi slt, %add3A_101, %lt3A : i32
        %convert_element_type3A_103 = arith.extui %lt3A_102 : i1 to i32
        %cond3A_104 = arith.constant 0 : i32
        %cond3A_105 = arith.cmpi ne, %convert_element_type3A_103, %cond3A_104 : i32
        scf.if %cond3A_105 {
          %add3A_181 = arith.constant 0 : i32
          %add3A_182 = arith.addi %add3A_81, %add3A_181 : i32
          %add3A_183 = arith.constant 4 : i32
          %add3A_184 = arith.addi %add3A_182, %add3A_183 : i32
          %mul3A_185 = arith.constant 64 : i32
          %mul3A_186 = arith.muli %add3A_184, %mul3A_185 : i32
          %eq3A_187 = arith.constant 0 : i32
          %eq3A_188 = arith.cmpi eq, %arg0, %eq3A_187 : i32
          %convert_element_type3A_189 = arith.extui %eq3A_188 : i1 to i32
          %cond3A_190 = arith.constant 0 : i32
          %cond3A_191 = arith.cmpi ne, %convert_element_type3A_189, %cond3A_190 : i32
          scf.if %cond3A_191 {
            %dma_start3A = arith.constant 0 : i32
            %dma_start3A_197 = arith.constant 0 : i32
            %dma_start3A_198 = tpu.memref_slice %arg11[%dma_start3A, %dma_start3A_197] : memref<256x128xf32, #tpu.memory_space<vmem>> -> memref<64x128xf32, #tpu.memory_space<vmem>>
            %dma_start3A_199 = tpu.memref_slice %arg9[%mul3A_186] : memref<5120xi32, #tpu.memory_space<vmem>> -> memref<64xi32, #tpu.memory_space<vmem>>
            %dma_start3A_200 = arith.constant 0 : i32
            %dma_start3A_201 = arith.constant 0 : i32
            %dma_start3A_202 = tpu.memref_slice %arg2[%dma_start3A_200, %dma_start3A_201] : memref<10240x128xf32, #tpu.memory_space<hbm>> -> memref<10240x128xf32, #tpu.memory_space<hbm>>
            tpu.enqueue_indirect_dma source(%dma_start3A_202 : memref<10240x128xf32, #tpu.memory_space<hbm>>) target(%dma_start3A_198 : memref<64x128xf32, #tpu.memory_space<vmem>>) offsets(%dma_start3A_199 : memref<64xi32, #tpu.memory_space<vmem>>) semaphore(%arg12 : memref<!tpu.dma_semaphore, #tpu.memory_space<semaphore_mem>>)
          } else {
          }
          %eq3A_192 = arith.constant 1 : i32
          %eq3A_193 = arith.cmpi eq, %arg0, %eq3A_192 : i32
          %convert_element_type3A_194 = arith.extui %eq3A_193 : i1 to i32
          %cond3A_195 = arith.constant 0 : i32
          %cond3A_196 = arith.cmpi ne, %convert_element_type3A_194, %cond3A_195 : i32
          scf.if %cond3A_196 {
            %dma_start3A = arith.constant 0 : i32
            %dma_start3A_197 = arith.constant 0 : i32
            %dma_start3A_198 = tpu.memref_slice %arg11[%dma_start3A, %dma_start3A_197] : memref<256x128xf32, #tpu.memory_space<vmem>> -> memref<64x128xf32, #tpu.memory_space<vmem>>
            %dma_start3A_199 = tpu.memref_slice %arg9[%mul3A_186] : memref<5120xi32, #tpu.memory_space<vmem>> -> memref<64xi32, #tpu.memory_space<vmem>>
            %dma_start3A_200 = arith.constant 0 : i32
            %dma_start3A_201 = arith.constant 0 : i32
            %dma_start3A_202 = tpu.memref_slice %arg3[%dma_start3A_200, %dma_start3A_201] : memref<10240x128xf32, #tpu.memory_space<hbm>> -> memref<10240x128xf32, #tpu.memory_space<hbm>>
            tpu.enqueue_indirect_dma source(%dma_start3A_202 : memref<10240x128xf32, #tpu.memory_space<hbm>>) target(%dma_start3A_198 : memref<64x128xf32, #tpu.memory_space<vmem>>) offsets(%dma_start3A_199 : memref<64xi32, #tpu.memory_space<vmem>>) semaphore(%arg12 : memref<!tpu.dma_semaphore, #tpu.memory_space<semaphore_mem>>)
          } else {
          }
        } else {
        }
        %add3A_106 = arith.constant 1 : i32
        %add3A_107 = arith.addi %add3A_81, %add3A_106 : i32
        %mul3A_108 = arith.constant 64 : i32
        %mul3A_109 = arith.muli %add3A_107, %mul3A_108 : i32
        %eq3A_110 = arith.constant 0 : i32
        %eq3A_111 = arith.cmpi eq, %arg0, %eq3A_110 : i32
        %convert_element_type3A_112 = arith.extui %eq3A_111 : i1 to i32
        %cond3A_113 = arith.constant 0 : i32
        %cond3A_114 = arith.cmpi ne, %convert_element_type3A_112, %cond3A_113 : i32
        scf.if %cond3A_114 {
          %dma_wait3A = arith.constant 64 : i32
          %dma_wait3A_181 = arith.constant 0 : i32
          %dma_wait3A_182 = tpu.memref_slice %arg11[%dma_wait3A, %dma_wait3A_181] : memref<256x128xf32, #tpu.memory_space<vmem>> -> memref<64x128xf32, #tpu.memory_space<vmem>>
          %dma_wait3A_183 = tpu.memref_slice %arg9[%mul3A_109] : memref<5120xi32, #tpu.memory_space<vmem>> -> memref<64xi32, #tpu.memory_space<vmem>>
          %dma_wait3A_184 = arith.constant 0 : i32
          %dma_wait3A_185 = arith.constant 0 : i32
          %dma_wait3A_186 = tpu.memref_slice %arg2[%dma_wait3A_184, %dma_wait3A_185] : memref<10240x128xf32, #tpu.memory_space<hbm>> -> memref<10240x128xf32, #tpu.memory_space<hbm>>
          tpu.wait_indirect_dma semaphore(%arg13 : memref<!tpu.dma_semaphore, #tpu.memory_space<semaphore_mem>>) src(%dma_wait3A_186 : memref<10240x128xf32, #tpu.memory_space<hbm>>) dst(%dma_wait3A_182 : memref<64x128xf32, #tpu.memory_space<vmem>>)
        } else {
        }
        %eq3A_115 = arith.constant 1 : i32
        %eq3A_116 = arith.cmpi eq, %arg0, %eq3A_115 : i32
        %convert_element_type3A_117 = arith.extui %eq3A_116 : i1 to i32
        %cond3A_118 = arith.constant 0 : i32
        %cond3A_119 = arith.cmpi ne, %convert_element_type3A_117, %cond3A_118 : i32
        scf.if %cond3A_119 {
          %dma_wait3A = arith.constant 64 : i32
          %dma_wait3A_181 = arith.constant 0 : i32
          %dma_wait3A_182 = tpu.memref_slice %arg11[%dma_wait3A, %dma_wait3A_181] : memref<256x128xf32, #tpu.memory_space<vmem>> -> memref<64x128xf32, #tpu.memory_space<vmem>>
          %dma_wait3A_183 = tpu.memref_slice %arg9[%mul3A_109] : memref<5120xi32, #tpu.memory_space<vmem>> -> memref<64xi32, #tpu.memory_space<vmem>>
          %dma_wait3A_184 = arith.constant 0 : i32
          %dma_wait3A_185 = arith.constant 0 : i32
          %dma_wait3A_186 = tpu.memref_slice %arg3[%dma_wait3A_184, %dma_wait3A_185] : memref<10240x128xf32, #tpu.memory_space<hbm>> -> memref<10240x128xf32, #tpu.memory_space<hbm>>
          tpu.wait_indirect_dma semaphore(%arg13 : memref<!tpu.dma_semaphore, #tpu.memory_space<semaphore_mem>>) src(%dma_wait3A_186 : memref<10240x128xf32, #tpu.memory_space<hbm>>) dst(%dma_wait3A_182 : memref<64x128xf32, #tpu.memory_space<vmem>>)
        } else {
        }
        %add3A_120 = arith.constant 1 : i32
        %add3A_121 = arith.addi %add3A_81, %add3A_120 : i32
        "tpu.region"() ({
          %run_scoped3A = tpu.sem_alloc : memref<!tpu.dma_semaphore, #tpu.memory_space<semaphore_mem>>
          %dma_start3A = arith.constant 64 : i32
          %dma_start3A_181 = arith.constant 0 : i32
          %dma_start3A_182 = tpu.memref_slice %arg11[%dma_start3A, %dma_start3A_181] : memref<256x128xf32, #tpu.memory_space<vmem>> -> memref<64x128xf32, #tpu.memory_space<vmem>>
          %dma_start3A_183 = arith.constant 0 : i32
          %dma_start3A_184 = tpu.memref_slice %arg10[%add3A_121, %dma_start3A_183] : memref<80x64xi32, #tpu.memory_space<vmem>> -> memref<1x64xi32, #tpu.memory_space<vmem>>
          %dma_start3A_185 = tpu.memref_squeeze %dma_start3A_184 : memref<1x64xi32, #tpu.memory_space<vmem>> -> memref<64xi32, #tpu.memory_space<vmem>>
          %dma_start3A_186 = arith.constant 0 : i32
          %dma_start3A_187 = arith.constant 0 : i32
          %dma_start3A_188 = tpu.memref_slice %arg8[%dma_start3A_186, %dma_start3A_187] : memref<10240x128xf32, #tpu.memory_space<vmem_shared>> -> memref<10240x128xf32, #tpu.memory_space<vmem_shared>>
          tpu.enqueue_indirect_dma source(%dma_start3A_182 : memref<64x128xf32, #tpu.memory_space<vmem>>) target(%dma_start3A_188 : memref<10240x128xf32, #tpu.memory_space<vmem_shared>>) offsets(%dma_start3A_185 : memref<64xi32, #tpu.memory_space<vmem>>) semaphore(%run_scoped3A : memref<!tpu.dma_semaphore, #tpu.memory_space<semaphore_mem>>) {add = true}
          %dma_wait3A = arith.constant 64 : i32
          %dma_wait3A_189 = arith.constant 0 : i32
          %dma_wait3A_190 = tpu.memref_slice %arg11[%dma_wait3A, %dma_wait3A_189] : memref<256x128xf32, #tpu.memory_space<vmem>> -> memref<64x128xf32, #tpu.memory_space<vmem>>
          %dma_wait3A_191 = arith.constant 0 : i32
          %dma_wait3A_192 = tpu.memref_slice %arg10[%add3A_121, %dma_wait3A_191] : memref<80x64xi32, #tpu.memory_space<vmem>> -> memref<1x64xi32, #tpu.memory_space<vmem>>
          %dma_wait3A_193 = tpu.memref_squeeze %dma_wait3A_192 : memref<1x64xi32, #tpu.memory_space<vmem>> -> memref<64xi32, #tpu.memory_space<vmem>>
          %dma_wait3A_194 = arith.constant 0 : i32
          %dma_wait3A_195 = arith.constant 0 : i32
          %dma_wait3A_196 = tpu.memref_slice %arg8[%dma_wait3A_194, %dma_wait3A_195] : memref<10240x128xf32, #tpu.memory_space<vmem_shared>> -> memref<10240x128xf32, #tpu.memory_space<vmem_shared>>
          tpu.wait_indirect_dma semaphore(%run_scoped3A : memref<!tpu.dma_semaphore, #tpu.memory_space<semaphore_mem>>) src(%dma_wait3A_190 : memref<64x128xf32, #tpu.memory_space<vmem>>) dst(%dma_wait3A_196 : memref<10240x128xf32, #tpu.memory_space<vmem_shared>>)
          tpu.yield
        }) : () -> ()
        %add3A_122 = arith.constant 1 : i32
        %add3A_123 = arith.addi %add3A_81, %add3A_122 : i32
        %add3A_124 = arith.constant 4 : i32
        %add3A_125 = arith.addi %add3A_123, %add3A_124 : i32
        %lt3A_126 = arith.constant 80 : i32
        %lt3A_127 = arith.cmpi slt, %add3A_125, %lt3A_126 : i32
        %convert_element_type3A_128 = arith.extui %lt3A_127 : i1 to i32
        %cond3A_129 = arith.constant 0 : i32
        %cond3A_130 = arith.cmpi ne, %convert_element_type3A_128, %cond3A_129 : i32
        scf.if %cond3A_130 {
          %add3A_181 = arith.constant 1 : i32
          %add3A_182 = arith.addi %add3A_81, %add3A_181 : i32
          %add3A_183 = arith.constant 4 : i32
          %add3A_184 = arith.addi %add3A_182, %add3A_183 : i32
          %mul3A_185 = arith.constant 64 : i32
          %mul3A_186 = arith.muli %add3A_184, %mul3A_185 : i32
          %eq3A_187 = arith.constant 0 : i32
          %eq3A_188 = arith.cmpi eq, %arg0, %eq3A_187 : i32
          %convert_element_type3A_189 = arith.extui %eq3A_188 : i1 to i32
          %cond3A_190 = arith.constant 0 : i32
          %cond3A_191 = arith.cmpi ne, %convert_element_type3A_189, %cond3A_190 : i32
          scf.if %cond3A_191 {
            %dma_start3A = arith.constant 64 : i32
            %dma_start3A_197 = arith.constant 0 : i32
            %dma_start3A_198 = tpu.memref_slice %arg11[%dma_start3A, %dma_start3A_197] : memref<256x128xf32, #tpu.memory_space<vmem>> -> memref<64x128xf32, #tpu.memory_space<vmem>>
            %dma_start3A_199 = tpu.memref_slice %arg9[%mul3A_186] : memref<5120xi32, #tpu.memory_space<vmem>> -> memref<64xi32, #tpu.memory_space<vmem>>
            %dma_start3A_200 = arith.constant 0 : i32
            %dma_start3A_201 = arith.constant 0 : i32
            %dma_start3A_202 = tpu.memref_slice %arg2[%dma_start3A_200, %dma_start3A_201] : memref<10240x128xf32, #tpu.memory_space<hbm>> -> memref<10240x128xf32, #tpu.memory_space<hbm>>
            tpu.enqueue_indirect_dma source(%dma_start3A_202 : memref<10240x128xf32, #tpu.memory_space<hbm>>) target(%dma_start3A_198 : memref<64x128xf32, #tpu.memory_space<vmem>>) offsets(%dma_start3A_199 : memref<64xi32, #tpu.memory_space<vmem>>) semaphore(%arg13 : memref<!tpu.dma_semaphore, #tpu.memory_space<semaphore_mem>>)
          } else {
          }
          %eq3A_192 = arith.constant 1 : i32
          %eq3A_193 = arith.cmpi eq, %arg0, %eq3A_192 : i32
          %convert_element_type3A_194 = arith.extui %eq3A_193 : i1 to i32
          %cond3A_195 = arith.constant 0 : i32
          %cond3A_196 = arith.cmpi ne, %convert_element_type3A_194, %cond3A_195 : i32
          scf.if %cond3A_196 {
            %dma_start3A = arith.constant 64 : i32
            %dma_start3A_197 = arith.constant 0 : i32
            %dma_start3A_198 = tpu.memref_slice %arg11[%dma_start3A, %dma_start3A_197] : memref<256x128xf32, #tpu.memory_space<vmem>> -> memref<64x128xf32, #tpu.memory_space<vmem>>
            %dma_start3A_199 = tpu.memref_slice %arg9[%mul3A_186] : memref<5120xi32, #tpu.memory_space<vmem>> -> memref<64xi32, #tpu.memory_space<vmem>>
            %dma_start3A_200 = arith.constant 0 : i32
            %dma_start3A_201 = arith.constant 0 : i32
            %dma_start3A_202 = tpu.memref_slice %arg3[%dma_start3A_200, %dma_start3A_201] : memref<10240x128xf32, #tpu.memory_space<hbm>> -> memref<10240x128xf32, #tpu.memory_space<hbm>>
            tpu.enqueue_indirect_dma source(%dma_start3A_202 : memref<10240x128xf32, #tpu.memory_space<hbm>>) target(%dma_start3A_198 : memref<64x128xf32, #tpu.memory_space<vmem>>) offsets(%dma_start3A_199 : memref<64xi32, #tpu.memory_space<vmem>>) semaphore(%arg13 : memref<!tpu.dma_semaphore, #tpu.memory_space<semaphore_mem>>)
          } else {
          }
        } else {
        }
        %add3A_131 = arith.constant 2 : i32
        %add3A_132 = arith.addi %add3A_81, %add3A_131 : i32
        %mul3A_133 = arith.constant 64 : i32
        %mul3A_134 = arith.muli %add3A_132, %mul3A_133 : i32
        %eq3A_135 = arith.constant 0 : i32
        %eq3A_136 = arith.cmpi eq, %arg0, %eq3A_135 : i32
        %convert_element_type3A_137 = arith.extui %eq3A_136 : i1 to i32
        %cond3A_138 = arith.constant 0 : i32
        %cond3A_139 = arith.cmpi ne, %convert_element_type3A_137, %cond3A_138 : i32
        scf.if %cond3A_139 {
          %dma_wait3A = arith.constant 128 : i32
          %dma_wait3A_181 = arith.constant 0 : i32
          %dma_wait3A_182 = tpu.memref_slice %arg11[%dma_wait3A, %dma_wait3A_181] : memref<256x128xf32, #tpu.memory_space<vmem>> -> memref<64x128xf32, #tpu.memory_space<vmem>>
          %dma_wait3A_183 = tpu.memref_slice %arg9[%mul3A_134] : memref<5120xi32, #tpu.memory_space<vmem>> -> memref<64xi32, #tpu.memory_space<vmem>>
          %dma_wait3A_184 = arith.constant 0 : i32
          %dma_wait3A_185 = arith.constant 0 : i32
          %dma_wait3A_186 = tpu.memref_slice %arg2[%dma_wait3A_184, %dma_wait3A_185] : memref<10240x128xf32, #tpu.memory_space<hbm>> -> memref<10240x128xf32, #tpu.memory_space<hbm>>
          tpu.wait_indirect_dma semaphore(%arg14 : memref<!tpu.dma_semaphore, #tpu.memory_space<semaphore_mem>>) src(%dma_wait3A_186 : memref<10240x128xf32, #tpu.memory_space<hbm>>) dst(%dma_wait3A_182 : memref<64x128xf32, #tpu.memory_space<vmem>>)
        } else {
        }
        %eq3A_140 = arith.constant 1 : i32
        %eq3A_141 = arith.cmpi eq, %arg0, %eq3A_140 : i32
        %convert_element_type3A_142 = arith.extui %eq3A_141 : i1 to i32
        %cond3A_143 = arith.constant 0 : i32
        %cond3A_144 = arith.cmpi ne, %convert_element_type3A_142, %cond3A_143 : i32
        scf.if %cond3A_144 {
          %dma_wait3A = arith.constant 128 : i32
          %dma_wait3A_181 = arith.constant 0 : i32
          %dma_wait3A_182 = tpu.memref_slice %arg11[%dma_wait3A, %dma_wait3A_181] : memref<256x128xf32, #tpu.memory_space<vmem>> -> memref<64x128xf32, #tpu.memory_space<vmem>>
          %dma_wait3A_183 = tpu.memref_slice %arg9[%mul3A_134] : memref<5120xi32, #tpu.memory_space<vmem>> -> memref<64xi32, #tpu.memory_space<vmem>>
          %dma_wait3A_184 = arith.constant 0 : i32
          %dma_wait3A_185 = arith.constant 0 : i32
          %dma_wait3A_186 = tpu.memref_slice %arg3[%dma_wait3A_184, %dma_wait3A_185] : memref<10240x128xf32, #tpu.memory_space<hbm>> -> memref<10240x128xf32, #tpu.memory_space<hbm>>
          tpu.wait_indirect_dma semaphore(%arg14 : memref<!tpu.dma_semaphore, #tpu.memory_space<semaphore_mem>>) src(%dma_wait3A_186 : memref<10240x128xf32, #tpu.memory_space<hbm>>) dst(%dma_wait3A_182 : memref<64x128xf32, #tpu.memory_space<vmem>>)
        } else {
        }
        %add3A_145 = arith.constant 2 : i32
        %add3A_146 = arith.addi %add3A_81, %add3A_145 : i32
        "tpu.region"() ({
          %run_scoped3A = tpu.sem_alloc : memref<!tpu.dma_semaphore, #tpu.memory_space<semaphore_mem>>
          %dma_start3A = arith.constant 128 : i32
          %dma_start3A_181 = arith.constant 0 : i32
          %dma_start3A_182 = tpu.memref_slice %arg11[%dma_start3A, %dma_start3A_181] : memref<256x128xf32, #tpu.memory_space<vmem>> -> memref<64x128xf32, #tpu.memory_space<vmem>>
          %dma_start3A_183 = arith.constant 0 : i32
          %dma_start3A_184 = tpu.memref_slice %arg10[%add3A_146, %dma_start3A_183] : memref<80x64xi32, #tpu.memory_space<vmem>> -> memref<1x64xi32, #tpu.memory_space<vmem>>
          %dma_start3A_185 = tpu.memref_squeeze %dma_start3A_184 : memref<1x64xi32, #tpu.memory_space<vmem>> -> memref<64xi32, #tpu.memory_space<vmem>>
          %dma_start3A_186 = arith.constant 0 : i32
          %dma_start3A_187 = arith.constant 0 : i32
          %dma_start3A_188 = tpu.memref_slice %arg8[%dma_start3A_186, %dma_start3A_187] : memref<10240x128xf32, #tpu.memory_space<vmem_shared>> -> memref<10240x128xf32, #tpu.memory_space<vmem_shared>>
          tpu.enqueue_indirect_dma source(%dma_start3A_182 : memref<64x128xf32, #tpu.memory_space<vmem>>) target(%dma_start3A_188 : memref<10240x128xf32, #tpu.memory_space<vmem_shared>>) offsets(%dma_start3A_185 : memref<64xi32, #tpu.memory_space<vmem>>) semaphore(%run_scoped3A : memref<!tpu.dma_semaphore, #tpu.memory_space<semaphore_mem>>) {add = true}
          %dma_wait3A = arith.constant 128 : i32
          %dma_wait3A_189 = arith.constant 0 : i32
          %dma_wait3A_190 = tpu.memref_slice %arg11[%dma_wait3A, %dma_wait3A_189] : memref<256x128xf32, #tpu.memory_space<vmem>> -> memref<64x128xf32, #tpu.memory_space<vmem>>
          %dma_wait3A_191 = arith.constant 0 : i32
          %dma_wait3A_192 = tpu.memref_slice %arg10[%add3A_146, %dma_wait3A_191] : memref<80x64xi32, #tpu.memory_space<vmem>> -> memref<1x64xi32, #tpu.memory_space<vmem>>
          %dma_wait3A_193 = tpu.memref_squeeze %dma_wait3A_192 : memref<1x64xi32, #tpu.memory_space<vmem>> -> memref<64xi32, #tpu.memory_space<vmem>>
          %dma_wait3A_194 = arith.constant 0 : i32
          %dma_wait3A_195 = arith.constant 0 : i32
          %dma_wait3A_196 = tpu.memref_slice %arg8[%dma_wait3A_194, %dma_wait3A_195] : memref<10240x128xf32, #tpu.memory_space<vmem_shared>> -> memref<10240x128xf32, #tpu.memory_space<vmem_shared>>
          tpu.wait_indirect_dma semaphore(%run_scoped3A : memref<!tpu.dma_semaphore, #tpu.memory_space<semaphore_mem>>) src(%dma_wait3A_190 : memref<64x128xf32, #tpu.memory_space<vmem>>) dst(%dma_wait3A_196 : memref<10240x128xf32, #tpu.memory_space<vmem_shared>>)
          tpu.yield
        }) : () -> ()
        %add3A_147 = arith.constant 2 : i32
        %add3A_148 = arith.addi %add3A_81, %add3A_147 : i32
        %add3A_149 = arith.constant 4 : i32
        %add3A_150 = arith.addi %add3A_148, %add3A_149 : i32
        %lt3A_151 = arith.constant 80 : i32
        %lt3A_152 = arith.cmpi slt, %add3A_150, %lt3A_151 : i32
        %convert_element_type3A_153 = arith.extui %lt3A_152 : i1 to i32
        %cond3A_154 = arith.constant 0 : i32
        %cond3A_155 = arith.cmpi ne, %convert_element_type3A_153, %cond3A_154 : i32
        scf.if %cond3A_155 {
          %add3A_181 = arith.constant 2 : i32
          %add3A_182 = arith.addi %add3A_81, %add3A_181 : i32
          %add3A_183 = arith.constant 4 : i32
          %add3A_184 = arith.addi %add3A_182, %add3A_183 : i32
          %mul3A_185 = arith.constant 64 : i32
          %mul3A_186 = arith.muli %add3A_184, %mul3A_185 : i32
          %eq3A_187 = arith.constant 0 : i32
          %eq3A_188 = arith.cmpi eq, %arg0, %eq3A_187 : i32
          %convert_element_type3A_189 = arith.extui %eq3A_188 : i1 to i32
          %cond3A_190 = arith.constant 0 : i32
          %cond3A_191 = arith.cmpi ne, %convert_element_type3A_189, %cond3A_190 : i32
          scf.if %cond3A_191 {
            %dma_start3A = arith.constant 128 : i32
            %dma_start3A_197 = arith.constant 0 : i32
            %dma_start3A_198 = tpu.memref_slice %arg11[%dma_start3A, %dma_start3A_197] : memref<256x128xf32, #tpu.memory_space<vmem>> -> memref<64x128xf32, #tpu.memory_space<vmem>>
            %dma_start3A_199 = tpu.memref_slice %arg9[%mul3A_186] : memref<5120xi32, #tpu.memory_space<vmem>> -> memref<64xi32, #tpu.memory_space<vmem>>
            %dma_start3A_200 = arith.constant 0 : i32
            %dma_start3A_201 = arith.constant 0 : i32
            %dma_start3A_202 = tpu.memref_slice %arg2[%dma_start3A_200, %dma_start3A_201] : memref<10240x128xf32, #tpu.memory_space<hbm>> -> memref<10240x128xf32, #tpu.memory_space<hbm>>
            tpu.enqueue_indirect_dma source(%dma_start3A_202 : memref<10240x128xf32, #tpu.memory_space<hbm>>) target(%dma_start3A_198 : memref<64x128xf32, #tpu.memory_space<vmem>>) offsets(%dma_start3A_199 : memref<64xi32, #tpu.memory_space<vmem>>) semaphore(%arg14 : memref<!tpu.dma_semaphore, #tpu.memory_space<semaphore_mem>>)
          } else {
          }
          %eq3A_192 = arith.constant 1 : i32
          %eq3A_193 = arith.cmpi eq, %arg0, %eq3A_192 : i32
          %convert_element_type3A_194 = arith.extui %eq3A_193 : i1 to i32
          %cond3A_195 = arith.constant 0 : i32
          %cond3A_196 = arith.cmpi ne, %convert_element_type3A_194, %cond3A_195 : i32
          scf.if %cond3A_196 {
            %dma_start3A = arith.constant 128 : i32
            %dma_start3A_197 = arith.constant 0 : i32
            %dma_start3A_198 = tpu.memref_slice %arg11[%dma_start3A, %dma_start3A_197] : memref<256x128xf32, #tpu.memory_space<vmem>> -> memref<64x128xf32, #tpu.memory_space<vmem>>
            %dma_start3A_199 = tpu.memref_slice %arg9[%mul3A_186] : memref<5120xi32, #tpu.memory_space<vmem>> -> memref<64xi32, #tpu.memory_space<vmem>>
            %dma_start3A_200 = arith.constant 0 : i32
            %dma_start3A_201 = arith.constant 0 : i32
            %dma_start3A_202 = tpu.memref_slice %arg3[%dma_start3A_200, %dma_start3A_201] : memref<10240x128xf32, #tpu.memory_space<hbm>> -> memref<10240x128xf32, #tpu.memory_space<hbm>>
            tpu.enqueue_indirect_dma source(%dma_start3A_202 : memref<10240x128xf32, #tpu.memory_space<hbm>>) target(%dma_start3A_198 : memref<64x128xf32, #tpu.memory_space<vmem>>) offsets(%dma_start3A_199 : memref<64xi32, #tpu.memory_space<vmem>>) semaphore(%arg14 : memref<!tpu.dma_semaphore, #tpu.memory_space<semaphore_mem>>)
          } else {
          }
        } else {
        }
        %add3A_156 = arith.constant 3 : i32
        %add3A_157 = arith.addi %add3A_81, %add3A_156 : i32
        %mul3A_158 = arith.constant 64 : i32
        %mul3A_159 = arith.muli %add3A_157, %mul3A_158 : i32
        %eq3A_160 = arith.constant 0 : i32
        %eq3A_161 = arith.cmpi eq, %arg0, %eq3A_160 : i32
        %convert_element_type3A_162 = arith.extui %eq3A_161 : i1 to i32
        %cond3A_163 = arith.constant 0 : i32
        %cond3A_164 = arith.cmpi ne, %convert_element_type3A_162, %cond3A_163 : i32
        scf.if %cond3A_164 {
          %dma_wait3A = arith.constant 192 : i32
          %dma_wait3A_181 = arith.constant 0 : i32
          %dma_wait3A_182 = tpu.memref_slice %arg11[%dma_wait3A, %dma_wait3A_181] : memref<256x128xf32, #tpu.memory_space<vmem>> -> memref<64x128xf32, #tpu.memory_space<vmem>>
          %dma_wait3A_183 = tpu.memref_slice %arg9[%mul3A_159] : memref<5120xi32, #tpu.memory_space<vmem>> -> memref<64xi32, #tpu.memory_space<vmem>>
          %dma_wait3A_184 = arith.constant 0 : i32
          %dma_wait3A_185 = arith.constant 0 : i32
          %dma_wait3A_186 = tpu.memref_slice %arg2[%dma_wait3A_184, %dma_wait3A_185] : memref<10240x128xf32, #tpu.memory_space<hbm>> -> memref<10240x128xf32, #tpu.memory_space<hbm>>
          tpu.wait_indirect_dma semaphore(%arg15 : memref<!tpu.dma_semaphore, #tpu.memory_space<semaphore_mem>>) src(%dma_wait3A_186 : memref<10240x128xf32, #tpu.memory_space<hbm>>) dst(%dma_wait3A_182 : memref<64x128xf32, #tpu.memory_space<vmem>>)
        } else {
        }
        %eq3A_165 = arith.constant 1 : i32
        %eq3A_166 = arith.cmpi eq, %arg0, %eq3A_165 : i32
        %convert_element_type3A_167 = arith.extui %eq3A_166 : i1 to i32
        %cond3A_168 = arith.constant 0 : i32
        %cond3A_169 = arith.cmpi ne, %convert_element_type3A_167, %cond3A_168 : i32
        scf.if %cond3A_169 {
          %dma_wait3A = arith.constant 192 : i32
          %dma_wait3A_181 = arith.constant 0 : i32
          %dma_wait3A_182 = tpu.memref_slice %arg11[%dma_wait3A, %dma_wait3A_181] : memref<256x128xf32, #tpu.memory_space<vmem>> -> memref<64x128xf32, #tpu.memory_space<vmem>>
          %dma_wait3A_183 = tpu.memref_slice %arg9[%mul3A_159] : memref<5120xi32, #tpu.memory_space<vmem>> -> memref<64xi32, #tpu.memory_space<vmem>>
          %dma_wait3A_184 = arith.constant 0 : i32
          %dma_wait3A_185 = arith.constant 0 : i32
          %dma_wait3A_186 = tpu.memref_slice %arg3[%dma_wait3A_184, %dma_wait3A_185] : memref<10240x128xf32, #tpu.memory_space<hbm>> -> memref<10240x128xf32, #tpu.memory_space<hbm>>
          tpu.wait_indirect_dma semaphore(%arg15 : memref<!tpu.dma_semaphore, #tpu.memory_space<semaphore_mem>>) src(%dma_wait3A_186 : memref<10240x128xf32, #tpu.memory_space<hbm>>) dst(%dma_wait3A_182 : memref<64x128xf32, #tpu.memory_space<vmem>>)
        } else {
        }
        %add3A_170 = arith.constant 3 : i32
        %add3A_171 = arith.addi %add3A_81, %add3A_170 : i32
        "tpu.region"() ({
          %run_scoped3A = tpu.sem_alloc : memref<!tpu.dma_semaphore, #tpu.memory_space<semaphore_mem>>
          %dma_start3A = arith.constant 192 : i32
          %dma_start3A_181 = arith.constant 0 : i32
          %dma_start3A_182 = tpu.memref_slice %arg11[%dma_start3A, %dma_start3A_181] : memref<256x128xf32, #tpu.memory_space<vmem>> -> memref<64x128xf32, #tpu.memory_space<vmem>>
          %dma_start3A_183 = arith.constant 0 : i32
          %dma_start3A_184 = tpu.memref_slice %arg10[%add3A_171, %dma_start3A_183] : memref<80x64xi32, #tpu.memory_space<vmem>> -> memref<1x64xi32, #tpu.memory_space<vmem>>
          %dma_start3A_185 = tpu.memref_squeeze %dma_start3A_184 : memref<1x64xi32, #tpu.memory_space<vmem>> -> memref<64xi32, #tpu.memory_space<vmem>>
          %dma_start3A_186 = arith.constant 0 : i32
          %dma_start3A_187 = arith.constant 0 : i32
          %dma_start3A_188 = tpu.memref_slice %arg8[%dma_start3A_186, %dma_start3A_187] : memref<10240x128xf32, #tpu.memory_space<vmem_shared>> -> memref<10240x128xf32, #tpu.memory_space<vmem_shared>>
          tpu.enqueue_indirect_dma source(%dma_start3A_182 : memref<64x128xf32, #tpu.memory_space<vmem>>) target(%dma_start3A_188 : memref<10240x128xf32, #tpu.memory_space<vmem_shared>>) offsets(%dma_start3A_185 : memref<64xi32, #tpu.memory_space<vmem>>) semaphore(%run_scoped3A : memref<!tpu.dma_semaphore, #tpu.memory_space<semaphore_mem>>) {add = true}
          %dma_wait3A = arith.constant 192 : i32
          %dma_wait3A_189 = arith.constant 0 : i32
          %dma_wait3A_190 = tpu.memref_slice %arg11[%dma_wait3A, %dma_wait3A_189] : memref<256x128xf32, #tpu.memory_space<vmem>> -> memref<64x128xf32, #tpu.memory_space<vmem>>
          %dma_wait3A_191 = arith.constant 0 : i32
          %dma_wait3A_192 = tpu.memref_slice %arg10[%add3A_171, %dma_wait3A_191] : memref<80x64xi32, #tpu.memory_space<vmem>> -> memref<1x64xi32, #tpu.memory_space<vmem>>
          %dma_wait3A_193 = tpu.memref_squeeze %dma_wait3A_192 : memref<1x64xi32, #tpu.memory_space<vmem>> -> memref<64xi32, #tpu.memory_space<vmem>>
          %dma_wait3A_194 = arith.constant 0 : i32
          %dma_wait3A_195 = arith.constant 0 : i32
          %dma_wait3A_196 = tpu.memref_slice %arg8[%dma_wait3A_194, %dma_wait3A_195] : memref<10240x128xf32, #tpu.memory_space<vmem_shared>> -> memref<10240x128xf32, #tpu.memory_space<vmem_shared>>
          tpu.wait_indirect_dma semaphore(%run_scoped3A : memref<!tpu.dma_semaphore, #tpu.memory_space<semaphore_mem>>) src(%dma_wait3A_190 : memref<64x128xf32, #tpu.memory_space<vmem>>) dst(%dma_wait3A_196 : memref<10240x128xf32, #tpu.memory_space<vmem_shared>>)
          tpu.yield
        }) : () -> ()
        %add3A_172 = arith.constant 3 : i32
        %add3A_173 = arith.addi %add3A_81, %add3A_172 : i32
        %add3A_174 = arith.constant 4 : i32
        %add3A_175 = arith.addi %add3A_173, %add3A_174 : i32
        %lt3A_176 = arith.constant 80 : i32
        %lt3A_177 = arith.cmpi slt, %add3A_175, %lt3A_176 : i32
        %convert_element_type3A_178 = arith.extui %lt3A_177 : i1 to i32
        %cond3A_179 = arith.constant 0 : i32
        %cond3A_180 = arith.cmpi ne, %convert_element_type3A_178, %cond3A_179 : i32
        scf.if %cond3A_180 {
          %add3A_181 = arith.constant 3 : i32
          %add3A_182 = arith.addi %add3A_81, %add3A_181 : i32
          %add3A_183 = arith.constant 4 : i32
          %add3A_184 = arith.addi %add3A_182, %add3A_183 : i32
          %mul3A_185 = arith.constant 64 : i32
          %mul3A_186 = arith.muli %add3A_184, %mul3A_185 : i32
          %eq3A_187 = arith.constant 0 : i32
          %eq3A_188 = arith.cmpi eq, %arg0, %eq3A_187 : i32
          %convert_element_type3A_189 = arith.extui %eq3A_188 : i1 to i32
          %cond3A_190 = arith.constant 0 : i32
          %cond3A_191 = arith.cmpi ne, %convert_element_type3A_189, %cond3A_190 : i32
          scf.if %cond3A_191 {
            %dma_start3A = arith.constant 192 : i32
            %dma_start3A_197 = arith.constant 0 : i32
            %dma_start3A_198 = tpu.memref_slice %arg11[%dma_start3A, %dma_start3A_197] : memref<256x128xf32, #tpu.memory_space<vmem>> -> memref<64x128xf32, #tpu.memory_space<vmem>>
            %dma_start3A_199 = tpu.memref_slice %arg9[%mul3A_186] : memref<5120xi32, #tpu.memory_space<vmem>> -> memref<64xi32, #tpu.memory_space<vmem>>
            %dma_start3A_200 = arith.constant 0 : i32
            %dma_start3A_201 = arith.constant 0 : i32
            %dma_start3A_202 = tpu.memref_slice %arg2[%dma_start3A_200, %dma_start3A_201] : memref<10240x128xf32, #tpu.memory_space<hbm>> -> memref<10240x128xf32, #tpu.memory_space<hbm>>
            tpu.enqueue_indirect_dma source(%dma_start3A_202 : memref<10240x128xf32, #tpu.memory_space<hbm>>) target(%dma_start3A_198 : memref<64x128xf32, #tpu.memory_space<vmem>>) offsets(%dma_start3A_199 : memref<64xi32, #tpu.memory_space<vmem>>) semaphore(%arg15 : memref<!tpu.dma_semaphore, #tpu.memory_space<semaphore_mem>>)
          } else {
          }
          %eq3A_192 = arith.constant 1 : i32
          %eq3A_193 = arith.cmpi eq, %arg0, %eq3A_192 : i32
          %convert_element_type3A_194 = arith.extui %eq3A_193 : i1 to i32
          %cond3A_195 = arith.constant 0 : i32
          %cond3A_196 = arith.cmpi ne, %convert_element_type3A_194, %cond3A_195 : i32
          scf.if %cond3A_196 {
            %dma_start3A = arith.constant 192 : i32
            %dma_start3A_197 = arith.constant 0 : i32
            %dma_start3A_198 = tpu.memref_slice %arg11[%dma_start3A, %dma_start3A_197] : memref<256x128xf32, #tpu.memory_space<vmem>> -> memref<64x128xf32, #tpu.memory_space<vmem>>
            %dma_start3A_199 = tpu.memref_slice %arg9[%mul3A_186] : memref<5120xi32, #tpu.memory_space<vmem>> -> memref<64xi32, #tpu.memory_space<vmem>>
            %dma_start3A_200 = arith.constant 0 : i32
            %dma_start3A_201 = arith.constant 0 : i32
            %dma_start3A_202 = tpu.memref_slice %arg3[%dma_start3A_200, %dma_start3A_201] : memref<10240x128xf32, #tpu.memory_space<hbm>> -> memref<10240x128xf32, #tpu.memory_space<hbm>>
            tpu.enqueue_indirect_dma source(%dma_start3A_202 : memref<10240x128xf32, #tpu.memory_space<hbm>>) target(%dma_start3A_198 : memref<64x128xf32, #tpu.memory_space<vmem>>) offsets(%dma_start3A_199 : memref<64xi32, #tpu.memory_space<vmem>>) semaphore(%arg15 : memref<!tpu.dma_semaphore, #tpu.memory_space<semaphore_mem>>)
          } else {
          }
        } else {
        }
      }
      %scan3A_76 = arith.constant 20 : i32
    }
    %scan3A_13 = arith.constant 4 : i32
    %barrier3A_14 = arith.constant 0 : index
    tpu.barrier barrier_id(%barrier3A_14)
    %eq3A = arith.constant 0 : i32
    %eq3A_15 = arith.cmpi eq, %arg0, %eq3A : i32
    %convert_element_type3A = arith.extui %eq3A_15 : i1 to i32
    %cond3A = arith.constant 0 : i32
    %cond3A_16 = arith.cmpi ne, %convert_element_type3A, %cond3A : i32
    scf.if %cond3A_16 {
      %mul3A = arith.constant 640 : i32
      %mul3A_22 = arith.muli %arg1, %mul3A : i32
      %mul3A_23 = arith.constant 640 : i32
      %mul3A_24 = arith.muli %arg1, %mul3A_23 : i32
      "tpu.region"() ({
        %run_scoped3A = tpu.sem_alloc : memref<!tpu.dma_semaphore, #tpu.memory_space<semaphore_mem>>
        %dma_start3A = arith.constant 0 : i32
        %dma_start3A_25 = tpu.memref_slice %arg6[%mul3A_24, %dma_start3A] : memref<10240x128xf32, #tpu.memory_space<hbm>> -> memref<640x128xf32, #tpu.memory_space<hbm>>
        %dma_start3A_26 = arith.constant 0 : i32
        %dma_start3A_27 = tpu.memref_slice %arg8[%mul3A_22, %dma_start3A_26] : memref<10240x128xf32, #tpu.memory_space<vmem_shared>> -> memref<640x128xf32, #tpu.memory_space<vmem_shared>>
        tpu.enqueue_dma source(%dma_start3A_27 : memref<640x128xf32, #tpu.memory_space<vmem_shared>>) target(%dma_start3A_25 : memref<640x128xf32, #tpu.memory_space<hbm>>) target_semaphore(%run_scoped3A : memref<!tpu.dma_semaphore, #tpu.memory_space<semaphore_mem>>)
        %dma_wait3A = arith.constant 0 : i32
        %dma_wait3A_28 = tpu.memref_slice %arg6[%mul3A_24, %dma_wait3A] : memref<10240x128xf32, #tpu.memory_space<hbm>> -> memref<640x128xf32, #tpu.memory_space<hbm>>
        %dma_wait3A_29 = arith.constant 0 : i32
        %dma_wait3A_30 = tpu.memref_slice %arg8[%mul3A_22, %dma_wait3A_29] : memref<10240x128xf32, #tpu.memory_space<vmem_shared>> -> memref<640x128xf32, #tpu.memory_space<vmem_shared>>
        tpu.wait_dma2 semaphore(%run_scoped3A : memref<!tpu.dma_semaphore, #tpu.memory_space<semaphore_mem>>) src(%dma_wait3A_30 : memref<640x128xf32, #tpu.memory_space<vmem_shared>>) dst(%dma_wait3A_28 : memref<640x128xf32, #tpu.memory_space<hbm>>)
        tpu.yield
      }) : () -> ()
    } else {
    }
    %eq3A_17 = arith.constant 1 : i32
    %eq3A_18 = arith.cmpi eq, %arg0, %eq3A_17 : i32
    %convert_element_type3A_19 = arith.extui %eq3A_18 : i1 to i32
    %cond3A_20 = arith.constant 0 : i32
    %cond3A_21 = arith.cmpi ne, %convert_element_type3A_19, %cond3A_20 : i32
    scf.if %cond3A_21 {
      %mul3A = arith.constant 640 : i32
      %mul3A_22 = arith.muli %arg1, %mul3A : i32
      %mul3A_23 = arith.constant 640 : i32
      %mul3A_24 = arith.muli %arg1, %mul3A_23 : i32
      "tpu.region"() ({
        %run_scoped3A = tpu.sem_alloc : memref<!tpu.dma_semaphore, #tpu.memory_space<semaphore_mem>>
        %dma_start3A = arith.constant 0 : i32
        %dma_start3A_25 = tpu.memref_slice %arg7[%mul3A_24, %dma_start3A] : memref<10240x128xf32, #tpu.memory_space<hbm>> -> memref<640x128xf32, #tpu.memory_space<hbm>>
        %dma_start3A_26 = arith.constant 0 : i32
        %dma_start3A_27 = tpu.memref_slice %arg8[%mul3A_22, %dma_start3A_26] : memref<10240x128xf32, #tpu.memory_space<vmem_shared>> -> memref<640x128xf32, #tpu.memory_space<vmem_shared>>
        tpu.enqueue_dma source(%dma_start3A_27 : memref<640x128xf32, #tpu.memory_space<vmem_shared>>) target(%dma_start3A_25 : memref<640x128xf32, #tpu.memory_space<hbm>>) target_semaphore(%run_scoped3A : memref<!tpu.dma_semaphore, #tpu.memory_space<semaphore_mem>>)
        %dma_wait3A = arith.constant 0 : i32
        %dma_wait3A_28 = tpu.memref_slice %arg7[%mul3A_24, %dma_wait3A] : memref<10240x128xf32, #tpu.memory_space<hbm>> -> memref<640x128xf32, #tpu.memory_space<hbm>>
        %dma_wait3A_29 = arith.constant 0 : i32
        %dma_wait3A_30 = tpu.memref_slice %arg8[%mul3A_22, %dma_wait3A_29] : memref<10240x128xf32, #tpu.memory_space<vmem_shared>> -> memref<640x128xf32, #tpu.memory_space<vmem_shared>>
        tpu.wait_dma2 semaphore(%run_scoped3A : memref<!tpu.dma_semaphore, #tpu.memory_space<semaphore_mem>>) src(%dma_wait3A_30 : memref<640x128xf32, #tpu.memory_space<vmem_shared>>) dst(%dma_wait3A_28 : memref<640x128xf32, #tpu.memory_space<hbm>>)
        tpu.yield
      }) : () -> ()
    } else {
    }
    return
  }
}

#map = affine_map<(d0, d1) -> (0, 0)>
#map1 = affine_map<(d0, d1) -> (0)>
module attributes {stable_mosaic.version = 14 : i64} {
  func.func @_agg_body(%arg0: i32, %arg1: i32, %arg2: memref<10240x128xf32, #tpu.memory_space<hbm>>, %arg3: memref<10240x128xf32, #tpu.memory_space<hbm>>, %arg4: memref<327680xi32, #tpu.memory_space<hbm>>, %arg5: memref<5120x64xi32, #tpu.memory_space<hbm>>, %arg6: memref<10240x128xf32, #tpu.memory_space<hbm>>, %arg7: memref<10240x128xf32, #tpu.memory_space<hbm>>, %arg8: memref<10240x128xf32, #tpu.memory_space<vmem_shared>>, %arg9: memref<5120xi32, #tpu.memory_space<vmem>>, %arg10: memref<80x64xi32, #tpu.memory_space<vmem>>, %arg11: memref<256x128xf32, #tpu.memory_space<vmem>>, %arg12: memref<!tpu.dma_semaphore, #tpu.memory_space<semaphore_mem>>, %arg13: memref<!tpu.dma_semaphore, #tpu.memory_space<semaphore_mem>>, %arg14: memref<!tpu.dma_semaphore, #tpu.memory_space<semaphore_mem>>, %arg15: memref<!tpu.dma_semaphore, #tpu.memory_space<semaphore_mem>>) attributes {dimension_semantics = [#tpu.dimension_semantics<core_parallel>, #tpu.dimension_semantics<subcore_parallel>], iteration_bounds = array<i64: 2, 16>, scalar_prefetch = 0 : i64, scratch_operands = 8 : i64, tpu.core_type = #tpu.core_type<sc_vector_subcore>, window_params = [{transform_indices = #map}, {transform_indices = #map}, {transform_indices = #map1}, {transform_indices = #map}, {transform_indices = #map}, {transform_indices = #map}]} {
    %scan3A = arith.constant 0 : i32
    %scan3A_0 = arith.constant 256 : i32
    %scan3A_1 = arith.addi %scan3A, %scan3A_0 : i32
    %scan3A_2 = arith.constant 1 : i32
    scf.for %scan3A_22 = %scan3A to %scan3A_1 step %scan3A_2  : i32 {
      %mul3A = arith.constant 1 : i32
      %mul3A_23 = arith.muli %scan3A_22, %mul3A : i32
      %add3A = arith.constant 0 : i32
      %add3A_24 = arith.addi %add3A, %mul3A_23 : i32
      %scan3A_25 = arith.constant 0 : i32
      %scan3A_26 = arith.constant 8 : i32
      %scan3A_27 = arith.addi %scan3A_25, %scan3A_26 : i32
      %scan3A_28 = arith.constant 1 : i32
      scf.for %scan3A_30 = %scan3A_25 to %scan3A_27 step %scan3A_28  : i32 {
        %mul3A_31 = arith.constant 16 : i32
        %mul3A_32 = arith.muli %scan3A_30, %mul3A_31 : i32
        %add3A_33 = arith.constant 0 : i32
        %add3A_34 = arith.addi %add3A_33, %mul3A_32 : i32
        %broadcast_in_dim3A = arith.constant 0.000000e+00 : f32
        %broadcast_in_dim3A_35 = vector.broadcast %broadcast_in_dim3A : f32 to vector<16xf32>
        %swap3A = arith.index_cast %add3A_24 : i32 to index
        %swap3A_36 = arith.index_cast %add3A_34 : i32 to index
        %swap3A_37 = tpu.vector_load %arg11[%swap3A, %swap3A_36] {strides = array<i32>} : memref<256x128xf32, #tpu.memory_space<vmem>>, vector<1x16xf32>,
        %swap3A_38 = vector.shape_cast %swap3A_37 : vector<1x16xf32> to vector<16xf32>
        %swap3A_39 = vector.shape_cast %broadcast_in_dim3A_35 : vector<16xf32> to vector<1x16xf32>
        tpu.vector_store %arg11[%swap3A, %swap3A_36], %swap3A_39 {strides = array<i32>} : memref<256x128xf32, #tpu.memory_space<vmem>>, vector<1x16xf32>,
      }
      %scan3A_29 = arith.constant 8 : i32
    }
    %scan3A_3 = arith.constant 256 : i32
    %scan3A_4 = arith.constant 0 : i32
    %scan3A_5 = arith.constant 5 : i32
    %scan3A_6 = arith.addi %scan3A_4, %scan3A_5 : i32
    %scan3A_7 = arith.constant 1 : i32
    scf.for %scan3A_22 = %scan3A_4 to %scan3A_6 step %scan3A_7  : i32 {
      %mul3A = arith.constant 1 : i32
      %mul3A_23 = arith.muli %scan3A_22, %mul3A : i32
      %add3A = arith.constant 0 : i32
      %add3A_24 = arith.addi %add3A, %mul3A_23 : i32
      %mul3A_25 = arith.constant 640 : i32
      %mul3A_26 = arith.muli %arg1, %mul3A_25 : i32
      %mul3A_27 = arith.constant 128 : i32
      %mul3A_28 = arith.muli %add3A_24, %mul3A_27 : i32
      %add3A_29 = arith.addi %mul3A_26, %mul3A_28 : i32
      "tpu.region"() ({
        %run_scoped3A = tpu.sem_alloc : memref<!tpu.dma_semaphore, #tpu.memory_space<semaphore_mem>>
        %dma_start3A = arith.constant 0 : i32
        %dma_start3A_30 = arith.constant 0 : i32
        %dma_start3A_31 = tpu.memref_slice %arg11[%dma_start3A, %dma_start3A_30] : memref<256x128xf32, #tpu.memory_space<vmem>> -> memref<128x128xf32, #tpu.memory_space<vmem>>
        %dma_start3A_32 = arith.constant 0 : i32
        %dma_start3A_33 = tpu.memref_slice %arg8[%add3A_29, %dma_start3A_32] : memref<10240x128xf32, #tpu.memory_space<vmem_shared>> -> memref<128x128xf32, #tpu.memory_space<vmem_shared>>
        %dma_start3A_34 = arith.constant 0 : i32
        %dma_start3A_35 = tpu.memref_slice %arg8[%add3A_29, %dma_start3A_34] : memref<10240x128xf32, #tpu.memory_space<vmem_shared>> -> memref<128x128xf32, #tpu.memory_space<vmem_shared>>
        %dma_start3A_36 = arith.constant 0 : i32
        %dma_start3A_37 = arith.constant 0 : i32
        %dma_start3A_38 = tpu.memref_slice %arg11[%dma_start3A_36, %dma_start3A_37] : memref<256x128xf32, #tpu.memory_space<vmem>> -> memref<128x128xf32, #tpu.memory_space<vmem>>
        tpu.enqueue_dma source(%dma_start3A_38 : memref<128x128xf32, #tpu.memory_space<vmem>>) target(%dma_start3A_35 : memref<128x128xf32, #tpu.memory_space<vmem_shared>>) target_semaphore(%run_scoped3A : memref<!tpu.dma_semaphore, #tpu.memory_space<semaphore_mem>>)
        %dma_wait3A = arith.constant 0 : i32
        %dma_wait3A_39 = arith.constant 0 : i32
        %dma_wait3A_40 = tpu.memref_slice %arg11[%dma_wait3A, %dma_wait3A_39] : memref<256x128xf32, #tpu.memory_space<vmem>> -> memref<128x128xf32, #tpu.memory_space<vmem>>
        %dma_wait3A_41 = arith.constant 0 : i32
        %dma_wait3A_42 = tpu.memref_slice %arg8[%add3A_29, %dma_wait3A_41] : memref<10240x128xf32, #tpu.memory_space<vmem_shared>> -> memref<128x128xf32, #tpu.memory_space<vmem_shared>>
        %dma_wait3A_43 = arith.constant 0 : i32
        %dma_wait3A_44 = tpu.memref_slice %arg8[%add3A_29, %dma_wait3A_43] : memref<10240x128xf32, #tpu.memory_space<vmem_shared>> -> memref<128x128xf32, #tpu.memory_space<vmem_shared>>
        %dma_wait3A_45 = arith.constant 0 : i32
        %dma_wait3A_46 = arith.constant 0 : i32
        %dma_wait3A_47 = tpu.memref_slice %arg11[%dma_wait3A_45, %dma_wait3A_46] : memref<256x128xf32, #tpu.memory_space<vmem>> -> memref<128x128xf32, #tpu.memory_space<vmem>>
        tpu.wait_dma2 semaphore(%run_scoped3A : memref<!tpu.dma_semaphore, #tpu.memory_space<semaphore_mem>>) src(%dma_wait3A_47 : memref<128x128xf32, #tpu.memory_space<vmem>>) dst(%dma_wait3A_44 : memref<128x128xf32, #tpu.memory_space<vmem_shared>>)
        tpu.yield
      }) : () -> ()
    }
    %scan3A_8 = arith.constant 5 : i32
    %barrier3A = arith.constant 0 : index
    tpu.barrier barrier_id(%barrier3A)
    %scan3A_9 = arith.constant 0 : i32
    %scan3A_10 = arith.constant 4 : i32
    %scan3A_11 = arith.addi %scan3A_9, %scan3A_10 : i32
    %scan3A_12 = arith.constant 1 : i32
    scf.for %scan3A_22 = %scan3A_9 to %scan3A_11 step %scan3A_12  : i32 {
      %mul3A = arith.constant 1 : i32
      %mul3A_23 = arith.muli %scan3A_22, %mul3A : i32
      %add3A = arith.constant 0 : i32
      %add3A_24 = arith.addi %add3A, %mul3A_23 : i32
      %mul3A_25 = arith.constant 320 : i32
      %mul3A_26 = arith.muli %arg1, %mul3A_25 : i32
      %mul3A_27 = arith.constant 80 : i32
      %mul3A_28 = arith.muli %add3A_24, %mul3A_27 : i32
      %add3A_29 = arith.addi %mul3A_26, %mul3A_28 : i32
      %mul3A_30 = arith.constant 64 : i32
      %mul3A_31 = arith.muli %add3A_29, %mul3A_30 : i32
      "tpu.region"() ({
        %run_scoped3A = tpu.sem_alloc : memref<!tpu.dma_semaphore, #tpu.memory_space<semaphore_mem>>
        %dma_start3A = tpu.memref_slice %arg4[%mul3A_31] : memref<327680xi32, #tpu.memory_space<hbm>> -> memref<5120xi32, #tpu.memory_space<hbm>>
        %dma_start3A_77 = tpu.memref_slice %arg4[%mul3A_31] : memref<327680xi32, #tpu.memory_space<hbm>> -> memref<5120xi32, #tpu.memory_space<hbm>>
        tpu.enqueue_dma source(%dma_start3A_77 : memref<5120xi32, #tpu.memory_space<hbm>>) target(%arg9 : memref<5120xi32, #tpu.memory_space<vmem>>) target_semaphore(%run_scoped3A : memref<!tpu.dma_semaphore, #tpu.memory_space<semaphore_mem>>)
        %dma_wait3A = tpu.memref_slice %arg4[%mul3A_31] : memref<327680xi32, #tpu.memory_space<hbm>> -> memref<5120xi32, #tpu.memory_space<hbm>>
        %dma_wait3A_78 = tpu.memref_slice %arg4[%mul3A_31] : memref<327680xi32, #tpu.memory_space<hbm>> -> memref<5120xi32, #tpu.memory_space<hbm>>
        tpu.wait_dma2 semaphore(%run_scoped3A : memref<!tpu.dma_semaphore, #tpu.memory_space<semaphore_mem>>) src(%dma_wait3A_78 : memref<5120xi32, #tpu.memory_space<hbm>>) dst(%arg9 : memref<5120xi32, #tpu.memory_space<vmem>>)
        tpu.yield
      }) : () -> ()
      "tpu.region"() ({
        %run_scoped3A = tpu.sem_alloc : memref<!tpu.dma_semaphore, #tpu.memory_space<semaphore_mem>>
        %dma_start3A = arith.constant 0 : i32
        %dma_start3A_77 = tpu.memref_slice %arg5[%add3A_29, %dma_start3A] : memref<5120x64xi32, #tpu.memory_space<hbm>> -> memref<80x64xi32, #tpu.memory_space<hbm>>
        %dma_start3A_78 = arith.constant 0 : i32
        %dma_start3A_79 = tpu.memref_slice %arg5[%add3A_29, %dma_start3A_78] : memref<5120x64xi32, #tpu.memory_space<hbm>> -> memref<80x64xi32, #tpu.memory_space<hbm>>
        tpu.enqueue_dma source(%dma_start3A_79 : memref<80x64xi32, #tpu.memory_space<hbm>>) target(%arg10 : memref<80x64xi32, #tpu.memory_space<vmem>>) target_semaphore(%run_scoped3A : memref<!tpu.dma_semaphore, #tpu.memory_space<semaphore_mem>>)
        %dma_wait3A = arith.constant 0 : i32
        %dma_wait3A_80 = tpu.memref_slice %arg5[%add3A_29, %dma_wait3A] : memref<5120x64xi32, #tpu.memory_space<hbm>> -> memref<80x64xi32, #tpu.memory_space<hbm>>
        %dma_wait3A_81 = arith.constant 0 : i32
        %dma_wait3A_82 = tpu.memref_slice %arg5[%add3A_29, %dma_wait3A_81] : memref<5120x64xi32, #tpu.memory_space<hbm>> -> memref<80x64xi32, #tpu.memory_space<hbm>>
        tpu.wait_dma2 semaphore(%run_scoped3A : memref<!tpu.dma_semaphore, #tpu.memory_space<semaphore_mem>>) src(%dma_wait3A_82 : memref<80x64xi32, #tpu.memory_space<hbm>>) dst(%arg10 : memref<80x64xi32, #tpu.memory_space<vmem>>)
        tpu.yield
      }) : () -> ()
      %eq3A_32 = arith.constant 0 : i32
      %eq3A_33 = arith.cmpi eq, %arg0, %eq3A_32 : i32
      %convert_element_type3A_34 = arith.extui %eq3A_33 : i1 to i32
      %cond3A_35 = arith.constant 0 : i32
      %cond3A_36 = arith.cmpi ne, %convert_element_type3A_34, %cond3A_35 : i32
      scf.if %cond3A_36 {
        %dma_start3A = arith.constant 0 : i32
        %dma_start3A_77 = arith.constant 0 : i32
        %dma_start3A_78 = tpu.memref_slice %arg11[%dma_start3A, %dma_start3A_77] : memref<256x128xf32, #tpu.memory_space<vmem>> -> memref<64x128xf32, #tpu.memory_space<vmem>>
        %dma_start3A_79 = arith.constant 0 : i32
        %dma_start3A_80 = tpu.memref_slice %arg9[%dma_start3A_79] : memref<5120xi32, #tpu.memory_space<vmem>> -> memref<64xi32, #tpu.memory_space<vmem>>
        %dma_start3A_81 = arith.constant 0 : i32
        %dma_start3A_82 = arith.constant 0 : i32
        %dma_start3A_83 = tpu.memref_slice %arg2[%dma_start3A_81, %dma_start3A_82] : memref<10240x128xf32, #tpu.memory_space<hbm>> -> memref<10240x128xf32, #tpu.memory_space<hbm>>
        tpu.enqueue_indirect_dma source(%dma_start3A_83 : memref<10240x128xf32, #tpu.memory_space<hbm>>) target(%dma_start3A_78 : memref<64x128xf32, #tpu.memory_space<vmem>>) offsets(%dma_start3A_80 : memref<64xi32, #tpu.memory_space<vmem>>) semaphore(%arg12 : memref<!tpu.dma_semaphore, #tpu.memory_space<semaphore_mem>>)
      } else {
      }
      %eq3A_37 = arith.constant 1 : i32
      %eq3A_38 = arith.cmpi eq, %arg0, %eq3A_37 : i32
      %convert_element_type3A_39 = arith.extui %eq3A_38 : i1 to i32
      %cond3A_40 = arith.constant 0 : i32
      %cond3A_41 = arith.cmpi ne, %convert_element_type3A_39, %cond3A_40 : i32
      scf.if %cond3A_41 {
        %dma_start3A = arith.constant 0 : i32
        %dma_start3A_77 = arith.constant 0 : i32
        %dma_start3A_78 = tpu.memref_slice %arg11[%dma_start3A, %dma_start3A_77] : memref<256x128xf32, #tpu.memory_space<vmem>> -> memref<64x128xf32, #tpu.memory_space<vmem>>
        %dma_start3A_79 = arith.constant 0 : i32
        %dma_start3A_80 = tpu.memref_slice %arg9[%dma_start3A_79] : memref<5120xi32, #tpu.memory_space<vmem>> -> memref<64xi32, #tpu.memory_space<vmem>>
        %dma_start3A_81 = arith.constant 0 : i32
        %dma_start3A_82 = arith.constant 0 : i32
        %dma_start3A_83 = tpu.memref_slice %arg3[%dma_start3A_81, %dma_start3A_82] : memref<10240x128xf32, #tpu.memory_space<hbm>> -> memref<10240x128xf32, #tpu.memory_space<hbm>>
        tpu.enqueue_indirect_dma source(%dma_start3A_83 : memref<10240x128xf32, #tpu.memory_space<hbm>>) target(%dma_start3A_78 : memref<64x128xf32, #tpu.memory_space<vmem>>) offsets(%dma_start3A_80 : memref<64xi32, #tpu.memory_space<vmem>>) semaphore(%arg12 : memref<!tpu.dma_semaphore, #tpu.memory_space<semaphore_mem>>)
      } else {
      }
      %eq3A_42 = arith.constant 0 : i32
      %eq3A_43 = arith.cmpi eq, %arg0, %eq3A_42 : i32
      %convert_element_type3A_44 = arith.extui %eq3A_43 : i1 to i32
      %cond3A_45 = arith.constant 0 : i32
      %cond3A_46 = arith.cmpi ne, %convert_element_type3A_44, %cond3A_45 : i32
      scf.if %cond3A_46 {
        %dma_start3A = arith.constant 64 : i32
        %dma_start3A_77 = arith.constant 0 : i32
        %dma_start3A_78 = tpu.memref_slice %arg11[%dma_start3A, %dma_start3A_77] : memref<256x128xf32, #tpu.memory_space<vmem>> -> memref<64x128xf32, #tpu.memory_space<vmem>>
        %dma_start3A_79 = arith.constant 64 : i32
        %dma_start3A_80 = tpu.memref_slice %arg9[%dma_start3A_79] : memref<5120xi32, #tpu.memory_space<vmem>> -> memref<64xi32, #tpu.memory_space<vmem>>
        %dma_start3A_81 = arith.constant 0 : i32
        %dma_start3A_82 = arith.constant 0 : i32
        %dma_start3A_83 = tpu.memref_slice %arg2[%dma_start3A_81, %dma_start3A_82] : memref<10240x128xf32, #tpu.memory_space<hbm>> -> memref<10240x128xf32, #tpu.memory_space<hbm>>
        tpu.enqueue_indirect_dma source(%dma_start3A_83 : memref<10240x128xf32, #tpu.memory_space<hbm>>) target(%dma_start3A_78 : memref<64x128xf32, #tpu.memory_space<vmem>>) offsets(%dma_start3A_80 : memref<64xi32, #tpu.memory_space<vmem>>) semaphore(%arg13 : memref<!tpu.dma_semaphore, #tpu.memory_space<semaphore_mem>>)
      } else {
      }
      %eq3A_47 = arith.constant 1 : i32
      %eq3A_48 = arith.cmpi eq, %arg0, %eq3A_47 : i32
      %convert_element_type3A_49 = arith.extui %eq3A_48 : i1 to i32
      %cond3A_50 = arith.constant 0 : i32
      %cond3A_51 = arith.cmpi ne, %convert_element_type3A_49, %cond3A_50 : i32
      scf.if %cond3A_51 {
        %dma_start3A = arith.constant 64 : i32
        %dma_start3A_77 = arith.constant 0 : i32
        %dma_start3A_78 = tpu.memref_slice %arg11[%dma_start3A, %dma_start3A_77] : memref<256x128xf32, #tpu.memory_space<vmem>> -> memref<64x128xf32, #tpu.memory_space<vmem>>
        %dma_start3A_79 = arith.constant 64 : i32
        %dma_start3A_80 = tpu.memref_slice %arg9[%dma_start3A_79] : memref<5120xi32, #tpu.memory_space<vmem>> -> memref<64xi32, #tpu.memory_space<vmem>>
        %dma_start3A_81 = arith.constant 0 : i32
        %dma_start3A_82 = arith.constant 0 : i32
        %dma_start3A_83 = tpu.memref_slice %arg3[%dma_start3A_81, %dma_start3A_82] : memref<10240x128xf32, #tpu.memory_space<hbm>> -> memref<10240x128xf32, #tpu.memory_space<hbm>>
        tpu.enqueue_indirect_dma source(%dma_start3A_83 : memref<10240x128xf32, #tpu.memory_space<hbm>>) target(%dma_start3A_78 : memref<64x128xf32, #tpu.memory_space<vmem>>) offsets(%dma_start3A_80 : memref<64xi32, #tpu.memory_space<vmem>>) semaphore(%arg13 : memref<!tpu.dma_semaphore, #tpu.memory_space<semaphore_mem>>)
      } else {
      }
      %eq3A_52 = arith.constant 0 : i32
      %eq3A_53 = arith.cmpi eq, %arg0, %eq3A_52 : i32
      %convert_element_type3A_54 = arith.extui %eq3A_53 : i1 to i32
      %cond3A_55 = arith.constant 0 : i32
      %cond3A_56 = arith.cmpi ne, %convert_element_type3A_54, %cond3A_55 : i32
      scf.if %cond3A_56 {
        %dma_start3A = arith.constant 128 : i32
        %dma_start3A_77 = arith.constant 0 : i32
        %dma_start3A_78 = tpu.memref_slice %arg11[%dma_start3A, %dma_start3A_77] : memref<256x128xf32, #tpu.memory_space<vmem>> -> memref<64x128xf32, #tpu.memory_space<vmem>>
        %dma_start3A_79 = arith.constant 128 : i32
        %dma_start3A_80 = tpu.memref_slice %arg9[%dma_start3A_79] : memref<5120xi32, #tpu.memory_space<vmem>> -> memref<64xi32, #tpu.memory_space<vmem>>
        %dma_start3A_81 = arith.constant 0 : i32
        %dma_start3A_82 = arith.constant 0 : i32
        %dma_start3A_83 = tpu.memref_slice %arg2[%dma_start3A_81, %dma_start3A_82] : memref<10240x128xf32, #tpu.memory_space<hbm>> -> memref<10240x128xf32, #tpu.memory_space<hbm>>
        tpu.enqueue_indirect_dma source(%dma_start3A_83 : memref<10240x128xf32, #tpu.memory_space<hbm>>) target(%dma_start3A_78 : memref<64x128xf32, #tpu.memory_space<vmem>>) offsets(%dma_start3A_80 : memref<64xi32, #tpu.memory_space<vmem>>) semaphore(%arg14 : memref<!tpu.dma_semaphore, #tpu.memory_space<semaphore_mem>>)
      } else {
      }
      %eq3A_57 = arith.constant 1 : i32
      %eq3A_58 = arith.cmpi eq, %arg0, %eq3A_57 : i32
      %convert_element_type3A_59 = arith.extui %eq3A_58 : i1 to i32
      %cond3A_60 = arith.constant 0 : i32
      %cond3A_61 = arith.cmpi ne, %convert_element_type3A_59, %cond3A_60 : i32
      scf.if %cond3A_61 {
        %dma_start3A = arith.constant 128 : i32
        %dma_start3A_77 = arith.constant 0 : i32
        %dma_start3A_78 = tpu.memref_slice %arg11[%dma_start3A, %dma_start3A_77] : memref<256x128xf32, #tpu.memory_space<vmem>> -> memref<64x128xf32, #tpu.memory_space<vmem>>
        %dma_start3A_79 = arith.constant 128 : i32
        %dma_start3A_80 = tpu.memref_slice %arg9[%dma_start3A_79] : memref<5120xi32, #tpu.memory_space<vmem>> -> memref<64xi32, #tpu.memory_space<vmem>>
        %dma_start3A_81 = arith.constant 0 : i32
        %dma_start3A_82 = arith.constant 0 : i32
        %dma_start3A_83 = tpu.memref_slice %arg3[%dma_start3A_81, %dma_start3A_82] : memref<10240x128xf32, #tpu.memory_space<hbm>> -> memref<10240x128xf32, #tpu.memory_space<hbm>>
        tpu.enqueue_indirect_dma source(%dma_start3A_83 : memref<10240x128xf32, #tpu.memory_space<hbm>>) target(%dma_start3A_78 : memref<64x128xf32, #tpu.memory_space<vmem>>) offsets(%dma_start3A_80 : memref<64xi32, #tpu.memory_space<vmem>>) semaphore(%arg14 : memref<!tpu.dma_semaphore, #tpu.memory_space<semaphore_mem>>)
      } else {
      }
      %eq3A_62 = arith.constant 0 : i32
      %eq3A_63 = arith.cmpi eq, %arg0, %eq3A_62 : i32
      %convert_element_type3A_64 = arith.extui %eq3A_63 : i1 to i32
      %cond3A_65 = arith.constant 0 : i32
      %cond3A_66 = arith.cmpi ne, %convert_element_type3A_64, %cond3A_65 : i32
      scf.if %cond3A_66 {
        %dma_start3A = arith.constant 192 : i32
        %dma_start3A_77 = arith.constant 0 : i32
        %dma_start3A_78 = tpu.memref_slice %arg11[%dma_start3A, %dma_start3A_77] : memref<256x128xf32, #tpu.memory_space<vmem>> -> memref<64x128xf32, #tpu.memory_space<vmem>>
        %dma_start3A_79 = arith.constant 192 : i32
        %dma_start3A_80 = tpu.memref_slice %arg9[%dma_start3A_79] : memref<5120xi32, #tpu.memory_space<vmem>> -> memref<64xi32, #tpu.memory_space<vmem>>
        %dma_start3A_81 = arith.constant 0 : i32
        %dma_start3A_82 = arith.constant 0 : i32
        %dma_start3A_83 = tpu.memref_slice %arg2[%dma_start3A_81, %dma_start3A_82] : memref<10240x128xf32, #tpu.memory_space<hbm>> -> memref<10240x128xf32, #tpu.memory_space<hbm>>
        tpu.enqueue_indirect_dma source(%dma_start3A_83 : memref<10240x128xf32, #tpu.memory_space<hbm>>) target(%dma_start3A_78 : memref<64x128xf32, #tpu.memory_space<vmem>>) offsets(%dma_start3A_80 : memref<64xi32, #tpu.memory_space<vmem>>) semaphore(%arg15 : memref<!tpu.dma_semaphore, #tpu.memory_space<semaphore_mem>>)
      } else {
      }
      %eq3A_67 = arith.constant 1 : i32
      %eq3A_68 = arith.cmpi eq, %arg0, %eq3A_67 : i32
      %convert_element_type3A_69 = arith.extui %eq3A_68 : i1 to i32
      %cond3A_70 = arith.constant 0 : i32
      %cond3A_71 = arith.cmpi ne, %convert_element_type3A_69, %cond3A_70 : i32
      scf.if %cond3A_71 {
        %dma_start3A = arith.constant 192 : i32
        %dma_start3A_77 = arith.constant 0 : i32
        %dma_start3A_78 = tpu.memref_slice %arg11[%dma_start3A, %dma_start3A_77] : memref<256x128xf32, #tpu.memory_space<vmem>> -> memref<64x128xf32, #tpu.memory_space<vmem>>
        %dma_start3A_79 = arith.constant 192 : i32
        %dma_start3A_80 = tpu.memref_slice %arg9[%dma_start3A_79] : memref<5120xi32, #tpu.memory_space<vmem>> -> memref<64xi32, #tpu.memory_space<vmem>>
        %dma_start3A_81 = arith.constant 0 : i32
        %dma_start3A_82 = arith.constant 0 : i32
        %dma_start3A_83 = tpu.memref_slice %arg3[%dma_start3A_81, %dma_start3A_82] : memref<10240x128xf32, #tpu.memory_space<hbm>> -> memref<10240x128xf32, #tpu.memory_space<hbm>>
        tpu.enqueue_indirect_dma source(%dma_start3A_83 : memref<10240x128xf32, #tpu.memory_space<hbm>>) target(%dma_start3A_78 : memref<64x128xf32, #tpu.memory_space<vmem>>) offsets(%dma_start3A_80 : memref<64xi32, #tpu.memory_space<vmem>>) semaphore(%arg15 : memref<!tpu.dma_semaphore, #tpu.memory_space<semaphore_mem>>)
      } else {
      }
      %scan3A_72 = arith.constant 0 : i32
      %scan3A_73 = arith.constant 20 : i32
      %scan3A_74 = arith.addi %scan3A_72, %scan3A_73 : i32
      %scan3A_75 = arith.constant 1 : i32
      scf.for %scan3A_77 = %scan3A_72 to %scan3A_74 step %scan3A_75  : i32 {
        %mul3A_78 = arith.constant 4 : i32
        %mul3A_79 = arith.muli %scan3A_77, %mul3A_78 : i32
        %add3A_80 = arith.constant 0 : i32
        %add3A_81 = arith.addi %add3A_80, %mul3A_79 : i32
        %add3A_82 = arith.constant 0 : i32
        %add3A_83 = arith.addi %add3A_81, %add3A_82 : i32
        %mul3A_84 = arith.constant 64 : i32
        %mul3A_85 = arith.muli %add3A_83, %mul3A_84 : i32
        %eq3A_86 = arith.constant 0 : i32
        %eq3A_87 = arith.cmpi eq, %arg0, %eq3A_86 : i32
        %convert_element_type3A_88 = arith.extui %eq3A_87 : i1 to i32
        %cond3A_89 = arith.constant 0 : i32
        %cond3A_90 = arith.cmpi ne, %convert_element_type3A_88, %cond3A_89 : i32
        scf.if %cond3A_90 {
          %dma_wait3A = arith.constant 0 : i32
          %dma_wait3A_181 = arith.constant 0 : i32
          %dma_wait3A_182 = tpu.memref_slice %arg11[%dma_wait3A, %dma_wait3A_181] : memref<256x128xf32, #tpu.memory_space<vmem>> -> memref<64x128xf32, #tpu.memory_space<vmem>>
          %dma_wait3A_183 = tpu.memref_slice %arg9[%mul3A_85] : memref<5120xi32, #tpu.memory_space<vmem>> -> memref<64xi32, #tpu.memory_space<vmem>>
          %dma_wait3A_184 = arith.constant 0 : i32
          %dma_wait3A_185 = arith.constant 0 : i32
          %dma_wait3A_186 = tpu.memref_slice %arg2[%dma_wait3A_184, %dma_wait3A_185] : memref<10240x128xf32, #tpu.memory_space<hbm>> -> memref<10240x128xf32, #tpu.memory_space<hbm>>
          tpu.wait_indirect_dma semaphore(%arg12 : memref<!tpu.dma_semaphore, #tpu.memory_space<semaphore_mem>>) src(%dma_wait3A_186 : memref<10240x128xf32, #tpu.memory_space<hbm>>) dst(%dma_wait3A_182 : memref<64x128xf32, #tpu.memory_space<vmem>>)
        } else {
        }
        %eq3A_91 = arith.constant 1 : i32
        %eq3A_92 = arith.cmpi eq, %arg0, %eq3A_91 : i32
        %convert_element_type3A_93 = arith.extui %eq3A_92 : i1 to i32
        %cond3A_94 = arith.constant 0 : i32
        %cond3A_95 = arith.cmpi ne, %convert_element_type3A_93, %cond3A_94 : i32
        scf.if %cond3A_95 {
          %dma_wait3A = arith.constant 0 : i32
          %dma_wait3A_181 = arith.constant 0 : i32
          %dma_wait3A_182 = tpu.memref_slice %arg11[%dma_wait3A, %dma_wait3A_181] : memref<256x128xf32, #tpu.memory_space<vmem>> -> memref<64x128xf32, #tpu.memory_space<vmem>>
          %dma_wait3A_183 = tpu.memref_slice %arg9[%mul3A_85] : memref<5120xi32, #tpu.memory_space<vmem>> -> memref<64xi32, #tpu.memory_space<vmem>>
          %dma_wait3A_184 = arith.constant 0 : i32
          %dma_wait3A_185 = arith.constant 0 : i32
          %dma_wait3A_186 = tpu.memref_slice %arg3[%dma_wait3A_184, %dma_wait3A_185] : memref<10240x128xf32, #tpu.memory_space<hbm>> -> memref<10240x128xf32, #tpu.memory_space<hbm>>
          tpu.wait_indirect_dma semaphore(%arg12 : memref<!tpu.dma_semaphore, #tpu.memory_space<semaphore_mem>>) src(%dma_wait3A_186 : memref<10240x128xf32, #tpu.memory_space<hbm>>) dst(%dma_wait3A_182 : memref<64x128xf32, #tpu.memory_space<vmem>>)
        } else {
        }
        %add3A_96 = arith.constant 0 : i32
        %add3A_97 = arith.addi %add3A_81, %add3A_96 : i32
        "tpu.region"() ({
          %run_scoped3A = tpu.sem_alloc : memref<!tpu.dma_semaphore, #tpu.memory_space<semaphore_mem>>
          %dma_start3A = arith.constant 0 : i32
          %dma_start3A_181 = arith.constant 0 : i32
          %dma_start3A_182 = tpu.memref_slice %arg11[%dma_start3A, %dma_start3A_181] : memref<256x128xf32, #tpu.memory_space<vmem>> -> memref<64x128xf32, #tpu.memory_space<vmem>>
          %dma_start3A_183 = arith.constant 0 : i32
          %dma_start3A_184 = tpu.memref_slice %arg10[%add3A_97, %dma_start3A_183] : memref<80x64xi32, #tpu.memory_space<vmem>> -> memref<1x64xi32, #tpu.memory_space<vmem>>
          %dma_start3A_185 = tpu.memref_squeeze %dma_start3A_184 : memref<1x64xi32, #tpu.memory_space<vmem>> -> memref<64xi32, #tpu.memory_space<vmem>>
          %dma_start3A_186 = arith.constant 0 : i32
          %dma_start3A_187 = arith.constant 0 : i32
          %dma_start3A_188 = tpu.memref_slice %arg8[%dma_start3A_186, %dma_start3A_187] : memref<10240x128xf32, #tpu.memory_space<vmem_shared>> -> memref<10240x128xf32, #tpu.memory_space<vmem_shared>>
          tpu.enqueue_indirect_dma source(%dma_start3A_182 : memref<64x128xf32, #tpu.memory_space<vmem>>) target(%dma_start3A_188 : memref<10240x128xf32, #tpu.memory_space<vmem_shared>>) offsets(%dma_start3A_185 : memref<64xi32, #tpu.memory_space<vmem>>) semaphore(%run_scoped3A : memref<!tpu.dma_semaphore, #tpu.memory_space<semaphore_mem>>) {add = true}
          %dma_wait3A = arith.constant 0 : i32
          %dma_wait3A_189 = arith.constant 0 : i32
          %dma_wait3A_190 = tpu.memref_slice %arg11[%dma_wait3A, %dma_wait3A_189] : memref<256x128xf32, #tpu.memory_space<vmem>> -> memref<64x128xf32, #tpu.memory_space<vmem>>
          %dma_wait3A_191 = arith.constant 0 : i32
          %dma_wait3A_192 = tpu.memref_slice %arg10[%add3A_97, %dma_wait3A_191] : memref<80x64xi32, #tpu.memory_space<vmem>> -> memref<1x64xi32, #tpu.memory_space<vmem>>
          %dma_wait3A_193 = tpu.memref_squeeze %dma_wait3A_192 : memref<1x64xi32, #tpu.memory_space<vmem>> -> memref<64xi32, #tpu.memory_space<vmem>>
          %dma_wait3A_194 = arith.constant 0 : i32
          %dma_wait3A_195 = arith.constant 0 : i32
          %dma_wait3A_196 = tpu.memref_slice %arg8[%dma_wait3A_194, %dma_wait3A_195] : memref<10240x128xf32, #tpu.memory_space<vmem_shared>> -> memref<10240x128xf32, #tpu.memory_space<vmem_shared>>
          tpu.wait_indirect_dma semaphore(%run_scoped3A : memref<!tpu.dma_semaphore, #tpu.memory_space<semaphore_mem>>) src(%dma_wait3A_190 : memref<64x128xf32, #tpu.memory_space<vmem>>) dst(%dma_wait3A_196 : memref<10240x128xf32, #tpu.memory_space<vmem_shared>>)
          tpu.yield
        }) : () -> ()
        %add3A_98 = arith.constant 0 : i32
        %add3A_99 = arith.addi %add3A_81, %add3A_98 : i32
        %add3A_100 = arith.constant 4 : i32
        %add3A_101 = arith.addi %add3A_99, %add3A_100 : i32
        %lt3A = arith.constant 80 : i32
        %lt3A_102 = arith.cmpi slt, %add3A_101, %lt3A : i32
        %convert_element_type3A_103 = arith.extui %lt3A_102 : i1 to i32
        %cond3A_104 = arith.constant 0 : i32
        %cond3A_105 = arith.cmpi ne, %convert_element_type3A_103, %cond3A_104 : i32
        scf.if %cond3A_105 {
          %add3A_181 = arith.constant 0 : i32
          %add3A_182 = arith.addi %add3A_81, %add3A_181 : i32
          %add3A_183 = arith.constant 4 : i32
          %add3A_184 = arith.addi %add3A_182, %add3A_183 : i32
          %mul3A_185 = arith.constant 64 : i32
          %mul3A_186 = arith.muli %add3A_184, %mul3A_185 : i32
          %eq3A_187 = arith.constant 0 : i32
          %eq3A_188 = arith.cmpi eq, %arg0, %eq3A_187 : i32
          %convert_element_type3A_189 = arith.extui %eq3A_188 : i1 to i32
          %cond3A_190 = arith.constant 0 : i32
          %cond3A_191 = arith.cmpi ne, %convert_element_type3A_189, %cond3A_190 : i32
          scf.if %cond3A_191 {
            %dma_start3A = arith.constant 0 : i32
            %dma_start3A_197 = arith.constant 0 : i32
            %dma_start3A_198 = tpu.memref_slice %arg11[%dma_start3A, %dma_start3A_197] : memref<256x128xf32, #tpu.memory_space<vmem>> -> memref<64x128xf32, #tpu.memory_space<vmem>>
            %dma_start3A_199 = tpu.memref_slice %arg9[%mul3A_186] : memref<5120xi32, #tpu.memory_space<vmem>> -> memref<64xi32, #tpu.memory_space<vmem>>
            %dma_start3A_200 = arith.constant 0 : i32
            %dma_start3A_201 = arith.constant 0 : i32
            %dma_start3A_202 = tpu.memref_slice %arg2[%dma_start3A_200, %dma_start3A_201] : memref<10240x128xf32, #tpu.memory_space<hbm>> -> memref<10240x128xf32, #tpu.memory_space<hbm>>
            tpu.enqueue_indirect_dma source(%dma_start3A_202 : memref<10240x128xf32, #tpu.memory_space<hbm>>) target(%dma_start3A_198 : memref<64x128xf32, #tpu.memory_space<vmem>>) offsets(%dma_start3A_199 : memref<64xi32, #tpu.memory_space<vmem>>) semaphore(%arg12 : memref<!tpu.dma_semaphore, #tpu.memory_space<semaphore_mem>>)
          } else {
          }
          %eq3A_192 = arith.constant 1 : i32
          %eq3A_193 = arith.cmpi eq, %arg0, %eq3A_192 : i32
          %convert_element_type3A_194 = arith.extui %eq3A_193 : i1 to i32
          %cond3A_195 = arith.constant 0 : i32
          %cond3A_196 = arith.cmpi ne, %convert_element_type3A_194, %cond3A_195 : i32
          scf.if %cond3A_196 {
            %dma_start3A = arith.constant 0 : i32
            %dma_start3A_197 = arith.constant 0 : i32
            %dma_start3A_198 = tpu.memref_slice %arg11[%dma_start3A, %dma_start3A_197] : memref<256x128xf32, #tpu.memory_space<vmem>> -> memref<64x128xf32, #tpu.memory_space<vmem>>
            %dma_start3A_199 = tpu.memref_slice %arg9[%mul3A_186] : memref<5120xi32, #tpu.memory_space<vmem>> -> memref<64xi32, #tpu.memory_space<vmem>>
            %dma_start3A_200 = arith.constant 0 : i32
            %dma_start3A_201 = arith.constant 0 : i32
            %dma_start3A_202 = tpu.memref_slice %arg3[%dma_start3A_200, %dma_start3A_201] : memref<10240x128xf32, #tpu.memory_space<hbm>> -> memref<10240x128xf32, #tpu.memory_space<hbm>>
            tpu.enqueue_indirect_dma source(%dma_start3A_202 : memref<10240x128xf32, #tpu.memory_space<hbm>>) target(%dma_start3A_198 : memref<64x128xf32, #tpu.memory_space<vmem>>) offsets(%dma_start3A_199 : memref<64xi32, #tpu.memory_space<vmem>>) semaphore(%arg12 : memref<!tpu.dma_semaphore, #tpu.memory_space<semaphore_mem>>)
          } else {
          }
        } else {
        }
        %add3A_106 = arith.constant 1 : i32
        %add3A_107 = arith.addi %add3A_81, %add3A_106 : i32
        %mul3A_108 = arith.constant 64 : i32
        %mul3A_109 = arith.muli %add3A_107, %mul3A_108 : i32
        %eq3A_110 = arith.constant 0 : i32
        %eq3A_111 = arith.cmpi eq, %arg0, %eq3A_110 : i32
        %convert_element_type3A_112 = arith.extui %eq3A_111 : i1 to i32
        %cond3A_113 = arith.constant 0 : i32
        %cond3A_114 = arith.cmpi ne, %convert_element_type3A_112, %cond3A_113 : i32
        scf.if %cond3A_114 {
          %dma_wait3A = arith.constant 64 : i32
          %dma_wait3A_181 = arith.constant 0 : i32
          %dma_wait3A_182 = tpu.memref_slice %arg11[%dma_wait3A, %dma_wait3A_181] : memref<256x128xf32, #tpu.memory_space<vmem>> -> memref<64x128xf32, #tpu.memory_space<vmem>>
          %dma_wait3A_183 = tpu.memref_slice %arg9[%mul3A_109] : memref<5120xi32, #tpu.memory_space<vmem>> -> memref<64xi32, #tpu.memory_space<vmem>>
          %dma_wait3A_184 = arith.constant 0 : i32
          %dma_wait3A_185 = arith.constant 0 : i32
          %dma_wait3A_186 = tpu.memref_slice %arg2[%dma_wait3A_184, %dma_wait3A_185] : memref<10240x128xf32, #tpu.memory_space<hbm>> -> memref<10240x128xf32, #tpu.memory_space<hbm>>
          tpu.wait_indirect_dma semaphore(%arg13 : memref<!tpu.dma_semaphore, #tpu.memory_space<semaphore_mem>>) src(%dma_wait3A_186 : memref<10240x128xf32, #tpu.memory_space<hbm>>) dst(%dma_wait3A_182 : memref<64x128xf32, #tpu.memory_space<vmem>>)
        } else {
        }
        %eq3A_115 = arith.constant 1 : i32
        %eq3A_116 = arith.cmpi eq, %arg0, %eq3A_115 : i32
        %convert_element_type3A_117 = arith.extui %eq3A_116 : i1 to i32
        %cond3A_118 = arith.constant 0 : i32
        %cond3A_119 = arith.cmpi ne, %convert_element_type3A_117, %cond3A_118 : i32
        scf.if %cond3A_119 {
          %dma_wait3A = arith.constant 64 : i32
          %dma_wait3A_181 = arith.constant 0 : i32
          %dma_wait3A_182 = tpu.memref_slice %arg11[%dma_wait3A, %dma_wait3A_181] : memref<256x128xf32, #tpu.memory_space<vmem>> -> memref<64x128xf32, #tpu.memory_space<vmem>>
          %dma_wait3A_183 = tpu.memref_slice %arg9[%mul3A_109] : memref<5120xi32, #tpu.memory_space<vmem>> -> memref<64xi32, #tpu.memory_space<vmem>>
          %dma_wait3A_184 = arith.constant 0 : i32
          %dma_wait3A_185 = arith.constant 0 : i32
          %dma_wait3A_186 = tpu.memref_slice %arg3[%dma_wait3A_184, %dma_wait3A_185] : memref<10240x128xf32, #tpu.memory_space<hbm>> -> memref<10240x128xf32, #tpu.memory_space<hbm>>
          tpu.wait_indirect_dma semaphore(%arg13 : memref<!tpu.dma_semaphore, #tpu.memory_space<semaphore_mem>>) src(%dma_wait3A_186 : memref<10240x128xf32, #tpu.memory_space<hbm>>) dst(%dma_wait3A_182 : memref<64x128xf32, #tpu.memory_space<vmem>>)
        } else {
        }
        %add3A_120 = arith.constant 1 : i32
        %add3A_121 = arith.addi %add3A_81, %add3A_120 : i32
        "tpu.region"() ({
          %run_scoped3A = tpu.sem_alloc : memref<!tpu.dma_semaphore, #tpu.memory_space<semaphore_mem>>
          %dma_start3A = arith.constant 64 : i32
          %dma_start3A_181 = arith.constant 0 : i32
          %dma_start3A_182 = tpu.memref_slice %arg11[%dma_start3A, %dma_start3A_181] : memref<256x128xf32, #tpu.memory_space<vmem>> -> memref<64x128xf32, #tpu.memory_space<vmem>>
          %dma_start3A_183 = arith.constant 0 : i32
          %dma_start3A_184 = tpu.memref_slice %arg10[%add3A_121, %dma_start3A_183] : memref<80x64xi32, #tpu.memory_space<vmem>> -> memref<1x64xi32, #tpu.memory_space<vmem>>
          %dma_start3A_185 = tpu.memref_squeeze %dma_start3A_184 : memref<1x64xi32, #tpu.memory_space<vmem>> -> memref<64xi32, #tpu.memory_space<vmem>>
          %dma_start3A_186 = arith.constant 0 : i32
          %dma_start3A_187 = arith.constant 0 : i32
          %dma_start3A_188 = tpu.memref_slice %arg8[%dma_start3A_186, %dma_start3A_187] : memref<10240x128xf32, #tpu.memory_space<vmem_shared>> -> memref<10240x128xf32, #tpu.memory_space<vmem_shared>>
          tpu.enqueue_indirect_dma source(%dma_start3A_182 : memref<64x128xf32, #tpu.memory_space<vmem>>) target(%dma_start3A_188 : memref<10240x128xf32, #tpu.memory_space<vmem_shared>>) offsets(%dma_start3A_185 : memref<64xi32, #tpu.memory_space<vmem>>) semaphore(%run_scoped3A : memref<!tpu.dma_semaphore, #tpu.memory_space<semaphore_mem>>) {add = true}
          %dma_wait3A = arith.constant 64 : i32
          %dma_wait3A_189 = arith.constant 0 : i32
          %dma_wait3A_190 = tpu.memref_slice %arg11[%dma_wait3A, %dma_wait3A_189] : memref<256x128xf32, #tpu.memory_space<vmem>> -> memref<64x128xf32, #tpu.memory_space<vmem>>
          %dma_wait3A_191 = arith.constant 0 : i32
          %dma_wait3A_192 = tpu.memref_slice %arg10[%add3A_121, %dma_wait3A_191] : memref<80x64xi32, #tpu.memory_space<vmem>> -> memref<1x64xi32, #tpu.memory_space<vmem>>
          %dma_wait3A_193 = tpu.memref_squeeze %dma_wait3A_192 : memref<1x64xi32, #tpu.memory_space<vmem>> -> memref<64xi32, #tpu.memory_space<vmem>>
          %dma_wait3A_194 = arith.constant 0 : i32
          %dma_wait3A_195 = arith.constant 0 : i32
          %dma_wait3A_196 = tpu.memref_slice %arg8[%dma_wait3A_194, %dma_wait3A_195] : memref<10240x128xf32, #tpu.memory_space<vmem_shared>> -> memref<10240x128xf32, #tpu.memory_space<vmem_shared>>
          tpu.wait_indirect_dma semaphore(%run_scoped3A : memref<!tpu.dma_semaphore, #tpu.memory_space<semaphore_mem>>) src(%dma_wait3A_190 : memref<64x128xf32, #tpu.memory_space<vmem>>) dst(%dma_wait3A_196 : memref<10240x128xf32, #tpu.memory_space<vmem_shared>>)
          tpu.yield
        }) : () -> ()
        %add3A_122 = arith.constant 1 : i32
        %add3A_123 = arith.addi %add3A_81, %add3A_122 : i32
        %add3A_124 = arith.constant 4 : i32
        %add3A_125 = arith.addi %add3A_123, %add3A_124 : i32
        %lt3A_126 = arith.constant 80 : i32
        %lt3A_127 = arith.cmpi slt, %add3A_125, %lt3A_126 : i32
        %convert_element_type3A_128 = arith.extui %lt3A_127 : i1 to i32
        %cond3A_129 = arith.constant 0 : i32
        %cond3A_130 = arith.cmpi ne, %convert_element_type3A_128, %cond3A_129 : i32
        scf.if %cond3A_130 {
          %add3A_181 = arith.constant 1 : i32
          %add3A_182 = arith.addi %add3A_81, %add3A_181 : i32
          %add3A_183 = arith.constant 4 : i32
          %add3A_184 = arith.addi %add3A_182, %add3A_183 : i32
          %mul3A_185 = arith.constant 64 : i32
          %mul3A_186 = arith.muli %add3A_184, %mul3A_185 : i32
          %eq3A_187 = arith.constant 0 : i32
          %eq3A_188 = arith.cmpi eq, %arg0, %eq3A_187 : i32
          %convert_element_type3A_189 = arith.extui %eq3A_188 : i1 to i32
          %cond3A_190 = arith.constant 0 : i32
          %cond3A_191 = arith.cmpi ne, %convert_element_type3A_189, %cond3A_190 : i32
          scf.if %cond3A_191 {
            %dma_start3A = arith.constant 64 : i32
            %dma_start3A_197 = arith.constant 0 : i32
            %dma_start3A_198 = tpu.memref_slice %arg11[%dma_start3A, %dma_start3A_197] : memref<256x128xf32, #tpu.memory_space<vmem>> -> memref<64x128xf32, #tpu.memory_space<vmem>>
            %dma_start3A_199 = tpu.memref_slice %arg9[%mul3A_186] : memref<5120xi32, #tpu.memory_space<vmem>> -> memref<64xi32, #tpu.memory_space<vmem>>
            %dma_start3A_200 = arith.constant 0 : i32
            %dma_start3A_201 = arith.constant 0 : i32
            %dma_start3A_202 = tpu.memref_slice %arg2[%dma_start3A_200, %dma_start3A_201] : memref<10240x128xf32, #tpu.memory_space<hbm>> -> memref<10240x128xf32, #tpu.memory_space<hbm>>
            tpu.enqueue_indirect_dma source(%dma_start3A_202 : memref<10240x128xf32, #tpu.memory_space<hbm>>) target(%dma_start3A_198 : memref<64x128xf32, #tpu.memory_space<vmem>>) offsets(%dma_start3A_199 : memref<64xi32, #tpu.memory_space<vmem>>) semaphore(%arg13 : memref<!tpu.dma_semaphore, #tpu.memory_space<semaphore_mem>>)
          } else {
          }
          %eq3A_192 = arith.constant 1 : i32
          %eq3A_193 = arith.cmpi eq, %arg0, %eq3A_192 : i32
          %convert_element_type3A_194 = arith.extui %eq3A_193 : i1 to i32
          %cond3A_195 = arith.constant 0 : i32
          %cond3A_196 = arith.cmpi ne, %convert_element_type3A_194, %cond3A_195 : i32
          scf.if %cond3A_196 {
            %dma_start3A = arith.constant 64 : i32
            %dma_start3A_197 = arith.constant 0 : i32
            %dma_start3A_198 = tpu.memref_slice %arg11[%dma_start3A, %dma_start3A_197] : memref<256x128xf32, #tpu.memory_space<vmem>> -> memref<64x128xf32, #tpu.memory_space<vmem>>
            %dma_start3A_199 = tpu.memref_slice %arg9[%mul3A_186] : memref<5120xi32, #tpu.memory_space<vmem>> -> memref<64xi32, #tpu.memory_space<vmem>>
            %dma_start3A_200 = arith.constant 0 : i32
            %dma_start3A_201 = arith.constant 0 : i32
            %dma_start3A_202 = tpu.memref_slice %arg3[%dma_start3A_200, %dma_start3A_201] : memref<10240x128xf32, #tpu.memory_space<hbm>> -> memref<10240x128xf32, #tpu.memory_space<hbm>>
            tpu.enqueue_indirect_dma source(%dma_start3A_202 : memref<10240x128xf32, #tpu.memory_space<hbm>>) target(%dma_start3A_198 : memref<64x128xf32, #tpu.memory_space<vmem>>) offsets(%dma_start3A_199 : memref<64xi32, #tpu.memory_space<vmem>>) semaphore(%arg13 : memref<!tpu.dma_semaphore, #tpu.memory_space<semaphore_mem>>)
          } else {
          }
        } else {
        }
        %add3A_131 = arith.constant 2 : i32
        %add3A_132 = arith.addi %add3A_81, %add3A_131 : i32
        %mul3A_133 = arith.constant 64 : i32
        %mul3A_134 = arith.muli %add3A_132, %mul3A_133 : i32
        %eq3A_135 = arith.constant 0 : i32
        %eq3A_136 = arith.cmpi eq, %arg0, %eq3A_135 : i32
        %convert_element_type3A_137 = arith.extui %eq3A_136 : i1 to i32
        %cond3A_138 = arith.constant 0 : i32
        %cond3A_139 = arith.cmpi ne, %convert_element_type3A_137, %cond3A_138 : i32
        scf.if %cond3A_139 {
          %dma_wait3A = arith.constant 128 : i32
          %dma_wait3A_181 = arith.constant 0 : i32
          %dma_wait3A_182 = tpu.memref_slice %arg11[%dma_wait3A, %dma_wait3A_181] : memref<256x128xf32, #tpu.memory_space<vmem>> -> memref<64x128xf32, #tpu.memory_space<vmem>>
          %dma_wait3A_183 = tpu.memref_slice %arg9[%mul3A_134] : memref<5120xi32, #tpu.memory_space<vmem>> -> memref<64xi32, #tpu.memory_space<vmem>>
          %dma_wait3A_184 = arith.constant 0 : i32
          %dma_wait3A_185 = arith.constant 0 : i32
          %dma_wait3A_186 = tpu.memref_slice %arg2[%dma_wait3A_184, %dma_wait3A_185] : memref<10240x128xf32, #tpu.memory_space<hbm>> -> memref<10240x128xf32, #tpu.memory_space<hbm>>
          tpu.wait_indirect_dma semaphore(%arg14 : memref<!tpu.dma_semaphore, #tpu.memory_space<semaphore_mem>>) src(%dma_wait3A_186 : memref<10240x128xf32, #tpu.memory_space<hbm>>) dst(%dma_wait3A_182 : memref<64x128xf32, #tpu.memory_space<vmem>>)
        } else {
        }
        %eq3A_140 = arith.constant 1 : i32
        %eq3A_141 = arith.cmpi eq, %arg0, %eq3A_140 : i32
        %convert_element_type3A_142 = arith.extui %eq3A_141 : i1 to i32
        %cond3A_143 = arith.constant 0 : i32
        %cond3A_144 = arith.cmpi ne, %convert_element_type3A_142, %cond3A_143 : i32
        scf.if %cond3A_144 {
          %dma_wait3A = arith.constant 128 : i32
          %dma_wait3A_181 = arith.constant 0 : i32
          %dma_wait3A_182 = tpu.memref_slice %arg11[%dma_wait3A, %dma_wait3A_181] : memref<256x128xf32, #tpu.memory_space<vmem>> -> memref<64x128xf32, #tpu.memory_space<vmem>>
          %dma_wait3A_183 = tpu.memref_slice %arg9[%mul3A_134] : memref<5120xi32, #tpu.memory_space<vmem>> -> memref<64xi32, #tpu.memory_space<vmem>>
          %dma_wait3A_184 = arith.constant 0 : i32
          %dma_wait3A_185 = arith.constant 0 : i32
          %dma_wait3A_186 = tpu.memref_slice %arg3[%dma_wait3A_184, %dma_wait3A_185] : memref<10240x128xf32, #tpu.memory_space<hbm>> -> memref<10240x128xf32, #tpu.memory_space<hbm>>
          tpu.wait_indirect_dma semaphore(%arg14 : memref<!tpu.dma_semaphore, #tpu.memory_space<semaphore_mem>>) src(%dma_wait3A_186 : memref<10240x128xf32, #tpu.memory_space<hbm>>) dst(%dma_wait3A_182 : memref<64x128xf32, #tpu.memory_space<vmem>>)
        } else {
        }
        %add3A_145 = arith.constant 2 : i32
        %add3A_146 = arith.addi %add3A_81, %add3A_145 : i32
        "tpu.region"() ({
          %run_scoped3A = tpu.sem_alloc : memref<!tpu.dma_semaphore, #tpu.memory_space<semaphore_mem>>
          %dma_start3A = arith.constant 128 : i32
          %dma_start3A_181 = arith.constant 0 : i32
          %dma_start3A_182 = tpu.memref_slice %arg11[%dma_start3A, %dma_start3A_181] : memref<256x128xf32, #tpu.memory_space<vmem>> -> memref<64x128xf32, #tpu.memory_space<vmem>>
          %dma_start3A_183 = arith.constant 0 : i32
          %dma_start3A_184 = tpu.memref_slice %arg10[%add3A_146, %dma_start3A_183] : memref<80x64xi32, #tpu.memory_space<vmem>> -> memref<1x64xi32, #tpu.memory_space<vmem>>
          %dma_start3A_185 = tpu.memref_squeeze %dma_start3A_184 : memref<1x64xi32, #tpu.memory_space<vmem>> -> memref<64xi32, #tpu.memory_space<vmem>>
          %dma_start3A_186 = arith.constant 0 : i32
          %dma_start3A_187 = arith.constant 0 : i32
          %dma_start3A_188 = tpu.memref_slice %arg8[%dma_start3A_186, %dma_start3A_187] : memref<10240x128xf32, #tpu.memory_space<vmem_shared>> -> memref<10240x128xf32, #tpu.memory_space<vmem_shared>>
          tpu.enqueue_indirect_dma source(%dma_start3A_182 : memref<64x128xf32, #tpu.memory_space<vmem>>) target(%dma_start3A_188 : memref<10240x128xf32, #tpu.memory_space<vmem_shared>>) offsets(%dma_start3A_185 : memref<64xi32, #tpu.memory_space<vmem>>) semaphore(%run_scoped3A : memref<!tpu.dma_semaphore, #tpu.memory_space<semaphore_mem>>) {add = true}
          %dma_wait3A = arith.constant 128 : i32
          %dma_wait3A_189 = arith.constant 0 : i32
          %dma_wait3A_190 = tpu.memref_slice %arg11[%dma_wait3A, %dma_wait3A_189] : memref<256x128xf32, #tpu.memory_space<vmem>> -> memref<64x128xf32, #tpu.memory_space<vmem>>
          %dma_wait3A_191 = arith.constant 0 : i32
          %dma_wait3A_192 = tpu.memref_slice %arg10[%add3A_146, %dma_wait3A_191] : memref<80x64xi32, #tpu.memory_space<vmem>> -> memref<1x64xi32, #tpu.memory_space<vmem>>
          %dma_wait3A_193 = tpu.memref_squeeze %dma_wait3A_192 : memref<1x64xi32, #tpu.memory_space<vmem>> -> memref<64xi32, #tpu.memory_space<vmem>>
          %dma_wait3A_194 = arith.constant 0 : i32
          %dma_wait3A_195 = arith.constant 0 : i32
          %dma_wait3A_196 = tpu.memref_slice %arg8[%dma_wait3A_194, %dma_wait3A_195] : memref<10240x128xf32, #tpu.memory_space<vmem_shared>> -> memref<10240x128xf32, #tpu.memory_space<vmem_shared>>
          tpu.wait_indirect_dma semaphore(%run_scoped3A : memref<!tpu.dma_semaphore, #tpu.memory_space<semaphore_mem>>) src(%dma_wait3A_190 : memref<64x128xf32, #tpu.memory_space<vmem>>) dst(%dma_wait3A_196 : memref<10240x128xf32, #tpu.memory_space<vmem_shared>>)
          tpu.yield
        }) : () -> ()
        %add3A_147 = arith.constant 2 : i32
        %add3A_148 = arith.addi %add3A_81, %add3A_147 : i32
        %add3A_149 = arith.constant 4 : i32
        %add3A_150 = arith.addi %add3A_148, %add3A_149 : i32
        %lt3A_151 = arith.constant 80 : i32
        %lt3A_152 = arith.cmpi slt, %add3A_150, %lt3A_151 : i32
        %convert_element_type3A_153 = arith.extui %lt3A_152 : i1 to i32
        %cond3A_154 = arith.constant 0 : i32
        %cond3A_155 = arith.cmpi ne, %convert_element_type3A_153, %cond3A_154 : i32
        scf.if %cond3A_155 {
          %add3A_181 = arith.constant 2 : i32
          %add3A_182 = arith.addi %add3A_81, %add3A_181 : i32
          %add3A_183 = arith.constant 4 : i32
          %add3A_184 = arith.addi %add3A_182, %add3A_183 : i32
          %mul3A_185 = arith.constant 64 : i32
          %mul3A_186 = arith.muli %add3A_184, %mul3A_185 : i32
          %eq3A_187 = arith.constant 0 : i32
          %eq3A_188 = arith.cmpi eq, %arg0, %eq3A_187 : i32
          %convert_element_type3A_189 = arith.extui %eq3A_188 : i1 to i32
          %cond3A_190 = arith.constant 0 : i32
          %cond3A_191 = arith.cmpi ne, %convert_element_type3A_189, %cond3A_190 : i32
          scf.if %cond3A_191 {
            %dma_start3A = arith.constant 128 : i32
            %dma_start3A_197 = arith.constant 0 : i32
            %dma_start3A_198 = tpu.memref_slice %arg11[%dma_start3A, %dma_start3A_197] : memref<256x128xf32, #tpu.memory_space<vmem>> -> memref<64x128xf32, #tpu.memory_space<vmem>>
            %dma_start3A_199 = tpu.memref_slice %arg9[%mul3A_186] : memref<5120xi32, #tpu.memory_space<vmem>> -> memref<64xi32, #tpu.memory_space<vmem>>
            %dma_start3A_200 = arith.constant 0 : i32
            %dma_start3A_201 = arith.constant 0 : i32
            %dma_start3A_202 = tpu.memref_slice %arg2[%dma_start3A_200, %dma_start3A_201] : memref<10240x128xf32, #tpu.memory_space<hbm>> -> memref<10240x128xf32, #tpu.memory_space<hbm>>
            tpu.enqueue_indirect_dma source(%dma_start3A_202 : memref<10240x128xf32, #tpu.memory_space<hbm>>) target(%dma_start3A_198 : memref<64x128xf32, #tpu.memory_space<vmem>>) offsets(%dma_start3A_199 : memref<64xi32, #tpu.memory_space<vmem>>) semaphore(%arg14 : memref<!tpu.dma_semaphore, #tpu.memory_space<semaphore_mem>>)
          } else {
          }
          %eq3A_192 = arith.constant 1 : i32
          %eq3A_193 = arith.cmpi eq, %arg0, %eq3A_192 : i32
          %convert_element_type3A_194 = arith.extui %eq3A_193 : i1 to i32
          %cond3A_195 = arith.constant 0 : i32
          %cond3A_196 = arith.cmpi ne, %convert_element_type3A_194, %cond3A_195 : i32
          scf.if %cond3A_196 {
            %dma_start3A = arith.constant 128 : i32
            %dma_start3A_197 = arith.constant 0 : i32
            %dma_start3A_198 = tpu.memref_slice %arg11[%dma_start3A, %dma_start3A_197] : memref<256x128xf32, #tpu.memory_space<vmem>> -> memref<64x128xf32, #tpu.memory_space<vmem>>
            %dma_start3A_199 = tpu.memref_slice %arg9[%mul3A_186] : memref<5120xi32, #tpu.memory_space<vmem>> -> memref<64xi32, #tpu.memory_space<vmem>>
            %dma_start3A_200 = arith.constant 0 : i32
            %dma_start3A_201 = arith.constant 0 : i32
            %dma_start3A_202 = tpu.memref_slice %arg3[%dma_start3A_200, %dma_start3A_201] : memref<10240x128xf32, #tpu.memory_space<hbm>> -> memref<10240x128xf32, #tpu.memory_space<hbm>>
            tpu.enqueue_indirect_dma source(%dma_start3A_202 : memref<10240x128xf32, #tpu.memory_space<hbm>>) target(%dma_start3A_198 : memref<64x128xf32, #tpu.memory_space<vmem>>) offsets(%dma_start3A_199 : memref<64xi32, #tpu.memory_space<vmem>>) semaphore(%arg14 : memref<!tpu.dma_semaphore, #tpu.memory_space<semaphore_mem>>)
          } else {
          }
        } else {
        }
        %add3A_156 = arith.constant 3 : i32
        %add3A_157 = arith.addi %add3A_81, %add3A_156 : i32
        %mul3A_158 = arith.constant 64 : i32
        %mul3A_159 = arith.muli %add3A_157, %mul3A_158 : i32
        %eq3A_160 = arith.constant 0 : i32
        %eq3A_161 = arith.cmpi eq, %arg0, %eq3A_160 : i32
        %convert_element_type3A_162 = arith.extui %eq3A_161 : i1 to i32
        %cond3A_163 = arith.constant 0 : i32
        %cond3A_164 = arith.cmpi ne, %convert_element_type3A_162, %cond3A_163 : i32
        scf.if %cond3A_164 {
          %dma_wait3A = arith.constant 192 : i32
          %dma_wait3A_181 = arith.constant 0 : i32
          %dma_wait3A_182 = tpu.memref_slice %arg11[%dma_wait3A, %dma_wait3A_181] : memref<256x128xf32, #tpu.memory_space<vmem>> -> memref<64x128xf32, #tpu.memory_space<vmem>>
          %dma_wait3A_183 = tpu.memref_slice %arg9[%mul3A_159] : memref<5120xi32, #tpu.memory_space<vmem>> -> memref<64xi32, #tpu.memory_space<vmem>>
          %dma_wait3A_184 = arith.constant 0 : i32
          %dma_wait3A_185 = arith.constant 0 : i32
          %dma_wait3A_186 = tpu.memref_slice %arg2[%dma_wait3A_184, %dma_wait3A_185] : memref<10240x128xf32, #tpu.memory_space<hbm>> -> memref<10240x128xf32, #tpu.memory_space<hbm>>
          tpu.wait_indirect_dma semaphore(%arg15 : memref<!tpu.dma_semaphore, #tpu.memory_space<semaphore_mem>>) src(%dma_wait3A_186 : memref<10240x128xf32, #tpu.memory_space<hbm>>) dst(%dma_wait3A_182 : memref<64x128xf32, #tpu.memory_space<vmem>>)
        } else {
        }
        %eq3A_165 = arith.constant 1 : i32
        %eq3A_166 = arith.cmpi eq, %arg0, %eq3A_165 : i32
        %convert_element_type3A_167 = arith.extui %eq3A_166 : i1 to i32
        %cond3A_168 = arith.constant 0 : i32
        %cond3A_169 = arith.cmpi ne, %convert_element_type3A_167, %cond3A_168 : i32
        scf.if %cond3A_169 {
          %dma_wait3A = arith.constant 192 : i32
          %dma_wait3A_181 = arith.constant 0 : i32
          %dma_wait3A_182 = tpu.memref_slice %arg11[%dma_wait3A, %dma_wait3A_181] : memref<256x128xf32, #tpu.memory_space<vmem>> -> memref<64x128xf32, #tpu.memory_space<vmem>>
          %dma_wait3A_183 = tpu.memref_slice %arg9[%mul3A_159] : memref<5120xi32, #tpu.memory_space<vmem>> -> memref<64xi32, #tpu.memory_space<vmem>>
          %dma_wait3A_184 = arith.constant 0 : i32
          %dma_wait3A_185 = arith.constant 0 : i32
          %dma_wait3A_186 = tpu.memref_slice %arg3[%dma_wait3A_184, %dma_wait3A_185] : memref<10240x128xf32, #tpu.memory_space<hbm>> -> memref<10240x128xf32, #tpu.memory_space<hbm>>
          tpu.wait_indirect_dma semaphore(%arg15 : memref<!tpu.dma_semaphore, #tpu.memory_space<semaphore_mem>>) src(%dma_wait3A_186 : memref<10240x128xf32, #tpu.memory_space<hbm>>) dst(%dma_wait3A_182 : memref<64x128xf32, #tpu.memory_space<vmem>>)
        } else {
        }
        %add3A_170 = arith.constant 3 : i32
        %add3A_171 = arith.addi %add3A_81, %add3A_170 : i32
        "tpu.region"() ({
          %run_scoped3A = tpu.sem_alloc : memref<!tpu.dma_semaphore, #tpu.memory_space<semaphore_mem>>
          %dma_start3A = arith.constant 192 : i32
          %dma_start3A_181 = arith.constant 0 : i32
          %dma_start3A_182 = tpu.memref_slice %arg11[%dma_start3A, %dma_start3A_181] : memref<256x128xf32, #tpu.memory_space<vmem>> -> memref<64x128xf32, #tpu.memory_space<vmem>>
          %dma_start3A_183 = arith.constant 0 : i32
          %dma_start3A_184 = tpu.memref_slice %arg10[%add3A_171, %dma_start3A_183] : memref<80x64xi32, #tpu.memory_space<vmem>> -> memref<1x64xi32, #tpu.memory_space<vmem>>
          %dma_start3A_185 = tpu.memref_squeeze %dma_start3A_184 : memref<1x64xi32, #tpu.memory_space<vmem>> -> memref<64xi32, #tpu.memory_space<vmem>>
          %dma_start3A_186 = arith.constant 0 : i32
          %dma_start3A_187 = arith.constant 0 : i32
          %dma_start3A_188 = tpu.memref_slice %arg8[%dma_start3A_186, %dma_start3A_187] : memref<10240x128xf32, #tpu.memory_space<vmem_shared>> -> memref<10240x128xf32, #tpu.memory_space<vmem_shared>>
          tpu.enqueue_indirect_dma source(%dma_start3A_182 : memref<64x128xf32, #tpu.memory_space<vmem>>) target(%dma_start3A_188 : memref<10240x128xf32, #tpu.memory_space<vmem_shared>>) offsets(%dma_start3A_185 : memref<64xi32, #tpu.memory_space<vmem>>) semaphore(%run_scoped3A : memref<!tpu.dma_semaphore, #tpu.memory_space<semaphore_mem>>) {add = true}
          %dma_wait3A = arith.constant 192 : i32
          %dma_wait3A_189 = arith.constant 0 : i32
          %dma_wait3A_190 = tpu.memref_slice %arg11[%dma_wait3A, %dma_wait3A_189] : memref<256x128xf32, #tpu.memory_space<vmem>> -> memref<64x128xf32, #tpu.memory_space<vmem>>
          %dma_wait3A_191 = arith.constant 0 : i32
          %dma_wait3A_192 = tpu.memref_slice %arg10[%add3A_171, %dma_wait3A_191] : memref<80x64xi32, #tpu.memory_space<vmem>> -> memref<1x64xi32, #tpu.memory_space<vmem>>
          %dma_wait3A_193 = tpu.memref_squeeze %dma_wait3A_192 : memref<1x64xi32, #tpu.memory_space<vmem>> -> memref<64xi32, #tpu.memory_space<vmem>>
          %dma_wait3A_194 = arith.constant 0 : i32
          %dma_wait3A_195 = arith.constant 0 : i32
          %dma_wait3A_196 = tpu.memref_slice %arg8[%dma_wait3A_194, %dma_wait3A_195] : memref<10240x128xf32, #tpu.memory_space<vmem_shared>> -> memref<10240x128xf32, #tpu.memory_space<vmem_shared>>
          tpu.wait_indirect_dma semaphore(%run_scoped3A : memref<!tpu.dma_semaphore, #tpu.memory_space<semaphore_mem>>) src(%dma_wait3A_190 : memref<64x128xf32, #tpu.memory_space<vmem>>) dst(%dma_wait3A_196 : memref<10240x128xf32, #tpu.memory_space<vmem_shared>>)
          tpu.yield
        }) : () -> ()
        %add3A_172 = arith.constant 3 : i32
        %add3A_173 = arith.addi %add3A_81, %add3A_172 : i32
        %add3A_174 = arith.constant 4 : i32
        %add3A_175 = arith.addi %add3A_173, %add3A_174 : i32
        %lt3A_176 = arith.constant 80 : i32
        %lt3A_177 = arith.cmpi slt, %add3A_175, %lt3A_176 : i32
        %convert_element_type3A_178 = arith.extui %lt3A_177 : i1 to i32
        %cond3A_179 = arith.constant 0 : i32
        %cond3A_180 = arith.cmpi ne, %convert_element_type3A_178, %cond3A_179 : i32
        scf.if %cond3A_180 {
          %add3A_181 = arith.constant 3 : i32
          %add3A_182 = arith.addi %add3A_81, %add3A_181 : i32
          %add3A_183 = arith.constant 4 : i32
          %add3A_184 = arith.addi %add3A_182, %add3A_183 : i32
          %mul3A_185 = arith.constant 64 : i32
          %mul3A_186 = arith.muli %add3A_184, %mul3A_185 : i32
          %eq3A_187 = arith.constant 0 : i32
          %eq3A_188 = arith.cmpi eq, %arg0, %eq3A_187 : i32
          %convert_element_type3A_189 = arith.extui %eq3A_188 : i1 to i32
          %cond3A_190 = arith.constant 0 : i32
          %cond3A_191 = arith.cmpi ne, %convert_element_type3A_189, %cond3A_190 : i32
          scf.if %cond3A_191 {
            %dma_start3A = arith.constant 192 : i32
            %dma_start3A_197 = arith.constant 0 : i32
            %dma_start3A_198 = tpu.memref_slice %arg11[%dma_start3A, %dma_start3A_197] : memref<256x128xf32, #tpu.memory_space<vmem>> -> memref<64x128xf32, #tpu.memory_space<vmem>>
            %dma_start3A_199 = tpu.memref_slice %arg9[%mul3A_186] : memref<5120xi32, #tpu.memory_space<vmem>> -> memref<64xi32, #tpu.memory_space<vmem>>
            %dma_start3A_200 = arith.constant 0 : i32
            %dma_start3A_201 = arith.constant 0 : i32
            %dma_start3A_202 = tpu.memref_slice %arg2[%dma_start3A_200, %dma_start3A_201] : memref<10240x128xf32, #tpu.memory_space<hbm>> -> memref<10240x128xf32, #tpu.memory_space<hbm>>
            tpu.enqueue_indirect_dma source(%dma_start3A_202 : memref<10240x128xf32, #tpu.memory_space<hbm>>) target(%dma_start3A_198 : memref<64x128xf32, #tpu.memory_space<vmem>>) offsets(%dma_start3A_199 : memref<64xi32, #tpu.memory_space<vmem>>) semaphore(%arg15 : memref<!tpu.dma_semaphore, #tpu.memory_space<semaphore_mem>>)
          } else {
          }
          %eq3A_192 = arith.constant 1 : i32
          %eq3A_193 = arith.cmpi eq, %arg0, %eq3A_192 : i32
          %convert_element_type3A_194 = arith.extui %eq3A_193 : i1 to i32
          %cond3A_195 = arith.constant 0 : i32
          %cond3A_196 = arith.cmpi ne, %convert_element_type3A_194, %cond3A_195 : i32
          scf.if %cond3A_196 {
            %dma_start3A = arith.constant 192 : i32
            %dma_start3A_197 = arith.constant 0 : i32
            %dma_start3A_198 = tpu.memref_slice %arg11[%dma_start3A, %dma_start3A_197] : memref<256x128xf32, #tpu.memory_space<vmem>> -> memref<64x128xf32, #tpu.memory_space<vmem>>
            %dma_start3A_199 = tpu.memref_slice %arg9[%mul3A_186] : memref<5120xi32, #tpu.memory_space<vmem>> -> memref<64xi32, #tpu.memory_space<vmem>>
            %dma_start3A_200 = arith.constant 0 : i32
            %dma_start3A_201 = arith.constant 0 : i32
            %dma_start3A_202 = tpu.memref_slice %arg3[%dma_start3A_200, %dma_start3A_201] : memref<10240x128xf32, #tpu.memory_space<hbm>> -> memref<10240x128xf32, #tpu.memory_space<hbm>>
            tpu.enqueue_indirect_dma source(%dma_start3A_202 : memref<10240x128xf32, #tpu.memory_space<hbm>>) target(%dma_start3A_198 : memref<64x128xf32, #tpu.memory_space<vmem>>) offsets(%dma_start3A_199 : memref<64xi32, #tpu.memory_space<vmem>>) semaphore(%arg15 : memref<!tpu.dma_semaphore, #tpu.memory_space<semaphore_mem>>)
          } else {
          }
        } else {
        }
      }
      %scan3A_76 = arith.constant 20 : i32
    }
    %scan3A_13 = arith.constant 4 : i32
    %barrier3A_14 = arith.constant 0 : index
    tpu.barrier barrier_id(%barrier3A_14)
    %eq3A = arith.constant 0 : i32
    %eq3A_15 = arith.cmpi eq, %arg0, %eq3A : i32
    %convert_element_type3A = arith.extui %eq3A_15 : i1 to i32
    %cond3A = arith.constant 0 : i32
    %cond3A_16 = arith.cmpi ne, %convert_element_type3A, %cond3A : i32
    scf.if %cond3A_16 {
      %mul3A = arith.constant 640 : i32
      %mul3A_22 = arith.muli %arg1, %mul3A : i32
      %mul3A_23 = arith.constant 640 : i32
      %mul3A_24 = arith.muli %arg1, %mul3A_23 : i32
      "tpu.region"() ({
        %run_scoped3A = tpu.sem_alloc : memref<!tpu.dma_semaphore, #tpu.memory_space<semaphore_mem>>
        %dma_start3A = arith.constant 0 : i32
        %dma_start3A_25 = tpu.memref_slice %arg6[%mul3A_24, %dma_start3A] : memref<10240x128xf32, #tpu.memory_space<hbm>> -> memref<640x128xf32, #tpu.memory_space<hbm>>
        %dma_start3A_26 = arith.constant 0 : i32
        %dma_start3A_27 = tpu.memref_slice %arg8[%mul3A_22, %dma_start3A_26] : memref<10240x128xf32, #tpu.memory_space<vmem_shared>> -> memref<640x128xf32, #tpu.memory_space<vmem_shared>>
        tpu.enqueue_dma source(%dma_start3A_27 : memref<640x128xf32, #tpu.memory_space<vmem_shared>>) target(%dma_start3A_25 : memref<640x128xf32, #tpu.memory_space<hbm>>) target_semaphore(%run_scoped3A : memref<!tpu.dma_semaphore, #tpu.memory_space<semaphore_mem>>)
        %dma_wait3A = arith.constant 0 : i32
        %dma_wait3A_28 = tpu.memref_slice %arg6[%mul3A_24, %dma_wait3A] : memref<10240x128xf32, #tpu.memory_space<hbm>> -> memref<640x128xf32, #tpu.memory_space<hbm>>
        %dma_wait3A_29 = arith.constant 0 : i32
        %dma_wait3A_30 = tpu.memref_slice %arg8[%mul3A_22, %dma_wait3A_29] : memref<10240x128xf32, #tpu.memory_space<vmem_shared>> -> memref<640x128xf32, #tpu.memory_space<vmem_shared>>
        tpu.wait_dma2 semaphore(%run_scoped3A : memref<!tpu.dma_semaphore, #tpu.memory_space<semaphore_mem>>) src(%dma_wait3A_30 : memref<640x128xf32, #tpu.memory_space<vmem_shared>>) dst(%dma_wait3A_28 : memref<640x128xf32, #tpu.memory_space<hbm>>)
        tpu.yield
      }) : () -> ()
    } else {
    }
    %eq3A_17 = arith.constant 1 : i32
    %eq3A_18 = arith.cmpi eq, %arg0, %eq3A_17 : i32
    %convert_element_type3A_19 = arith.extui %eq3A_18 : i1 to i32
    %cond3A_20 = arith.constant 0 : i32
    %cond3A_21 = arith.cmpi ne, %convert_element_type3A_19, %cond3A_20 : i32
    scf.if %cond3A_21 {
      %mul3A = arith.constant 640 : i32
      %mul3A_22 = arith.muli %arg1, %mul3A : i32
      %mul3A_23 = arith.constant 640 : i32
      %mul3A_24 = arith.muli %arg1, %mul3A_23 : i32
      "tpu.region"() ({
        %run_scoped3A = tpu.sem_alloc : memref<!tpu.dma_semaphore, #tpu.memory_space<semaphore_mem>>
        %dma_start3A = arith.constant 0 : i32
        %dma_start3A_25 = tpu.memref_slice %arg7[%mul3A_24, %dma_start3A] : memref<10240x128xf32, #tpu.memory_space<hbm>> -> memref<640x128xf32, #tpu.memory_space<hbm>>
        %dma_start3A_26 = arith.constant 0 : i32
        %dma_start3A_27 = tpu.memref_slice %arg8[%mul3A_22, %dma_start3A_26] : memref<10240x128xf32, #tpu.memory_space<vmem_shared>> -> memref<640x128xf32, #tpu.memory_space<vmem_shared>>
        tpu.enqueue_dma source(%dma_start3A_27 : memref<640x128xf32, #tpu.memory_space<vmem_shared>>) target(%dma_start3A_25 : memref<640x128xf32, #tpu.memory_space<hbm>>) target_semaphore(%run_scoped3A : memref<!tpu.dma_semaphore, #tpu.memory_space<semaphore_mem>>)
        %dma_wait3A = arith.constant 0 : i32
        %dma_wait3A_28 = tpu.memref_slice %arg7[%mul3A_24, %dma_wait3A] : memref<10240x128xf32, #tpu.memory_space<hbm>> -> memref<640x128xf32, #tpu.memory_space<hbm>>
        %dma_wait3A_29 = arith.constant 0 : i32
        %dma_wait3A_30 = tpu.memref_slice %arg8[%mul3A_22, %dma_wait3A_29] : memref<10240x128xf32, #tpu.memory_space<vmem_shared>> -> memref<640x128xf32, #tpu.memory_space<vmem_shared>>
        tpu.wait_dma2 semaphore(%run_scoped3A : memref<!tpu.dma_semaphore, #tpu.memory_space<semaphore_mem>>) src(%dma_wait3A_30 : memref<640x128xf32, #tpu.memory_space<vmem_shared>>) dst(%dma_wait3A_28 : memref<640x128xf32, #tpu.memory_space<hbm>>)
        tpu.yield
      }) : () -> ()
    } else {
    }
    return
  }
}

module attributes {stable_mosaic.version = 14 : i64} {
  func.func @_mm1_body(%arg0: i32, %arg1: memref<1024x128xf32, #tpu.memory_space<vmem>>, %arg2: memref<128x256xf32, #tpu.memory_space<vmem>>, %arg3: memref<1024x1xf32, #tpu.memory_space<vmem>>, %arg4: memref<1024x1xf32, #tpu.memory_space<vmem>>, %arg5: memref<1024x128xf32, #tpu.memory_space<vmem>>, %arg6: memref<1024x128xf32, #tpu.memory_space<vmem>>, %arg7: memref<1024x1xf32, #tpu.memory_space<vmem>>) attributes {dimension_semantics = [#tpu.dimension_semantics<arbitrary>], iteration_bounds = array<i64: 10>, scalar_prefetch = 0 : i64, scratch_operands = 0 : i64, tpu.core_type = #tpu.core_type<tc>, window_params = [{transform_indices = @transform_0, window_bounds = array<i64: 1024, 128>}, {pipeline_mode = #tpu.pipeline_mode<synchronous>, transform_indices = @transform_1, window_bounds = array<i64: 128, 256>}, {transform_indices = @transform_2, window_bounds = array<i64: 1024, 1>}, {transform_indices = @transform_3, window_bounds = array<i64: 1024, 1>}, {transform_indices = @transform_4, window_bounds = array<i64: 1024, 128>}, {transform_indices = @transform_5, window_bounds = array<i64: 1024, 128>}, {transform_indices = @transform_6, window_bounds = array<i64: 1024, 1>}]} {
    %get3A = arith.constant 0 : index
    %get3A_0 = arith.constant 0 : index
    %get3A_1 = vector.load %arg3[%get3A, %get3A_0] : memref<1024x1xf32, #tpu.memory_space<vmem>>, vector<1024x1xf32>
    %get3A_2 = arith.constant 0 : index
    %get3A_3 = arith.constant 0 : index
    %get3A_4 = vector.load %arg4[%get3A_2, %get3A_3] : memref<1024x1xf32, #tpu.memory_space<vmem>>, vector<1024x1xf32>
    %add3A = arith.addf %get3A_1, %get3A_4 : vector<1024x1xf32>
    %add3A_5 = arith.constant 1.000000e+00 : f32
    %add3A_6 = vector.broadcast %add3A_5 : f32 to vector<1024x1xf32>
    %add3A_7 = arith.addf %add3A, %add3A_6 : vector<1024x1xf32>
    %rsqrt3A = math.rsqrt %add3A_7 : vector<1024x1xf32>
    %get3A_8 = arith.constant 0 : index
    %get3A_9 = arith.constant 0 : index
    %get3A_10 = vector.load %arg1[%get3A_8, %get3A_9] : memref<1024x128xf32, #tpu.memory_space<vmem>>, vector<1024x128xf32>
    %get3A_11 = arith.constant 0 : index
    %get3A_12 = arith.constant 0 : index
    %get3A_13 = vector.load %arg2[%get3A_11, %get3A_12] : memref<128x256xf32, #tpu.memory_space<vmem>>, vector<128x256xf32>
    %dot_general3A = arith.constant dense<0.000000e+00> : vector<1024x256xf32>
    %dot_general3A_14 = tpu.matmul %get3A_10, %get3A_13, %dot_general3A {dimension_numbers = #tpu.dot_dimension_numbers<[1], [0], [0], [1], [0, 0, 1, 1], [], []>, transpose_lhs_hint = false} : vector<1024x128xf32>, vector<128x256xf32>, vector<1024x256xf32> -> vector<1024x256xf32>
    %mul3A = vector.broadcast %rsqrt3A : vector<1024x1xf32> to vector<1024x256xf32>
    %mul3A_15 = arith.mulf %dot_general3A_14, %mul3A : vector<1024x256xf32>
    %slice3A = vector.extract_strided_slice %mul3A_15 {offsets = [0, 0], sizes = [1024, 128], strides = [1, 1]} : vector<1024x256xf32> to vector<1024x128xf32>
    %swap3A = arith.constant 0 : index
    %swap3A_16 = arith.constant 0 : index
    %swap3A_17 = vector.load %arg5[%swap3A, %swap3A_16] : memref<1024x128xf32, #tpu.memory_space<vmem>>, vector<1024x128xf32>
    tpu.vector_store %arg5[%swap3A, %swap3A_16], %slice3A {strides = array<i32>} : memref<1024x128xf32, #tpu.memory_space<vmem>>, vector<1024x128xf32>,
    %slice3A_18 = vector.extract_strided_slice %mul3A_15 {offsets = [0, 128], sizes = [1024, 128], strides = [1, 1]} : vector<1024x256xf32> to vector<1024x128xf32>
    %swap3A_19 = arith.constant 0 : index
    %swap3A_20 = arith.constant 0 : index
    %swap3A_21 = vector.load %arg6[%swap3A_19, %swap3A_20] : memref<1024x128xf32, #tpu.memory_space<vmem>>, vector<1024x128xf32>
    tpu.vector_store %arg6[%swap3A_19, %swap3A_20], %slice3A_18 {strides = array<i32>} : memref<1024x128xf32, #tpu.memory_space<vmem>>, vector<1024x128xf32>,
    %swap3A_22 = arith.constant 0 : index
    %swap3A_23 = arith.constant 0 : index
    %swap3A_24 = vector.load %arg7[%swap3A_22, %swap3A_23] : memref<1024x1xf32, #tpu.memory_space<vmem>>, vector<1024x1xf32>
    tpu.vector_store %arg7[%swap3A_22, %swap3A_23], %rsqrt3A {strides = array<i32>} : memref<1024x1xf32, #tpu.memory_space<vmem>>, vector<1024x1xf32>,
    return
  }
  func.func @transform_0(%arg0: i32) -> (i32, i32) {
    %c0_i32 = arith.constant 0 : i32
    %c0_i32_0 = arith.constant 0 : i32
    return %arg0, %c0_i32 : i32, i32
  }
  func.func @transform_1(%arg0: i32) -> (i32, i32) {
    %c0_i32 = arith.constant 0 : i32
    %c0_i32_0 = arith.constant 0 : i32
    %c0_i32_1 = arith.constant 0 : i32
    return %c0_i32, %c0_i32_0 : i32, i32
  }
  func.func @transform_2(%arg0: i32) -> (i32, i32) {
    %c0_i32 = arith.constant 0 : i32
    %c0_i32_0 = arith.constant 0 : i32
    return %arg0, %c0_i32 : i32, i32
  }
  func.func @transform_3(%arg0: i32) -> (i32, i32) {
    %c0_i32 = arith.constant 0 : i32
    %c0_i32_0 = arith.constant 0 : i32
    return %arg0, %c0_i32 : i32, i32
  }
  func.func @transform_4(%arg0: i32) -> (i32, i32) {
    %c0_i32 = arith.constant 0 : i32
    %c0_i32_0 = arith.constant 0 : i32
    return %arg0, %c0_i32 : i32, i32
  }
  func.func @transform_5(%arg0: i32) -> (i32, i32) {
    %c0_i32 = arith.constant 0 : i32
    %c0_i32_0 = arith.constant 0 : i32
    return %arg0, %c0_i32 : i32, i32
  }
  func.func @transform_6(%arg0: i32) -> (i32, i32) {
    %c0_i32 = arith.constant 0 : i32
    %c0_i32_0 = arith.constant 0 : i32
    return %arg0, %c0_i32 : i32, i32
  }
}

module attributes {stable_mosaic.version = 14 : i64} {
  func.func @_layer2_body(%arg0: i32, %arg1: memref<1024x128xf32, #tpu.memory_space<vmem>>, %arg2: memref<1024x128xf32, #tpu.memory_space<vmem>>, %arg3: memref<1024x128xf32, #tpu.memory_space<vmem>>, %arg4: memref<1024x128xf32, #tpu.memory_space<vmem>>, %arg5: memref<1024x1xf32, #tpu.memory_space<vmem>>, %arg6: memref<1x256xf32, #tpu.memory_space<vmem>>, %arg7: memref<256x256xf32, #tpu.memory_space<vmem>>, %arg8: memref<1024x128xf32, #tpu.memory_space<vmem>>, %arg9: memref<1024x128xf32, #tpu.memory_space<vmem>>) attributes {dimension_semantics = [#tpu.dimension_semantics<arbitrary>], iteration_bounds = array<i64: 10>, scalar_prefetch = 0 : i64, scratch_operands = 0 : i64, tpu.core_type = #tpu.core_type<tc>, window_params = [{transform_indices = @transform_0, window_bounds = array<i64: 1024, 128>}, {transform_indices = @transform_1, window_bounds = array<i64: 1024, 128>}, {transform_indices = @transform_2, window_bounds = array<i64: 1024, 128>}, {transform_indices = @transform_3, window_bounds = array<i64: 1024, 128>}, {transform_indices = @transform_4, window_bounds = array<i64: 1024, 1>}, {pipeline_mode = #tpu.pipeline_mode<synchronous>, transform_indices = @transform_5, window_bounds = array<i64: 1, 256>}, {pipeline_mode = #tpu.pipeline_mode<synchronous>, transform_indices = @transform_6, window_bounds = array<i64: 256, 256>}, {transform_indices = @transform_7, window_bounds = array<i64: 1024, 128>}, {transform_indices = @transform_8, window_bounds = array<i64: 1024, 128>}]} {
    %get3A = arith.constant 0 : index
    %get3A_0 = arith.constant 0 : index
    %get3A_1 = vector.load %arg5[%get3A, %get3A_0] : memref<1024x1xf32, #tpu.memory_space<vmem>>, vector<1024x1xf32>
    %get3A_2 = arith.constant 0 : index
    %get3A_3 = arith.constant 0 : index
    %get3A_4 = vector.load %arg1[%get3A_2, %get3A_3] : memref<1024x128xf32, #tpu.memory_space<vmem>>, vector<1024x128xf32>
    %get3A_5 = arith.constant 0 : index
    %get3A_6 = arith.constant 0 : index
    %get3A_7 = vector.load %arg3[%get3A_5, %get3A_6] : memref<1024x128xf32, #tpu.memory_space<vmem>>, vector<1024x128xf32>
    %add3A = arith.addf %get3A_4, %get3A_7 : vector<1024x128xf32>
    %get3A_8 = arith.constant 0 : index
    %get3A_9 = arith.constant 0 : index
    %get3A_10 = vector.load %arg2[%get3A_8, %get3A_9] : memref<1024x128xf32, #tpu.memory_space<vmem>>, vector<1024x128xf32>
    %get3A_11 = arith.constant 0 : index
    %get3A_12 = arith.constant 0 : index
    %get3A_13 = vector.load %arg4[%get3A_11, %get3A_12] : memref<1024x128xf32, #tpu.memory_space<vmem>>, vector<1024x128xf32>
    %add3A_14 = arith.addf %get3A_10, %get3A_13 : vector<1024x128xf32>
    %concatenate3A = tpu.concatenate %add3A, %add3A_14 in 1 : vector<1024x128xf32>, vector<1024x128xf32> -> vector<1024x256xf32>
    %mul3A = vector.broadcast %get3A_1 : vector<1024x1xf32> to vector<1024x256xf32>
    %mul3A_15 = arith.mulf %concatenate3A, %mul3A : vector<1024x256xf32>
    %get3A_16 = arith.constant 0 : index
    %get3A_17 = arith.constant 0 : index
    %get3A_18 = vector.load %arg6[%get3A_16, %get3A_17] : memref<1x256xf32, #tpu.memory_space<vmem>>, vector<1x256xf32>
    %add3A_19 = vector.broadcast %get3A_18 : vector<1x256xf32> to vector<1024x256xf32>
    %add3A_20 = arith.addf %mul3A_15, %add3A_19 : vector<1024x256xf32>
    %max3A = arith.constant 0.000000e+00 : f32
    %max3A_21 = vector.broadcast %max3A : f32 to vector<1024x256xf32>
    %max3A_22 = arith.maximumf %add3A_20, %max3A_21 : vector<1024x256xf32>
    %get3A_23 = arith.constant 0 : index
    %get3A_24 = arith.constant 0 : index
    %get3A_25 = vector.load %arg7[%get3A_23, %get3A_24] : memref<256x256xf32, #tpu.memory_space<vmem>>, vector<256x256xf32>
    %dot_general3A = arith.constant dense<0.000000e+00> : vector<1024x256xf32>
    %dot_general3A_26 = tpu.matmul %max3A_22, %get3A_25, %dot_general3A {dimension_numbers = #tpu.dot_dimension_numbers<[1], [0], [0], [1], [0, 0, 1, 1], [], []>, transpose_lhs_hint = false} : vector<1024x256xf32>, vector<256x256xf32>, vector<1024x256xf32> -> vector<1024x256xf32>
    %mul3A_27 = vector.broadcast %get3A_1 : vector<1024x1xf32> to vector<1024x256xf32>
    %mul3A_28 = arith.mulf %dot_general3A_26, %mul3A_27 : vector<1024x256xf32>
    %slice3A = vector.extract_strided_slice %mul3A_28 {offsets = [0, 0], sizes = [1024, 128], strides = [1, 1]} : vector<1024x256xf32> to vector<1024x128xf32>
    %swap3A = arith.constant 0 : index
    %swap3A_29 = arith.constant 0 : index
    %swap3A_30 = vector.load %arg8[%swap3A, %swap3A_29] : memref<1024x128xf32, #tpu.memory_space<vmem>>, vector<1024x128xf32>
    tpu.vector_store %arg8[%swap3A, %swap3A_29], %slice3A {strides = array<i32>} : memref<1024x128xf32, #tpu.memory_space<vmem>>, vector<1024x128xf32>,
    %slice3A_31 = vector.extract_strided_slice %mul3A_28 {offsets = [0, 128], sizes = [1024, 128], strides = [1, 1]} : vector<1024x256xf32> to vector<1024x128xf32>
    %swap3A_32 = arith.constant 0 : index
    %swap3A_33 = arith.constant 0 : index
    %swap3A_34 = vector.load %arg9[%swap3A_32, %swap3A_33] : memref<1024x128xf32, #tpu.memory_space<vmem>>, vector<1024x128xf32>
    tpu.vector_store %arg9[%swap3A_32, %swap3A_33], %slice3A_31 {strides = array<i32>} : memref<1024x128xf32, #tpu.memory_space<vmem>>, vector<1024x128xf32>,
    return
  }
  func.func @transform_0(%arg0: i32) -> (i32, i32) {
    %c0_i32 = arith.constant 0 : i32
    %c0_i32_0 = arith.constant 0 : i32
    return %arg0, %c0_i32 : i32, i32
  }
  func.func @transform_1(%arg0: i32) -> (i32, i32) {
    %c0_i32 = arith.constant 0 : i32
    %c0_i32_0 = arith.constant 0 : i32
    return %arg0, %c0_i32 : i32, i32
  }
  func.func @transform_2(%arg0: i32) -> (i32, i32) {
    %c0_i32 = arith.constant 0 : i32
    %c0_i32_0 = arith.constant 0 : i32
    return %arg0, %c0_i32 : i32, i32
  }
  func.func @transform_3(%arg0: i32) -> (i32, i32) {
    %c0_i32 = arith.constant 0 : i32
    %c0_i32_0 = arith.constant 0 : i32
    return %arg0, %c0_i32 : i32, i32
  }
  func.func @transform_4(%arg0: i32) -> (i32, i32) {
    %c0_i32 = arith.constant 0 : i32
    %c0_i32_0 = arith.constant 0 : i32
    return %arg0, %c0_i32 : i32, i32
  }
  func.func @transform_5(%arg0: i32) -> (i32, i32) {
    %c0_i32 = arith.constant 0 : i32
    %c0_i32_0 = arith.constant 0 : i32
    %c0_i32_1 = arith.constant 0 : i32
    return %c0_i32, %c0_i32_0 : i32, i32
  }
  func.func @transform_6(%arg0: i32) -> (i32, i32) {
    %c0_i32 = arith.constant 0 : i32
    %c0_i32_0 = arith.constant 0 : i32
    %c0_i32_1 = arith.constant 0 : i32
    return %c0_i32, %c0_i32_0 : i32, i32
  }
  func.func @transform_7(%arg0: i32) -> (i32, i32) {
    %c0_i32 = arith.constant 0 : i32
    %c0_i32_0 = arith.constant 0 : i32
    return %arg0, %c0_i32 : i32, i32
  }
  func.func @transform_8(%arg0: i32) -> (i32, i32) {
    %c0_i32 = arith.constant 0 : i32
    %c0_i32_0 = arith.constant 0 : i32
    return %arg0, %c0_i32 : i32, i32
  }
}

module attributes {stable_mosaic.version = 14 : i64} {
  func.func @_final_body(%arg0: memref<10240x128xf32, #tpu.memory_space<vmem>>, %arg1: memref<10240x128xf32, #tpu.memory_space<vmem>>, %arg2: memref<10240x128xf32, #tpu.memory_space<vmem>>, %arg3: memref<10240x128xf32, #tpu.memory_space<vmem>>, %arg4: memref<10240x1xf32, #tpu.memory_space<vmem>>, %arg5: memref<1x256xf32, #tpu.memory_space<vmem>>, %arg6: memref<1x10240xi32, #tpu.memory_space<vmem>>, %arg7: memref<256x10xf32, #tpu.memory_space<vmem>>, %arg8: memref<1x10xf32, #tpu.memory_space<vmem>>, %arg9: memref<64x10xf32, #tpu.memory_space<vmem>>) attributes {dimension_semantics = [], scalar_prefetch = 0 : i64, scratch_operands = 0 : i64, tpu.core_type = #tpu.core_type<tc>} {
    %get3A = arith.constant 0 : index
    %get3A_0 = arith.constant 0 : index
    %get3A_1 = vector.load %arg4[%get3A, %get3A_0] : memref<10240x1xf32, #tpu.memory_space<vmem>>, vector<10240x1xf32>
    %get3A_2 = arith.constant 0 : index
    %get3A_3 = arith.constant 0 : index
    %get3A_4 = vector.load %arg0[%get3A_2, %get3A_3] : memref<10240x128xf32, #tpu.memory_space<vmem>>, vector<10240x128xf32>
    %get3A_5 = arith.constant 0 : index
    %get3A_6 = arith.constant 0 : index
    %get3A_7 = vector.load %arg2[%get3A_5, %get3A_6] : memref<10240x128xf32, #tpu.memory_space<vmem>>, vector<10240x128xf32>
    %add3A = arith.addf %get3A_4, %get3A_7 : vector<10240x128xf32>
    %get3A_8 = arith.constant 0 : index
    %get3A_9 = arith.constant 0 : index
    %get3A_10 = vector.load %arg1[%get3A_8, %get3A_9] : memref<10240x128xf32, #tpu.memory_space<vmem>>, vector<10240x128xf32>
    %get3A_11 = arith.constant 0 : index
    %get3A_12 = arith.constant 0 : index
    %get3A_13 = vector.load %arg3[%get3A_11, %get3A_12] : memref<10240x128xf32, #tpu.memory_space<vmem>>, vector<10240x128xf32>
    %add3A_14 = arith.addf %get3A_10, %get3A_13 : vector<10240x128xf32>
    %concatenate3A = tpu.concatenate %add3A, %add3A_14 in 1 : vector<10240x128xf32>, vector<10240x128xf32> -> vector<10240x256xf32>
    %mul3A = vector.broadcast %get3A_1 : vector<10240x1xf32> to vector<10240x256xf32>
    %mul3A_15 = arith.mulf %concatenate3A, %mul3A : vector<10240x256xf32>
    %get3A_16 = arith.constant 0 : index
    %get3A_17 = arith.constant 0 : index
    %get3A_18 = vector.load %arg5[%get3A_16, %get3A_17] : memref<1x256xf32, #tpu.memory_space<vmem>>, vector<1x256xf32>
    %add3A_19 = vector.broadcast %get3A_18 : vector<1x256xf32> to vector<10240x256xf32>
    %add3A_20 = arith.addf %mul3A_15, %add3A_19 : vector<10240x256xf32>
    %max3A = arith.constant 0.000000e+00 : f32
    %max3A_21 = vector.broadcast %max3A : f32 to vector<10240x256xf32>
    %max3A_22 = arith.maximumf %add3A_20, %max3A_21 : vector<10240x256xf32>
    %iota3A = tpu.iota {dimensions = array<i32: 0>} : vector<64x10240xi32>
    %get3A_23 = arith.constant 0 : index
    %get3A_24 = arith.constant 0 : index
    %get3A_25 = vector.load %arg6[%get3A_23, %get3A_24] : memref<1x10240xi32, #tpu.memory_space<vmem>>, vector<1x10240xi32>
    %eq3A = vector.broadcast %get3A_25 : vector<1x10240xi32> to vector<64x10240xi32>
    %eq3A_26 = arith.cmpi eq, %iota3A, %eq3A : vector<64x10240xi32>
    %convert_element_type3A = arith.extui %eq3A_26 : vector<64x10240xi1> to vector<64x10240xi32>
    %convert_element_type3A_27 = arith.sitofp %convert_element_type3A : vector<64x10240xi32> to vector<64x10240xf32>
    %dot_general3A = arith.constant dense<0.000000e+00> : vector<64x256xf32>
    %dot_general3A_28 = tpu.matmul %convert_element_type3A_27, %max3A_22, %dot_general3A {dimension_numbers = #tpu.dot_dimension_numbers<[1], [0], [0], [1], [0, 0, 1, 1], [], []>, transpose_lhs_hint = false} : vector<64x10240xf32>, vector<10240x256xf32>, vector<64x256xf32> -> vector<64x256xf32>
    %reduce_sum3A = arith.constant dense<0.000000e+00> : vector<64xf32>
    %reduce_sum3A_29 = vector.multi_reduction <add>, %convert_element_type3A_27, %reduce_sum3A [1] : vector<64x10240xf32> to vector<64xf32>
    %broadcast_in_dim3A = vector.shape_cast %reduce_sum3A_29 : vector<64xf32> to vector<64x1xf32>
    %max3A_30 = arith.constant 1.000000e+00 : f32
    %max3A_31 = vector.broadcast %max3A_30 : f32 to vector<64x1xf32>
    %max3A_32 = arith.maximumf %broadcast_in_dim3A, %max3A_31 : vector<64x1xf32>
    %div3A = vector.broadcast %max3A_32 : vector<64x1xf32> to vector<64x256xf32>
    %div3A_33 = arith.divf %dot_general3A_28, %div3A : vector<64x256xf32>
    %get3A_34 = arith.constant 0 : index
    %get3A_35 = arith.constant 0 : index
    %get3A_36 = vector.load %arg7[%get3A_34, %get3A_35] : memref<256x10xf32, #tpu.memory_space<vmem>>, vector<256x10xf32>
    %dot_general3A_37 = arith.constant dense<0.000000e+00> : vector<64x10xf32>
    %dot_general3A_38 = tpu.matmul %div3A_33, %get3A_36, %dot_general3A_37 {dimension_numbers = #tpu.dot_dimension_numbers<[1], [0], [0], [1], [0, 0, 1, 1], [], []>, transpose_lhs_hint = false} : vector<64x256xf32>, vector<256x10xf32>, vector<64x10xf32> -> vector<64x10xf32>
    %get3A_39 = arith.constant 0 : index
    %get3A_40 = arith.constant 0 : index
    %get3A_41 = vector.load %arg8[%get3A_39, %get3A_40] : memref<1x10xf32, #tpu.memory_space<vmem>>, vector<1x10xf32>
    %add3A_42 = vector.broadcast %get3A_41 : vector<1x10xf32> to vector<64x10xf32>
    %add3A_43 = arith.addf %dot_general3A_38, %add3A_42 : vector<64x10xf32>
    %swap3A = arith.constant 0 : index
    %swap3A_44 = arith.constant 0 : index
    %swap3A_45 = vector.load %arg9[%swap3A, %swap3A_44] : memref<64x10xf32, #tpu.memory_space<vmem>>, vector<64x10xf32>
    tpu.vector_store %arg9[%swap3A, %swap3A_44], %add3A_43 {strides = array<i32>} : memref<64x10xf32, #tpu.memory_space<vmem>>, vector<64x10xf32>,
    return
  }
}

</mosaic_0001>

<sc_bundles>
// kernel: kernel.11.cloned.1.call-start
scs
__scs_entry_jumppad:
0x0: {  	(pc) =	sbr.rel $0x88, $3  }
0x1: {  	(tag) =	ssettag $0x0;
	lr =	simm.s32 $0x1  }
0x2: {  	[smem:$0x3F98] =	sst lr;
	_ =	strace $0xD0000000  }
0x3: {  	_ = 	snop  }
0x4: {  	_ = 	snop  }
0x5: {  	_ = 	snop  }
0x6: {  	_ = 	snop  }
0x7: {  	_ = 	snop  }
__scs_overlays_trampoline_lowered:
0x8: {  	[smem:$0x3FA7] =	sst s0  }
0x9: {  	[smem:$0x3FA8] =	sst s1  }
0xa: {  	[smem:$0x3FA9] =	sst s2  }
0xb: {  	[smem:$0x3FAA] =	sst s3  }
0xc: {  	[smem:$0x3FAB] =	sst s4  }
0xd: {  	[smem:$0x3FAC] =	sst s5  }
0xe: {  	[smem:$0x3FAD] =	sst s6  }
0xf: {  	[smem:$0x3FAE] =	sst s7  }
0x10: {  	[smem:$0x3FAF] =	sst s8  }
0x11: {  	[smem:$0x3FB0] =	sst s9;
	s0 =	simm.s32 @!p0 $0x0  }
0x12: {  	s1 =	sld [smem:$0x3F96];
	s0 =	simm.s32 @p0 $0x1  }
0x13: {  	[smem:$0x3FB1] =	sst s0;
	s0 =	simm.s32 @!p1 $0x0  }
0x14: {  	s2 =	sld [smem:$0x3F95];
	s0 =	simm.s32 @p1 $0x1  }
0x15: {  	[smem:$0x3FB2] =	sst s0;
	s0 =	simm.s32 @!p2 $0x0  }
0x16: {  	s3 =	sld [smem:$0x3FDB];
	s0 =	simm.s32 @p2 $0x1  }
0x17: {  	s4 =	simm.s32 $0x1BF5;
	[smem:$0x3FB4] =	sst s0  }
0x18: {  	s0 =	sld [smem:$0x3F97];
	_ =	swait.ge [sflag:s4], $0x0  }
0x19: {  	s7 =	sld [smem:$0x3F98]  }
0x1a: {  	s8 =	sadd.s32 $0xFFFFE003, lr  }
0x1b: {  	s9 =	sadd.s32 $0xFFFFFEF7, lr;
	s5 =	simm.s32 $0xFFFFFFFF;
	p2 =	slt.u32 s8, $0xFFFFF086  }
0x1c: {  	p1 =	slt.u32 s9, $0xF7A;
	s5 =	simm.s32 @!p2 $0x0  }
0x1d: {  	s5 =	simm.s32 @p1 $0x1;
	p0 =	seq.s32 s7, s2  }
0x1e: {  	s7 =	smul.u32 @!p0 $0xF7A, s2;
	p2 =	seq.s32 @!p0 s5, $0x0  }
0x1f: {  	s9 =	smul.u32 $0xF7A, s1;
	s8 =	simm.s32 @!p0 $0x1BF5;
	p2 =	por !p2, p0  }
0x20: {  	[sflag:s8] =	ssyncset.s32 @!p0 $0xFFFFF086;
	s6 =	sadd.s32 @!p0 s3, s7;
	s7 =	simm.s32 @!p0 $0x108  }
0x21: {  	s3 =	sadd.s32 s3, s9;
	s6 =	sadd.s32 @!p0 $0x88, s6;
	s7 =	simm.s32 @p2 $0x1082  }
0x22: {  	[simem:s7], [sflag:s8] =	dma.local @!p0 [hbm:s6], $0xF7A  }
0x23: {  	s9 =	sor.u32 $0xD0000000, s2;
	s6 =	simm.s32 $0x108;
	_ =	swait.ge @!p0 [sflag:s8], $0x0  }
0x24: {  	s3 =	sadd.s32 $0x88, s3;
	s6 =	simm.s32 @!p1 $0x1082;
	[sflag:s4] =	ssyncset.s32 $0xFFFFF086  }
0x25: {  	[simem:s6], [sflag:s4] =	dma.local [hbm:s3], $0xF7A  }
0x26: {  	[smem:$0x3F98] =	sst s1;
	(tag) =	ssettag s2;
	_ =	strace s9  }
0x27: {  	s1 =	sld [smem:$0x3FA8]  }
0x28: {  	s2 =	sld [smem:$0x3FA9]  }
0x29: {  	s4 =	sld [smem:$0x3FAB]  }
0x2a: {  	p0 =	seq.s32 s5, $0x0;
	s5 =	sld [smem:$0x3FAC]  }
0x2b: {  	s6 =	sld [smem:$0x3FAD]  }
0x2c: {  	s7 =	sld [smem:$0x3FAE]  }
0x2d: {  	s3 =	simm.s32 $0x108;
	s8 =	sld [smem:$0x3FAF]  }
0x2e: {  	s3 =	simm.s32 @!p0 $0x1082;
	s9 =	sld [smem:$0x3FB0]  }
0x2f: {  	lr =	sadd.s32 s0, s3;
	s0 =	sld [smem:$0x3FA7]  }
0x30: {  	s3 =	sld [smem:$0x3FAA]  }
0x31: {  	[smem:$0x3FB3] =	sst s10  }
0x32: {  	s10 =	sld [smem:$0x3FB1];
	_ =	sdelay $0x3  }
0x33: {  	p0 =	seq.s32 s10, $0x1;
	s10 =	sld [smem:$0x3FB3];
	_ =	sdelay $0x3  }
0x34: {  	[smem:$0x3FB3] =	sst s10  }
0x35: {  	s10 =	sld [smem:$0x3FB2];
	_ =	sdelay $0x3  }
0x36: {  	p1 =	seq.s32 s10, $0x1;
	s10 =	sld [smem:$0x3FB3];
	_ =	sdelay $0x3  }
0x37: {  	[smem:$0x3FB3] =	sst s10  }
0x38: {  	s10 =	sld [smem:$0x3FB4]  }
0x39: {  	_ = 	snop;
	(pc) =	sbr.ind lr, $3  }
0x3a: {  	_ = 	snop  }
0x3b: {  	_ = 	snop  }
0x3c: {  	p2 =	seq.s32 s10, $0x1;
	s10 =	sld [smem:$0x3FB3]  }
0x3d: {  	_ =	shalt  }
0x3e: {  	_ =	shalt  }
0x3f: {  	_ =	shalt  }
0x40: {  	_ =	shalt  }
0x41: {  	_ =	shalt  }
0x42: {  	_ =	shalt  }
0x43: {  	_ =	shalt  }
0x44: {  	_ =	shalt  }
0x45: {  	_ =	shalt  }
0x46: {  	_ =	shalt  }
0x47: {  	_ =	shalt  }
0x48: {  	_ =	shalt  }
0x49: {  	_ =	shalt  }
0x4a: {  	_ =	shalt  }
0x4b: {  	_ =	shalt  }
0x4c: {  	_ =	shalt  }
0x4d: {  	_ =	shalt  }
0x4e: {  	_ =	shalt  }
0x4f: {  	_ =	shalt  }
0x50: {  	_ =	shalt  }
0x51: {  	_ =	shalt  }
0x52: {  	_ =	shalt  }
0x53: {  	_ =	shalt  }
0x54: {  	_ =	shalt  }
0x55: {  	_ =	shalt  }
0x56: {  	_ =	shalt  }
0x57: {  	_ =	shalt  }
0x58: {  	_ =	shalt  }
0x59: {  	_ =	shalt  }
0x5a: {  	_ =	shalt  }
0x5b: {  	_ =	shalt  }
0x5c: {  	_ =	shalt  }
0x5d: {  	_ =	shalt  }
0x5e: {  	_ =	shalt  }
0x5f: {  	_ =	shalt  }
0x60: {  	_ =	shalt  }
0x61: {  	_ =	shalt  }
0x62: {  	_ =	shalt  }
0x63: {  	_ =	shalt  }
0x64: {  	_ =	shalt  }
0x65: {  	_ =	shalt  }
0x66: {  	_ =	shalt  }
0x67: {  	_ =	shalt  }
0x68: {  	_ =	shalt  }
0x69: {  	_ =	shalt  }
0x6a: {  	_ =	shalt  }
0x6b: {  	_ =	shalt  }
0x6c: {  	_ =	shalt  }
0x6d: {  	_ =	shalt  }
0x6e: {  	_ =	shalt  }
0x6f: {  	_ =	shalt  }
0x70: {  	_ =	shalt  }
0x71: {  	_ =	shalt  }
0x72: {  	_ =	shalt  }
0x73: {  	_ =	shalt  }
0x74: {  	_ =	shalt  }
0x75: {  	_ =	shalt  }
0x76: {  	_ =	shalt  }
0x77: {  	_ =	shalt  }
0x78: {  	_ =	shalt  }
0x79: {  	_ =	shalt  }
0x7a: {  	_ =	shalt  }
0x7b: {  	_ =	shalt  }
0x7c: {  	_ =	shalt  }
0x7d: {  	_ =	shalt  }
0x7e: {  	_ =	shalt  }
0x7f: {  	_ =	shalt  }
0x80: {  	_ =	shalt  }
0x81: {  	_ =	shalt  }
0x82: {  	_ =	shalt  }
0x83: {  	_ =	shalt  }
0x84: {  	_ =	shalt  }
0x85: {  	_ =	shalt  }
0x86: {  	_ =	shalt  }
0x87: {  	_ =	shalt  }
.Lfunc_end0:
.L_simem_size_0:
called_computation.1_lowered:
.L_overlay_start_0:
0x88: {  	s2 =	sld [smem:$0x3FD9]  }
0x89: {  	s3 =	sld [smem:$0x3FFE];
	_ =	sdelay $0x1  }
0x8a: {  	s1 =	srdreg.scid  }
0x8b: {  	s0 =	sand.u32 $0x1, s1  }
0x8c: {  	s16 =	sshll.u32 s0, $0xA;
	s2 =	sadd.s32 s3, s2  }
0x8d: {  	s2 =	sadd.s32 s2, s16  }
0x8e: {  	[smem:$0x3FBF] =	sst s2  }
0x8f: {  	_ = 	snop  }
0x90: {  	(tm) =	ssettm $0x1  }
0x91: {  	s17 =	sld [smem:$0x3FFB];
	_ =	sdelay $0x3  }
0x92: {  	_ =	strace s17  }
0x93: {  	s2 =	sld [smem:$0x3FFC];
	_ =	sdelay $0x3  }
0x94: {  	_ =	strace s2  }
0x95: {  	s2 =	sld [smem:$0x3FFD];
	_ =	sdelay $0x3  }
0x96: {  	_ =	strace s2  }
0x97: {  	_ =	strace $0x8FFFFFFF  }
0x98: {  	s18 =	sld [smem:$0x3FDB];
	_ =	sdelay $0x1  }
0x99: {  	s19 =	simm.s32 $_scs_section_size  }
0x9a: {  	s4 =	simm.s32 $_size__tile_overlayer_lowered;
	s5 =	simm.s32 $_tile_overlayer_lowered  }
0x9b: {  	s22 =	simm.s32 $0x1BFF;
	s21 =	sshll.u32 s5, $0x1;
	s2 =	sadd.s32 s19, s18  }
0x9c: {  	s6 =	simm.s32 $0x0;
	s20 =	sshll.u32 s4, $0x1;
	s4 =	sadd.s32 s21, s2  }
0x9d: {  	[timem:s6], [sflag:s22] =	dma.local [hbm:s4], s20  }
0x9e: {  	_ =	swait.ge [sflag:s22], s20  }
0x9f: {  	s3 =	ssub.s32 $0x0, s20;
	[sflag:s22] =	ssyncset.done $0x0  }
0xa0: {  	[sflag:s22] =	ssyncadd.s32 s3;
	_ =	sdelay $0x1  }
0xa1: {  	s23 =	simm.s32 $0x1B8B  }
0xa2: {  	_ =	swait.ge [sflag:s23], $0x1  }
0xa3: {  	[sflag:s23] =	ssyncset.done $0x0  }
0xa4: {  	s25 =	simm.s32 $0x1B8E;
	s24 =	sld [smem:$0x3FFE];
	[sflag:s23] =	ssyncadd.s32 $0xFFFFFFFF  }
0xa5: {  	s26 =	simm.s32 $execute0_lowered;
	[smem:$0x3FD2] =	sst s25  }
0xa6: {  	s4 =	sshll.u32 s26, $0x1;
	_ =	strace $0x80000049;
	[dreg:$0x1] =	wrdreg $0xFFFFFFFF  }
0xa7: {  	s28 =	simm.s32 $_size_execute0_lowered;
	s2 =	sadd.s32 s2, s4;
	[dreg:$0x0] =	wrdreg $0x0  }
0xa8: {  	s4 =	sshll.u32 s28, $0x1;
	[dreg:$0x2] =	wrdreg s2  }
0xa9: {  	[dreg:$0x3] =	wrdreg s4  }
0xaa: {  	[dreg:$0x4] =	wrdreg $0xC0  }
0xab: {  	_ =	task [dreg:s6], $0x5FFFF  }
0xac: {  	[dreg:$0x1] =	wrdreg $0xFFFFFFFF  }
0xad: {  	[dreg:$0x0] =	wrdreg $0x60  }
0xae: {  	[dreg:$0x2] =	wrdreg s24  }
0xaf: {  	[dreg:$0x3] =	wrdreg $0x0  }
0xb0: {  	[dreg:$0x4] =	wrdreg $0x9  }
0xb1: {  	_ =	task.clear_ibuf [dreg:s6], $0x5FFFF;
	_ =	strace $0x90000049  }
0xb2: {  	s29 =	simm.s32 $0x9;
	_ =	strace $0x8000004B  }
0xb3: {  	_ =	swait.ge [sflag:s29], $0x1  }
0xb4: {  	[sflag:s29] =	ssyncadd.s32 $0xFFFFFFFF  }
0xb5: {  	_ =	strace $0x9000004B  }
0xb6: {  	_ =	sfence  }
0xb7: {  	s30 =	sld [smem:$0x0];
	_ =	sdelay $0x2  }
0xb8: {  	s31 =	sshll.u32 s1, $0xD;
	s1 =	sshrl.u32 s1, $0x2  }
0xb9: {  	s3 =	sand.u32 $0x4000, s31;
	s1 =	sadd.s32 s1, s30  }
0xba: {  	s0 =	sor.u32 s3, s0;
	s1 =	sshll.u32 s1, $0x11  }
0xbb: {  	s0 =	sor.u32 s1, s0  }
0xbc: {  	s0 =	sadd.s32 $0x8F2B, s0  }
0xbd: {  	[sflag:s0] =	ssyncadd.remote.s32 $0x1  }
0xbe: {  	_ =	sfence.sel $0xFFFF  }
0xbf: {  	[dreg:$0x0] =	wrdreg $0xFFFFFFFF;
	(pc) =	sbr.abs _section_cstart, $3  }
0xc0: {  	[dreg:$0x1] =	wrdreg $0xFFFFFFFF  }
0xc1: {  	_ =	task.clear_ibuf [dreg:s6], $0x2FFFF;
	_ =	strace $0x9FFFFFFF  }
0xc2: {  	(tm) =	ssettm $0x7FFFFFFF  }
0xc3: {  	_ =	shalt  }
tec
execute0_lowered:
.L_overlay_start_1:
0x0: {  	(tag) =	ssettag $0x1  }
0x1: {  	s0 =	rddreg [dreg:$0x0]  }
0x2: {  	s2 =	rddreg [dreg:$0x1];
	s3 =	simm.s32 $0x0;
	s1 =	srdreg.scid  }
0x3: {  	s10 =	stileid.u32;
	s14 =	simm.s32 $0xCD800;
	s15 =	simm.s32 $0x17C00  }
0x4: {  	s16 =	simm.s32 $0x5;
	s17 =	simm.s32 $0x14000;
	s18 =	simm.s32 $0x15400  }
0x5: {  	s19 =	simm.s32 $0x40;
	s20 =	simm.s32 $0x14040;
	s21 =	simm.s32 $0x19C00  }
0x6: {  	s22 =	simm.s32 $0x14080;
	s28 =	simm.s32 $0x3;
	s29 =	simm.s32 $0x4  }
0x7: {  	s30 =	simm.s32 $0x0;
	[smem:$0x7FF] =	sst s3;
	s5 =	smul.u32 $0x50000, s10  }
0x8: {  	s1 =	sand.u32 $0x1, s1;
	s4 =	sadd.s32 $0xEE00, s0;
	s23 =	smul.u32 $0x2800, s10  }
0x9: {  	_ =	strace $0x8000004A;
	s6 =	ssub.s32 $0x2, s1;
	p0 =	seq.s32 s1, $0x0  }
0xa: {  	p1 =	seq.s32 s1, $0x1;
	s7 =	sshrl.u32 s6, $0x1;
	s8 =	sshrl.u32 s5, $0x2  }
0xb: {  	s5 =	sadd.s32 $0x19800, s0;
	s14 =	simm.s32 @!p1 $0xA5800;
	s9 =	ssub.s32 s6, s7  }
0xc: {  	s6 =	sadd.s32 s8, s2;
	s7 =	smul.u32 $0x140, s10;
	s24 =	smax.u32 s9, $0x1  }
0xd: {  	s8 =	simm.s32 $0x2D800;
	s25 =	sadd.s32 $0x4000, s6;
	[dreg:$0x3] =	wrdreg s24  }
.Ltmp0:
0xe: {  	s26 =	sadd.s32 $0x8000, s6;
	[dreg:$0x4] =	wrdreg s25;
	(pc) =	sbr.rel .LBB2_1-.Ltmp0, $4  }
0xf: {  	s31 =	sadd.s32 $0xC000, s6;
	s8 =	simm.s32 @!p0 $0x55800;
	[dreg:$0x5] =	wrdreg s26  }
0x10: {  	s12 =	sadd.s32 $0x10000, s6;
	[dreg:$0x6] =	wrdreg s31;
	s13 =	sadd.s32 s8, s0  }
0x11: {  	s0 =	sadd.s32 s14, s0;
	s24 =	simm.s32 $0x140C0;
	s25 =	simm.s32 $0x1DC00  }
0x12: {  	v0 =	vimm.f32 $0.0e+00;
	s26 =	simm.s32 $0x1;
	s14 =	sadd.s32 s0, s23;
	s23 =	simm.s32 $0x1BC00  }
.LBB2_8:
0x13: {  	s0 =	stileid.u32  }
0x14: {  	s0 =	sshll.u32 s0, $0x6  }
0x15: {  	[bflag:$0x0] =	sbarrier.arrive $0xFFFF;
	s1 =	sshrl.u32 s6, $0x3;
	s0 =	sor.u32 $0x1C05, s0  }
0x16: {  	[hbm:s14], [sflag:s0] =	dma.local [spmem:s1], $0x2800  }
0x17: {  	_ =	swait.ge [sflag:s16], $0x2800  }
0x18: {  	s3 =	sadd.s32 $0x1, s3;
	s31 =	rddreg [dreg:$0x3]  }
0x19: {  	p0 =	sne.s32 s3, s31  }
.Ltmp1:
0x1a: {  	_ = 	snop;
	(pc) =	sbr.rel @!p0 .LBB2_9-.Ltmp1, $3  }
0x1b: {  	_ =	sdelay $0x1  }
0x1c: {  	[sflag:s16] =	ssyncset.done $0x0  }
0x1d: {  	[sflag:s16] =	ssyncadd.s32 $0xFFFFD800  }
.LBB2_1:
0x1e: {  	s0 =	simm.s32 $0x0;
	s1 =	simm.s32 $0x200  }
.LBB2_2:
0x1f: {  	p0 =	sne.s32 s1, $0x1FE00;
	[tilespmem:s0+$0x17C70] =	vst v0  }
0x20: {  	[tilespmem:s0+$0x17C00] =	vst v0  }
0x21: {  	[tilespmem:s0+$0x17C10] =	vst v0  }
.Ltmp2:
0x22: {  	[tilespmem:s0+$0x17C20] =	vst v0;
	(pc) =	sbr.rel @p0 .LBB2_2-.Ltmp2, $4  }
0x23: {  	[tilespmem:s0+$0x17C30] =	vst v0  }
0x24: {  	[tilespmem:s0+$0x17C40] =	vst v0  }
0x25: {  	[tilespmem:s0+$0x17C50] =	vst v0  }
0x26: {  	[tilespmem:s0+$0x17C60] =	vst v0;
	s0 =	sshra.s32 s1, $0x2;
	s1 =	sadd.s32 $0x200, s1  }
0x27: {  	[tilespmem:s0+$0x17C70] =	vst v0  }
0x28: {  	[tilespmem:s0+$0x17C00] =	vst v0  }
0x29: {  	[tilespmem:s0+$0x17C10] =	vst v0  }
0x2a: {  	[tilespmem:s0+$0x17C20] =	vst v0  }
0x2b: {  	[tilespmem:s0+$0x17C30] =	vst v0  }
0x2c: {  	[tilespmem:s0+$0x17C40] =	vst v0  }
0x2d: {  	[tilespmem:s0+$0x17C50] =	vst v0  }
0x2e: {  	[tilespmem:s0+$0x17C60] =	vst v0  }
0x2f: {  	[spmem:s6] =	stream.linear.scatter [tilespmem:s15], [sflag:$0x5], $0x4000, $0x38;
	[tilespmem:$0x1FC00] =	vst v63  }
0x30: {  	_ =	swait.ge [sflag:s16], $0x4000  }
0x31: {  	[sflag:s16] =	ssyncset.done $0x0  }
0x32: {  	s9 =	rddreg [dreg:$0x4];
	[sflag:s16] =	ssyncadd.s32 $0xFFFFC000  }
0x33: {  	[spmem:s9] =	stream.linear.scatter [tilespmem:s15], [sflag:$0x5], $0x4000, $0x38;
	[tilespmem:$0x1FC00] =	vst v63  }
0x34: {  	_ =	swait.ge [sflag:s16], $0x4000  }
0x35: {  	[sflag:s16] =	ssyncset.done $0x0  }
0x36: {  	s10 =	rddreg [dreg:$0x5];
	[sflag:s16] =	ssyncadd.s32 $0xFFFFC000  }
0x37: {  	[spmem:s10] =	stream.linear.scatter [tilespmem:s15], [sflag:$0x5], $0x4000, $0x38;
	[tilespmem:$0x1FC00] =	vst v63  }
0x38: {  	_ =	swait.ge [sflag:s16], $0x4000  }
0x39: {  	[sflag:s16] =	ssyncset.done $0x0  }
0x3a: {  	s11 =	rddreg [dreg:$0x6];
	[sflag:s16] =	ssyncadd.s32 $0xFFFFC000  }
0x3b: {  	[spmem:s11] =	stream.linear.scatter [tilespmem:s15], [sflag:$0x5], $0x4000, $0x38;
	[tilespmem:$0x1FC00] =	vst v63  }
0x3c: {  	_ =	swait.ge [sflag:s16], $0x4000  }
0x3d: {  	[sflag:s16] =	ssyncset.done $0x0  }
0x3e: {  	[sflag:s16] =	ssyncadd.s32 $0xFFFFC000  }
0x3f: {  	[spmem:s12] =	stream.linear.scatter [tilespmem:s15], [sflag:$0x5], $0x4000, $0x38;
	[tilespmem:$0x1FC00] =	vst v63  }
.Ltmp3:
0x40: {  	_ =	swait.ge [sflag:s16], $0x4000;
	(pc) =	sbr.rel .LBB2_4-.Ltmp3, $4  }
0x41: {  	[sflag:s16] =	ssyncset.done $0x0  }
0x42: {  	[sflag:s16] =	ssyncadd.s32 $0xFFFFC000  }
0x43: {  	[bflag:$0x0] =	sbarrier.arrive $0xFFFF  }
0x44: {  	s31 =	simm.s32 $0x0  }
.LBB2_7:
0x45: {  	_ =	swait.ge [sflag:s29], $0x2000;
	s31 =	sadd.s32 $0x1, s31  }
0x46: {  	[sflag:s29] =	ssyncset.done $0x0;
	p0 =	sne.s32 s31, $0x4  }
.Ltmp4:
0x47: {  	[sflag:s29] =	ssyncadd.s32 $0xFFFFE000;
	(pc) =	sbr.rel @!p0 .LBB2_8-.Ltmp4, $4  }
0x48: {  	[spmem:s2] =	stream.indirect.scatter.add.f32 [tilespmem:s25], [sflag:$0x5], $0x80, s8, s19, $0xb8;
	[tilespmem:$0x1FC00] =	vst v63  }
0x49: {  	_ =	swait.ge [sflag:s16], $0x2000  }
0x4a: {  	[sflag:s16] =	ssyncset.done $0x0  }
0x4b: {  	[sflag:s16] =	ssyncadd.s32 $0xFFFFE000  }
.LBB2_4:
0x4c: {  	s0 =	smul.u32 $0x50, s31;
	_ =	sdelay $0x1  }
0x4d: {  	s0 =	sadd.s32 s7, s0  }
0x4e: {  	s1 =	sshll.u32 s0, $0x3  }
0x4f: {  	s1 =	sadd.s32 s4, s1  }
0x50: {  	[tilespmem:s17], [sflag:$0x5] =	stream.linear.gather [hbm4b:s1+s30], $0x1400, $0x38;
	[tilespmem:$0x1FC00] =	vst v63  }
0x51: {  	_ =	swait.ge [sflag:s16], $0x1400  }
0x52: {  	s0 =	sshll.u32 s0, $0x4;
	[sflag:s16] =	ssyncset.done $0x0  }
0x53: {  	s0 =	sadd.s32 s5, s0;
	[sflag:s16] =	ssyncadd.s32 $0xFFFFEC00  }
0x54: {  	[tilespmem:s18], [sflag:$0x5] =	stream.linear.gather [hbm4b:s0+s30], $0x2800, $0x38;
	[tilespmem:$0x1FC00] =	vst v63  }
0x55: {  	_ =	swait.ge [sflag:s16], $0x2800  }
0x56: {  	[sflag:s16] =	ssyncset.done $0x0  }
0x57: {  	[sflag:s16] =	ssyncadd.s32 $0xFFFFD800  }
0x58: {  	[tilespmem:s15], [sflag:$0x1] =	stream.indirect.gather [hbm4b:s13+s19], $0x80, s17, s19, $0xb8;
	[tilespmem:$0x1FC00] =	vst v63  }
0x59: {  	_ = 	snop  }
0x5a: {  	[tilespmem:s21], [sflag:$0x2] =	stream.indirect.gather [hbm4b:s13+s19], $0x80, s20, s19, $0xb8;
	[tilespmem:$0x1FC00] =	vst v63  }
0x5b: {  	_ = 	snop  }
0x5c: {  	[tilespmem:s23], [sflag:$0x3] =	stream.indirect.gather [hbm4b:s13+s19], $0x80, s22, s19, $0xb8;
	[tilespmem:$0x1FC00] =	vst v63  }
0x5d: {  	s1 =	simm.s32 $0x0;
	s0 =	simm.s32 $0x141C0  }
0x5e: {  	[tilespmem:s25], [sflag:$0x4] =	stream.indirect.gather [hbm4b:s13+s19], $0x80, s24, s19, $0xb8;
	[tilespmem:$0x1FC00] =	vst v63  }
.LBB2_5:
0x5f: {  	_ =	swait.ge [sflag:s26], $0x2000  }
0x60: {  	s8 =	sshra.s32 s1, $0x2;
	[sflag:s26] =	ssyncset.done $0x0  }
0x61: {  	s9 =	sadd.s32 $0x15400, s8;
	[sflag:s26] =	ssyncadd.s32 $0xFFFFE000  }
0x62: {  	[spmem:s2] =	stream.indirect.scatter.add.f32 [tilespmem:s15], [sflag:$0x5], $0x80, s9, s19, $0xb8;
	[tilespmem:$0x1FC00] =	vst v63  }
0x63: {  	_ =	swait.ge [sflag:s16], $0x2000  }
0x64: {  	p0 =	seq.s32 s1, $0x9800;
	[sflag:s16] =	ssyncset.done $0x0  }
0x65: {  	s9 =	simm.s32 @p0 $0x2;
	[sflag:s16] =	ssyncadd.s32 $0xFFFFE000  }
0x66: {  	_ =	swait.ge @p0 [sflag:s9], $0x2000  }
0x67: {  	[sflag:s9] =	ssyncset.done @p0 $0x0  }
0x68: {  	[sflag:s9] =	ssyncadd.s32 @p0 $0xFFFFE000;
	s9 =	sshra.s32 @p0 s1, $0x2  }
0x69: {  	s10 =	simm.s32 @p0 $0x40;
	s11 =	simm.s32 @p0 $0x19C00;
	s9 =	sadd.s32 @p0 $0x15480, s9  }
0x6a: {  	[spmem:s2] =	stream.indirect.scatter.add.f32 @p0 [tilespmem:s11], [sflag:$0x5], $0x80, s9, s10, $0xb8;
	[tilespmem:$0x1FC00] =	vst v63  }
0x6b: {  	s9 =	simm.s32 @p0 $0x5  }
0x6c: {  	_ =	swait.ge @p0 [sflag:s9], $0x2000  }
0x6d: {  	s10 =	simm.s32 @!p0 $0x40;
	[sflag:s9] =	ssyncset.done @p0 $0x0  }
0x6e: {  	s11 =	simm.s32 @!p0 $0x17C00;
	[sflag:s9] =	ssyncadd.s32 @p0 $0xFFFFE000;
	s9 =	sadd.s32 @!p0 $0xFFFFFF40, s0  }
0x6f: {  	[tilespmem:s11], [sflag:$0x1] =	stream.indirect.gather @!p0 [hbm4b:s13+s10], $0x80, s9, s10, $0xb8;
	[tilespmem:$0x1FC00] =	vst v63  }
0x70: {  	s9 =	simm.s32 @!p0 $0x2  }
0x71: {  	_ =	swait.ge @!p0 [sflag:s9], $0x2000  }
0x72: {  	s11 =	sshra.s32 @!p0 s1, $0x2;
	[sflag:s9] =	ssyncset.done @!p0 $0x0  }
0x73: {  	[sflag:s9] =	ssyncadd.s32 @!p0 $0xFFFFE000;
	s9 =	sadd.s32 @!p0 $0x15480, s11;
	s11 =	simm.s32 @!p0 $0x19C00  }
0x74: {  	[spmem:s2] =	stream.indirect.scatter.add.f32 @!p0 [tilespmem:s11], [sflag:$0x5], $0x80, s9, s10, $0xb8;
	[tilespmem:$0x1FC00] =	vst v63  }
0x75: {  	s9 =	simm.s32 @!p0 $0x5  }
0x76: {  	_ =	swait.ge @!p0 [sflag:s9], $0x2000  }
0x77: {  	[sflag:s9] =	ssyncset.done @!p0 $0x0  }
0x78: {  	[sflag:s9] =	ssyncadd.s32 @!p0 $0xFFFFE000;
	s9 =	sadd.s32 @!p0 $0xFFFFFF80, s0  }
0x79: {  	[tilespmem:s11], [sflag:$0x2] =	stream.indirect.gather @!p0 [hbm4b:s13+s10], $0x80, s9, s10, $0xb8;
	[tilespmem:$0x1FC00] =	vst v63  }
0x7a: {  	_ =	swait.ge [sflag:s28], $0x2000  }
0x7b: {  	[sflag:s28] =	ssyncset.done $0x0  }
.Ltmp5:
0x7c: {  	s11 =	sadd.s32 $0x15500, s8;
	[sflag:s28] =	ssyncadd.s32 $0xFFFFE000;
	(pc) =	sbr.rel @p0 .LBB2_7-.Ltmp5, $4  }
0x7d: {  	[spmem:s2] =	stream.indirect.scatter.add.f32 [tilespmem:s23], [sflag:$0x5], $0x80, s11, s19, $0xb8;
	[tilespmem:$0x1FC00] =	vst v63  }
0x7e: {  	_ =	swait.ge [sflag:s16], $0x2000  }
0x7f: {  	[sflag:s16] =	ssyncset.done $0x0  }
0x80: {  	s8 =	sadd.s32 $0x15580, s8;
	[sflag:s16] =	ssyncadd.s32 $0xFFFFE000  }
0x81: {  	s9 =	sadd.s32 $0xFFFFFFC0, s0  }
0x82: {  	[tilespmem:s23], [sflag:$0x3] =	stream.indirect.gather [hbm4b:s13+s19], $0x80, s9, s19, $0xb8;
	[tilespmem:$0x1FC00] =	vst v63  }
0x83: {  	_ =	swait.ge [sflag:s29], $0x2000  }
0x84: {  	[sflag:s29] =	ssyncset.done $0x0  }
0x85: {  	[sflag:s29] =	ssyncadd.s32 $0xFFFFE000  }
0x86: {  	[spmem:s2] =	stream.indirect.scatter.add.f32 [tilespmem:s25], [sflag:$0x5], $0x80, s8, s19, $0xb8;
	[tilespmem:$0x1FC00] =	vst v63  }
.Ltmp6:
0x87: {  	_ =	swait.ge [sflag:s16], $0x2000;
	(pc) =	sbr.rel .LBB2_5-.Ltmp6, $4  }
0x88: {  	[sflag:s16] =	ssyncset.done $0x0  }
0x89: {  	[sflag:s16] =	ssyncadd.s32 $0xFFFFE000  }
0x8a: {  	[tilespmem:s25], [sflag:$0x4] =	stream.indirect.gather [hbm4b:s13+s19], $0x80, s0, s19, $0xb8;
	[tilespmem:$0x1FC00] =	vst v63  }
0x8b: {  	s1 =	sadd.s32 $0x800, s1;
	s0 =	sadd.s32 $0x100, s0  }
.LBB2_9:
0x8c: {  	_ =	sfence.sel $0x180000  }
0x8d: {  	[bflag:$0x0] =	sbarrier.arrive $0xFFFF  }
0x8e: {  	_ =	strace $0x9000004A  }
0x8f: {  	s0 =	stileid.u32;
	[bflag:$0x2] =	sbarrier.arrive $0xFFFF  }
0x90: {  	p0 =	sne.s32 s0, $0x0;
	s0 =	rddreg [dreg:$0x2]  }
0x91: {  	s0 =	sadd.s32 @!p0 $0x100000, s0  }
0x92: {  	[sflag:s0] =	ssyncadd.tile.s32 @!p0 $0x1;
	_ =	shalt  }
.Lfunc_end2:
_tile_overlayer_lowered:
.L_overlay_start_2:
0x93: {  	(tag) =	ssettag $0x2  }
0x94: {  	s0 =	rddreg [dreg:$0x0];
	s2 =	stileid.u32  }
0x95: {  	s1 =	rddreg [dreg:$0x1];
	p0 =	sne.s32 s2, $0x0  }
0x96: {  	s3 =	rddreg [dreg:$0x2];
	[bflag:$0x3] =	sbarrier.arrive $0xFFFF;
	s2 =	simm.s32 @!p0 $0x1C05  }
0x97: {  	[timem:s3], [sflag:s2] =	dma.local @!p0 [hbm:s0], s1  }
0x98: {  	s0 =	simm.s32 @!p0 $0x5  }
0x99: {  	_ =	swait.ge @!p0 [sflag:s0], s1  }
0x9a: {  	s1 =	ssub.s32 @!p0 $0x0, s1;
	[sflag:s0] =	ssyncset.done @!p0 $0x0  }
0x9b: {  	[sflag:s0] =	ssyncadd.s32 @!p0 s1  }
0x9c: {  	[bflag:$0x3] =	sbarrier.arrive $0xFFFF  }
0x9d: {  	_ =	shalt  }

// kernel: kernel.14.cloned.1.call-start
scs
__scs_entry_jumppad:
0x0: {  	(pc) =	sbr.rel $0x88, $3  }
0x1: {  	(tag) =	ssettag $0x0;
	lr =	simm.s32 $0x1  }
0x2: {  	[smem:$0x3F98] =	sst lr;
	_ =	strace $0xD0000000  }
0x3: {  	_ = 	snop  }
0x4: {  	_ = 	snop  }
0x5: {  	_ = 	snop  }
0x6: {  	_ = 	snop  }
0x7: {  	_ = 	snop  }
__scs_overlays_trampoline_lowered:
0x8: {  	[smem:$0x3FA7] =	sst s0  }
0x9: {  	[smem:$0x3FA8] =	sst s1  }
0xa: {  	[smem:$0x3FA9] =	sst s2  }
0xb: {  	[smem:$0x3FAA] =	sst s3  }
0xc: {  	[smem:$0x3FAB] =	sst s4  }
0xd: {  	[smem:$0x3FAC] =	sst s5  }
0xe: {  	[smem:$0x3FAD] =	sst s6  }
0xf: {  	[smem:$0x3FAE] =	sst s7  }
0x10: {  	[smem:$0x3FAF] =	sst s8  }
0x11: {  	[smem:$0x3FB0] =	sst s9;
	s0 =	simm.s32 @!p0 $0x0  }
0x12: {  	s1 =	sld [smem:$0x3F96];
	s0 =	simm.s32 @p0 $0x1  }
0x13: {  	[smem:$0x3FB1] =	sst s0;
	s0 =	simm.s32 @!p1 $0x0  }
0x14: {  	s2 =	sld [smem:$0x3F95];
	s0 =	simm.s32 @p1 $0x1  }
0x15: {  	[smem:$0x3FB2] =	sst s0;
	s0 =	simm.s32 @!p2 $0x0  }
0x16: {  	s3 =	sld [smem:$0x3FDB];
	s0 =	simm.s32 @p2 $0x1  }
0x17: {  	s4 =	simm.s32 $0x1BF5;
	[smem:$0x3FB4] =	sst s0  }
0x18: {  	s0 =	sld [smem:$0x3F97];
	_ =	swait.ge [sflag:s4], $0x0  }
0x19: {  	s7 =	sld [smem:$0x3F98]  }
0x1a: {  	s8 =	sadd.s32 $0xFFFFE003, lr  }
0x1b: {  	s9 =	sadd.s32 $0xFFFFFEF7, lr;
	s5 =	simm.s32 $0xFFFFFFFF;
	p2 =	slt.u32 s8, $0xFFFFF086  }
0x1c: {  	p1 =	slt.u32 s9, $0xF7A;
	s5 =	simm.s32 @!p2 $0x0  }
0x1d: {  	s5 =	simm.s32 @p1 $0x1;
	p0 =	seq.s32 s7, s2  }
0x1e: {  	s7 =	smul.u32 @!p0 $0xF7A, s2;
	p2 =	seq.s32 @!p0 s5, $0x0  }
0x1f: {  	s9 =	smul.u32 $0xF7A, s1;
	s8 =	simm.s32 @!p0 $0x1BF5;
	p2 =	por !p2, p0  }
0x20: {  	[sflag:s8] =	ssyncset.s32 @!p0 $0xFFFFF086;
	s6 =	sadd.s32 @!p0 s3, s7;
	s7 =	simm.s32 @!p0 $0x108  }
0x21: {  	s3 =	sadd.s32 s3, s9;
	s6 =	sadd.s32 @!p0 $0x88, s6;
	s7 =	simm.s32 @p2 $0x1082  }
0x22: {  	[simem:s7], [sflag:s8] =	dma.local @!p0 [hbm:s6], $0xF7A  }
0x23: {  	s9 =	sor.u32 $0xD0000000, s2;
	s6 =	simm.s32 $0x108;
	_ =	swait.ge @!p0 [sflag:s8], $0x0  }
0x24: {  	s3 =	sadd.s32 $0x88, s3;
	s6 =	simm.s32 @!p1 $0x1082;
	[sflag:s4] =	ssyncset.s32 $0xFFFFF086  }
0x25: {  	[simem:s6], [sflag:s4] =	dma.local [hbm:s3], $0xF7A  }
0x26: {  	[smem:$0x3F98] =	sst s1;
	(tag) =	ssettag s2;
	_ =	strace s9  }
0x27: {  	s1 =	sld [smem:$0x3FA8]  }
0x28: {  	s2 =	sld [smem:$0x3FA9]  }
0x29: {  	s4 =	sld [smem:$0x3FAB]  }
0x2a: {  	p0 =	seq.s32 s5, $0x0;
	s5 =	sld [smem:$0x3FAC]  }
0x2b: {  	s6 =	sld [smem:$0x3FAD]  }
0x2c: {  	s7 =	sld [smem:$0x3FAE]  }
0x2d: {  	s3 =	simm.s32 $0x108;
	s8 =	sld [smem:$0x3FAF]  }
0x2e: {  	s3 =	simm.s32 @!p0 $0x1082;
	s9 =	sld [smem:$0x3FB0]  }
0x2f: {  	lr =	sadd.s32 s0, s3;
	s0 =	sld [smem:$0x3FA7]  }
0x30: {  	s3 =	sld [smem:$0x3FAA]  }
0x31: {  	[smem:$0x3FB3] =	sst s10  }
0x32: {  	s10 =	sld [smem:$0x3FB1];
	_ =	sdelay $0x3  }
0x33: {  	p0 =	seq.s32 s10, $0x1;
	s10 =	sld [smem:$0x3FB3];
	_ =	sdelay $0x3  }
0x34: {  	[smem:$0x3FB3] =	sst s10  }
0x35: {  	s10 =	sld [smem:$0x3FB2];
	_ =	sdelay $0x3  }
0x36: {  	p1 =	seq.s32 s10, $0x1;
	s10 =	sld [smem:$0x3FB3];
	_ =	sdelay $0x3  }
0x37: {  	[smem:$0x3FB3] =	sst s10  }
0x38: {  	s10 =	sld [smem:$0x3FB4]  }
0x39: {  	_ = 	snop;
	(pc) =	sbr.ind lr, $3  }
0x3a: {  	_ = 	snop  }
0x3b: {  	_ = 	snop  }
0x3c: {  	p2 =	seq.s32 s10, $0x1;
	s10 =	sld [smem:$0x3FB3]  }
0x3d: {  	_ =	shalt  }
0x3e: {  	_ =	shalt  }
0x3f: {  	_ =	shalt  }
0x40: {  	_ =	shalt  }
0x41: {  	_ =	shalt  }
0x42: {  	_ =	shalt  }
0x43: {  	_ =	shalt  }
0x44: {  	_ =	shalt  }
0x45: {  	_ =	shalt  }
0x46: {  	_ =	shalt  }
0x47: {  	_ =	shalt  }
0x48: {  	_ =	shalt  }
0x49: {  	_ =	shalt  }
0x4a: {  	_ =	shalt  }
0x4b: {  	_ =	shalt  }
0x4c: {  	_ =	shalt  }
0x4d: {  	_ =	shalt  }
0x4e: {  	_ =	shalt  }
0x4f: {  	_ =	shalt  }
0x50: {  	_ =	shalt  }
0x51: {  	_ =	shalt  }
0x52: {  	_ =	shalt  }
0x53: {  	_ =	shalt  }
0x54: {  	_ =	shalt  }
0x55: {  	_ =	shalt  }
0x56: {  	_ =	shalt  }
0x57: {  	_ =	shalt  }
0x58: {  	_ =	shalt  }
0x59: {  	_ =	shalt  }
0x5a: {  	_ =	shalt  }
0x5b: {  	_ =	shalt  }
0x5c: {  	_ =	shalt  }
0x5d: {  	_ =	shalt  }
0x5e: {  	_ =	shalt  }
0x5f: {  	_ =	shalt  }
0x60: {  	_ =	shalt  }
0x61: {  	_ =	shalt  }
0x62: {  	_ =	shalt  }
0x63: {  	_ =	shalt  }
0x64: {  	_ =	shalt  }
0x65: {  	_ =	shalt  }
0x66: {  	_ =	shalt  }
0x67: {  	_ =	shalt  }
0x68: {  	_ =	shalt  }
0x69: {  	_ =	shalt  }
0x6a: {  	_ =	shalt  }
0x6b: {  	_ =	shalt  }
0x6c: {  	_ =	shalt  }
0x6d: {  	_ =	shalt  }
0x6e: {  	_ =	shalt  }
0x6f: {  	_ =	shalt  }
0x70: {  	_ =	shalt  }
0x71: {  	_ =	shalt  }
0x72: {  	_ =	shalt  }
0x73: {  	_ =	shalt  }
0x74: {  	_ =	shalt  }
0x75: {  	_ =	shalt  }
0x76: {  	_ =	shalt  }
0x77: {  	_ =	shalt  }
0x78: {  	_ =	shalt  }
0x79: {  	_ =	shalt  }
0x7a: {  	_ =	shalt  }
0x7b: {  	_ =	shalt  }
0x7c: {  	_ =	shalt  }
0x7d: {  	_ =	shalt  }
0x7e: {  	_ =	shalt  }
0x7f: {  	_ =	shalt  }
0x80: {  	_ =	shalt  }
0x81: {  	_ =	shalt  }
0x82: {  	_ =	shalt  }
0x83: {  	_ =	shalt  }
0x84: {  	_ =	shalt  }
0x85: {  	_ =	shalt  }
0x86: {  	_ =	shalt  }
0x87: {  	_ =	shalt  }
.Lfunc_end0:
.L_simem_size_0:
called_computation.2_lowered:
.L_overlay_start_0:
0x88: {  	s2 =	sld [smem:$0x3FD9]  }
0x89: {  	s3 =	sld [smem:$0x3FFE];
	_ =	sdelay $0x1  }
0x8a: {  	s1 =	srdreg.scid  }
0x8b: {  	s0 =	sand.u32 $0x1, s1  }
0x8c: {  	s16 =	sshll.u32 s0, $0xA;
	s2 =	sadd.s32 s3, s2  }
0x8d: {  	s2 =	sadd.s32 s2, s16  }
0x8e: {  	[smem:$0x3FBF] =	sst s2  }
0x8f: {  	_ = 	snop  }
0x90: {  	(tm) =	ssettm $0x1  }
0x91: {  	s17 =	sld [smem:$0x3FFB];
	_ =	sdelay $0x3  }
0x92: {  	_ =	strace s17  }
0x93: {  	s2 =	sld [smem:$0x3FFC];
	_ =	sdelay $0x3  }
0x94: {  	_ =	strace s2  }
0x95: {  	s2 =	sld [smem:$0x3FFD];
	_ =	sdelay $0x3  }
0x96: {  	_ =	strace s2  }
0x97: {  	_ =	strace $0x8FFFFFFF  }
0x98: {  	s18 =	sld [smem:$0x3FDB];
	_ =	sdelay $0x1  }
0x99: {  	s19 =	simm.s32 $_scs_section_size  }
0x9a: {  	s4 =	simm.s32 $_size__tile_overlayer_lowered;
	s5 =	simm.s32 $_tile_overlayer_lowered  }
0x9b: {  	s22 =	simm.s32 $0x1BFF;
	s21 =	sshll.u32 s5, $0x1;
	s2 =	sadd.s32 s19, s18  }
0x9c: {  	s6 =	simm.s32 $0x0;
	s20 =	sshll.u32 s4, $0x1;
	s4 =	sadd.s32 s21, s2  }
0x9d: {  	[timem:s6], [sflag:s22] =	dma.local [hbm:s4], s20  }
0x9e: {  	_ =	swait.ge [sflag:s22], s20  }
0x9f: {  	s3 =	ssub.s32 $0x0, s20;
	[sflag:s22] =	ssyncset.done $0x0  }
0xa0: {  	[sflag:s22] =	ssyncadd.s32 s3;
	_ =	sdelay $0x1  }
0xa1: {  	s23 =	simm.s32 $0x1B8B  }
0xa2: {  	_ =	swait.ge [sflag:s23], $0x1  }
0xa3: {  	[sflag:s23] =	ssyncset.done $0x0  }
0xa4: {  	s25 =	simm.s32 $0x1B8E;
	s24 =	sld [smem:$0x3FFE];
	[sflag:s23] =	ssyncadd.s32 $0xFFFFFFFF  }
0xa5: {  	s26 =	simm.s32 $execute0_lowered;
	[smem:$0x3FD2] =	sst s25  }
0xa6: {  	s4 =	sshll.u32 s26, $0x1;
	_ =	strace $0x8000004C;
	[dreg:$0x1] =	wrdreg $0xFFFFFFFF  }
0xa7: {  	s28 =	simm.s32 $_size_execute0_lowered;
	s2 =	sadd.s32 s2, s4;
	[dreg:$0x0] =	wrdreg $0x0  }
0xa8: {  	s4 =	sshll.u32 s28, $0x1;
	[dreg:$0x2] =	wrdreg s2  }
0xa9: {  	[dreg:$0x3] =	wrdreg s4  }
0xaa: {  	[dreg:$0x4] =	wrdreg $0xC0  }
0xab: {  	_ =	task [dreg:s6], $0x5FFFF  }
0xac: {  	[dreg:$0x1] =	wrdreg $0xFFFFFFFF  }
0xad: {  	[dreg:$0x0] =	wrdreg $0x60  }
0xae: {  	[dreg:$0x2] =	wrdreg s24  }
0xaf: {  	[dreg:$0x3] =	wrdreg $0x0  }
0xb0: {  	[dreg:$0x4] =	wrdreg $0x9  }
0xb1: {  	_ =	task.clear_ibuf [dreg:s6], $0x5FFFF;
	_ =	strace $0x9000004C  }
0xb2: {  	s29 =	simm.s32 $0x9;
	_ =	strace $0x8000004E  }
0xb3: {  	_ =	swait.ge [sflag:s29], $0x1  }
0xb4: {  	[sflag:s29] =	ssyncadd.s32 $0xFFFFFFFF  }
0xb5: {  	_ =	strace $0x9000004E  }
0xb6: {  	_ =	sfence  }
0xb7: {  	s30 =	sld [smem:$0x0];
	_ =	sdelay $0x2  }
0xb8: {  	s31 =	sshll.u32 s1, $0xD;
	s1 =	sshrl.u32 s1, $0x2  }
0xb9: {  	s3 =	sand.u32 $0x4000, s31;
	s1 =	sadd.s32 s1, s30  }
0xba: {  	s0 =	sor.u32 s3, s0;
	s1 =	sshll.u32 s1, $0x11  }
0xbb: {  	s0 =	sor.u32 s1, s0  }
0xbc: {  	s0 =	sadd.s32 $0x8F2B, s0  }
0xbd: {  	[sflag:s0] =	ssyncadd.remote.s32 $0x1  }
0xbe: {  	_ =	sfence.sel $0xFFFF  }
0xbf: {  	[dreg:$0x0] =	wrdreg $0xFFFFFFFF;
	(pc) =	sbr.abs _section_cstart, $3  }
0xc0: {  	[dreg:$0x1] =	wrdreg $0xFFFFFFFF  }
0xc1: {  	_ =	task.clear_ibuf [dreg:s6], $0x2FFFF;
	_ =	strace $0x9FFFFFFF  }
0xc2: {  	(tm) =	ssettm $0x7FFFFFFF  }
0xc3: {  	_ =	shalt  }
tec
execute0_lowered:
.L_overlay_start_1:
0x0: {  	(tag) =	ssettag $0x1  }
0x1: {  	s0 =	rddreg [dreg:$0x0]  }
0x2: {  	s2 =	rddreg [dreg:$0x1];
	s3 =	simm.s32 $0x0;
	s1 =	srdreg.scid  }
0x3: {  	s10 =	stileid.u32;
	s14 =	simm.s32 $0xCD800;
	s15 =	simm.s32 $0x17C00  }
0x4: {  	s16 =	simm.s32 $0x5;
	s17 =	simm.s32 $0x14000;
	s18 =	simm.s32 $0x15400  }
0x5: {  	s19 =	simm.s32 $0x40;
	s20 =	simm.s32 $0x14040;
	s21 =	simm.s32 $0x19C00  }
0x6: {  	s22 =	simm.s32 $0x14080;
	s28 =	simm.s32 $0x3;
	s29 =	simm.s32 $0x4  }
0x7: {  	s30 =	simm.s32 $0x0;
	[smem:$0x7FF] =	sst s3;
	s5 =	smul.u32 $0x50000, s10  }
0x8: {  	s1 =	sand.u32 $0x1, s1;
	s4 =	sadd.s32 $0xEE00, s0;
	s23 =	smul.u32 $0x2800, s10  }
0x9: {  	_ =	strace $0x8000004D;
	s6 =	ssub.s32 $0x2, s1;
	p0 =	seq.s32 s1, $0x0  }
0xa: {  	p1 =	seq.s32 s1, $0x1;
	s7 =	sshrl.u32 s6, $0x1;
	s8 =	sshrl.u32 s5, $0x2  }
0xb: {  	s5 =	sadd.s32 $0x19800, s0;
	s14 =	simm.s32 @!p1 $0xA5800;
	s9 =	ssub.s32 s6, s7  }
0xc: {  	s6 =	sadd.s32 s8, s2;
	s7 =	smul.u32 $0x140, s10;
	s24 =	smax.u32 s9, $0x1  }
0xd: {  	s8 =	simm.s32 $0x2D800;
	s25 =	sadd.s32 $0x4000, s6;
	[dreg:$0x3] =	wrdreg s24  }
.Ltmp0:
0xe: {  	s26 =	sadd.s32 $0x8000, s6;
	[dreg:$0x4] =	wrdreg s25;
	(pc) =	sbr.rel .LBB2_1-.Ltmp0, $4  }
0xf: {  	s31 =	sadd.s32 $0xC000, s6;
	s8 =	simm.s32 @!p0 $0x55800;
	[dreg:$0x5] =	wrdreg s26  }
0x10: {  	s12 =	sadd.s32 $0x10000, s6;
	[dreg:$0x6] =	wrdreg s31;
	s13 =	sadd.s32 s8, s0  }
0x11: {  	s0 =	sadd.s32 s14, s0;
	s24 =	simm.s32 $0x140C0;
	s25 =	simm.s32 $0x1DC00  }
0x12: {  	v0 =	vimm.f32 $0.0e+00;
	s26 =	simm.s32 $0x1;
	s14 =	sadd.s32 s0, s23;
	s23 =	simm.s32 $0x1BC00  }
.LBB2_8:
0x13: {  	s0 =	stileid.u32  }
0x14: {  	s0 =	sshll.u32 s0, $0x6  }
0x15: {  	[bflag:$0x0] =	sbarrier.arrive $0xFFFF;
	s1 =	sshrl.u32 s6, $0x3;
	s0 =	sor.u32 $0x1C05, s0  }
0x16: {  	[hbm:s14], [sflag:s0] =	dma.local [spmem:s1], $0x2800  }
0x17: {  	_ =	swait.ge [sflag:s16], $0x2800  }
0x18: {  	s3 =	sadd.s32 $0x1, s3;
	s31 =	rddreg [dreg:$0x3]  }
0x19: {  	p0 =	sne.s32 s3, s31  }
.Ltmp1:
0x1a: {  	_ = 	snop;
	(pc) =	sbr.rel @!p0 .LBB2_9-.Ltmp1, $3  }
0x1b: {  	_ =	sdelay $0x1  }
0x1c: {  	[sflag:s16] =	ssyncset.done $0x0  }
0x1d: {  	[sflag:s16] =	ssyncadd.s32 $0xFFFFD800  }
.LBB2_1:
0x1e: {  	s0 =	simm.s32 $0x0;
	s1 =	simm.s32 $0x200  }
.LBB2_2:
0x1f: {  	p0 =	sne.s32 s1, $0x1FE00;
	[tilespmem:s0+$0x17C70] =	vst v0  }
0x20: {  	[tilespmem:s0+$0x17C00] =	vst v0  }
0x21: {  	[tilespmem:s0+$0x17C10] =	vst v0  }
.Ltmp2:
0x22: {  	[tilespmem:s0+$0x17C20] =	vst v0;
	(pc) =	sbr.rel @p0 .LBB2_2-.Ltmp2, $4  }
0x23: {  	[tilespmem:s0+$0x17C30] =	vst v0  }
0x24: {  	[tilespmem:s0+$0x17C40] =	vst v0  }
0x25: {  	[tilespmem:s0+$0x17C50] =	vst v0  }
0x26: {  	[tilespmem:s0+$0x17C60] =	vst v0;
	s0 =	sshra.s32 s1, $0x2;
	s1 =	sadd.s32 $0x200, s1  }
0x27: {  	[tilespmem:s0+$0x17C70] =	vst v0  }
0x28: {  	[tilespmem:s0+$0x17C00] =	vst v0  }
0x29: {  	[tilespmem:s0+$0x17C10] =	vst v0  }
0x2a: {  	[tilespmem:s0+$0x17C20] =	vst v0  }
0x2b: {  	[tilespmem:s0+$0x17C30] =	vst v0  }
0x2c: {  	[tilespmem:s0+$0x17C40] =	vst v0  }
0x2d: {  	[tilespmem:s0+$0x17C50] =	vst v0  }
0x2e: {  	[tilespmem:s0+$0x17C60] =	vst v0  }
0x2f: {  	[spmem:s6] =	stream.linear.scatter [tilespmem:s15], [sflag:$0x5], $0x4000, $0x38;
	[tilespmem:$0x1FC00] =	vst v63  }
0x30: {  	_ =	swait.ge [sflag:s16], $0x4000  }
0x31: {  	[sflag:s16] =	ssyncset.done $0x0  }
0x32: {  	s9 =	rddreg [dreg:$0x4];
	[sflag:s16] =	ssyncadd.s32 $0xFFFFC000  }
0x33: {  	[spmem:s9] =	stream.linear.scatter [tilespmem:s15], [sflag:$0x5], $0x4000, $0x38;
	[tilespmem:$0x1FC00] =	vst v63  }
0x34: {  	_ =	swait.ge [sflag:s16], $0x4000  }
0x35: {  	[sflag:s16] =	ssyncset.done $0x0  }
0x36: {  	s10 =	rddreg [dreg:$0x5];
	[sflag:s16] =	ssyncadd.s32 $0xFFFFC000  }
0x37: {  	[spmem:s10] =	stream.linear.scatter [tilespmem:s15], [sflag:$0x5], $0x4000, $0x38;
	[tilespmem:$0x1FC00] =	vst v63  }
0x38: {  	_ =	swait.ge [sflag:s16], $0x4000  }
0x39: {  	[sflag:s16] =	ssyncset.done $0x0  }
0x3a: {  	s11 =	rddreg [dreg:$0x6];
	[sflag:s16] =	ssyncadd.s32 $0xFFFFC000  }
0x3b: {  	[spmem:s11] =	stream.linear.scatter [tilespmem:s15], [sflag:$0x5], $0x4000, $0x38;
	[tilespmem:$0x1FC00] =	vst v63  }
0x3c: {  	_ =	swait.ge [sflag:s16], $0x4000  }
0x3d: {  	[sflag:s16] =	ssyncset.done $0x0  }
0x3e: {  	[sflag:s16] =	ssyncadd.s32 $0xFFFFC000  }
0x3f: {  	[spmem:s12] =	stream.linear.scatter [tilespmem:s15], [sflag:$0x5], $0x4000, $0x38;
	[tilespmem:$0x1FC00] =	vst v63  }
.Ltmp3:
0x40: {  	_ =	swait.ge [sflag:s16], $0x4000;
	(pc) =	sbr.rel .LBB2_4-.Ltmp3, $4  }
0x41: {  	[sflag:s16] =	ssyncset.done $0x0  }
0x42: {  	[sflag:s16] =	ssyncadd.s32 $0xFFFFC000  }
0x43: {  	[bflag:$0x0] =	sbarrier.arrive $0xFFFF  }
0x44: {  	s31 =	simm.s32 $0x0  }
.LBB2_7:
0x45: {  	_ =	swait.ge [sflag:s29], $0x2000;
	s31 =	sadd.s32 $0x1, s31  }
0x46: {  	[sflag:s29] =	ssyncset.done $0x0;
	p0 =	sne.s32 s31, $0x4  }
.Ltmp4:
0x47: {  	[sflag:s29] =	ssyncadd.s32 $0xFFFFE000;
	(pc) =	sbr.rel @!p0 .LBB2_8-.Ltmp4, $4  }
0x48: {  	[spmem:s2] =	stream.indirect.scatter.add.f32 [tilespmem:s25], [sflag:$0x5], $0x80, s8, s19, $0xb8;
	[tilespmem:$0x1FC00] =	vst v63  }
0x49: {  	_ =	swait.ge [sflag:s16], $0x2000  }
0x4a: {  	[sflag:s16] =	ssyncset.done $0x0  }
0x4b: {  	[sflag:s16] =	ssyncadd.s32 $0xFFFFE000  }
.LBB2_4:
0x4c: {  	s0 =	smul.u32 $0x50, s31;
	_ =	sdelay $0x1  }
0x4d: {  	s0 =	sadd.s32 s7, s0  }
0x4e: {  	s1 =	sshll.u32 s0, $0x3  }
0x4f: {  	s1 =	sadd.s32 s4, s1  }
0x50: {  	[tilespmem:s17], [sflag:$0x5] =	stream.linear.gather [hbm4b:s1+s30], $0x1400, $0x38;
	[tilespmem:$0x1FC00] =	vst v63  }
0x51: {  	_ =	swait.ge [sflag:s16], $0x1400  }
0x52: {  	s0 =	sshll.u32 s0, $0x4;
	[sflag:s16] =	ssyncset.done $0x0  }
0x53: {  	s0 =	sadd.s32 s5, s0;
	[sflag:s16] =	ssyncadd.s32 $0xFFFFEC00  }
0x54: {  	[tilespmem:s18], [sflag:$0x5] =	stream.linear.gather [hbm4b:s0+s30], $0x2800, $0x38;
	[tilespmem:$0x1FC00] =	vst v63  }
0x55: {  	_ =	swait.ge [sflag:s16], $0x2800  }
0x56: {  	[sflag:s16] =	ssyncset.done $0x0  }
0x57: {  	[sflag:s16] =	ssyncadd.s32 $0xFFFFD800  }
0x58: {  	[tilespmem:s15], [sflag:$0x1] =	stream.indirect.gather [hbm4b:s13+s19], $0x80, s17, s19, $0xb8;
	[tilespmem:$0x1FC00] =	vst v63  }
0x59: {  	_ = 	snop  }
0x5a: {  	[tilespmem:s21], [sflag:$0x2] =	stream.indirect.gather [hbm4b:s13+s19], $0x80, s20, s19, $0xb8;
	[tilespmem:$0x1FC00] =	vst v63  }
0x5b: {  	_ = 	snop  }
0x5c: {  	[tilespmem:s23], [sflag:$0x3] =	stream.indirect.gather [hbm4b:s13+s19], $0x80, s22, s19, $0xb8;
	[tilespmem:$0x1FC00] =	vst v63  }
0x5d: {  	s1 =	simm.s32 $0x0;
	s0 =	simm.s32 $0x141C0  }
0x5e: {  	[tilespmem:s25], [sflag:$0x4] =	stream.indirect.gather [hbm4b:s13+s19], $0x80, s24, s19, $0xb8;
	[tilespmem:$0x1FC00] =	vst v63  }
.LBB2_5:
0x5f: {  	_ =	swait.ge [sflag:s26], $0x2000  }
0x60: {  	s8 =	sshra.s32 s1, $0x2;
	[sflag:s26] =	ssyncset.done $0x0  }
0x61: {  	s9 =	sadd.s32 $0x15400, s8;
	[sflag:s26] =	ssyncadd.s32 $0xFFFFE000  }
0x62: {  	[spmem:s2] =	stream.indirect.scatter.add.f32 [tilespmem:s15], [sflag:$0x5], $0x80, s9, s19, $0xb8;
	[tilespmem:$0x1FC00] =	vst v63  }
0x63: {  	_ =	swait.ge [sflag:s16], $0x2000  }
0x64: {  	p0 =	seq.s32 s1, $0x9800;
	[sflag:s16] =	ssyncset.done $0x0  }
0x65: {  	s9 =	simm.s32 @p0 $0x2;
	[sflag:s16] =	ssyncadd.s32 $0xFFFFE000  }
0x66: {  	_ =	swait.ge @p0 [sflag:s9], $0x2000  }
0x67: {  	[sflag:s9] =	ssyncset.done @p0 $0x0  }
0x68: {  	[sflag:s9] =	ssyncadd.s32 @p0 $0xFFFFE000;
	s9 =	sshra.s32 @p0 s1, $0x2  }
0x69: {  	s10 =	simm.s32 @p0 $0x40;
	s11 =	simm.s32 @p0 $0x19C00;
	s9 =	sadd.s32 @p0 $0x15480, s9  }
0x6a: {  	[spmem:s2] =	stream.indirect.scatter.add.f32 @p0 [tilespmem:s11], [sflag:$0x5], $0x80, s9, s10, $0xb8;
	[tilespmem:$0x1FC00] =	vst v63  }
0x6b: {  	s9 =	simm.s32 @p0 $0x5  }
0x6c: {  	_ =	swait.ge @p0 [sflag:s9], $0x2000  }
0x6d: {  	s10 =	simm.s32 @!p0 $0x40;
	[sflag:s9] =	ssyncset.done @p0 $0x0  }
0x6e: {  	s11 =	simm.s32 @!p0 $0x17C00;
	[sflag:s9] =	ssyncadd.s32 @p0 $0xFFFFE000;
	s9 =	sadd.s32 @!p0 $0xFFFFFF40, s0  }
0x6f: {  	[tilespmem:s11], [sflag:$0x1] =	stream.indirect.gather @!p0 [hbm4b:s13+s10], $0x80, s9, s10, $0xb8;
	[tilespmem:$0x1FC00] =	vst v63  }
0x70: {  	s9 =	simm.s32 @!p0 $0x2  }
0x71: {  	_ =	swait.ge @!p0 [sflag:s9], $0x2000  }
0x72: {  	s11 =	sshra.s32 @!p0 s1, $0x2;
	[sflag:s9] =	ssyncset.done @!p0 $0x0  }
0x73: {  	[sflag:s9] =	ssyncadd.s32 @!p0 $0xFFFFE000;
	s9 =	sadd.s32 @!p0 $0x15480, s11;
	s11 =	simm.s32 @!p0 $0x19C00  }
0x74: {  	[spmem:s2] =	stream.indirect.scatter.add.f32 @!p0 [tilespmem:s11], [sflag:$0x5], $0x80, s9, s10, $0xb8;
	[tilespmem:$0x1FC00] =	vst v63  }
0x75: {  	s9 =	simm.s32 @!p0 $0x5  }
0x76: {  	_ =	swait.ge @!p0 [sflag:s9], $0x2000  }
0x77: {  	[sflag:s9] =	ssyncset.done @!p0 $0x0  }
0x78: {  	[sflag:s9] =	ssyncadd.s32 @!p0 $0xFFFFE000;
	s9 =	sadd.s32 @!p0 $0xFFFFFF80, s0  }
0x79: {  	[tilespmem:s11], [sflag:$0x2] =	stream.indirect.gather @!p0 [hbm4b:s13+s10], $0x80, s9, s10, $0xb8;
	[tilespmem:$0x1FC00] =	vst v63  }
0x7a: {  	_ =	swait.ge [sflag:s28], $0x2000  }
0x7b: {  	[sflag:s28] =	ssyncset.done $0x0  }
.Ltmp5:
0x7c: {  	s11 =	sadd.s32 $0x15500, s8;
	[sflag:s28] =	ssyncadd.s32 $0xFFFFE000;
	(pc) =	sbr.rel @p0 .LBB2_7-.Ltmp5, $4  }
0x7d: {  	[spmem:s2] =	stream.indirect.scatter.add.f32 [tilespmem:s23], [sflag:$0x5], $0x80, s11, s19, $0xb8;
	[tilespmem:$0x1FC00] =	vst v63  }
0x7e: {  	_ =	swait.ge [sflag:s16], $0x2000  }
0x7f: {  	[sflag:s16] =	ssyncset.done $0x0  }
0x80: {  	s8 =	sadd.s32 $0x15580, s8;
	[sflag:s16] =	ssyncadd.s32 $0xFFFFE000  }
0x81: {  	s9 =	sadd.s32 $0xFFFFFFC0, s0  }
0x82: {  	[tilespmem:s23], [sflag:$0x3] =	stream.indirect.gather [hbm4b:s13+s19], $0x80, s9, s19, $0xb8;
	[tilespmem:$0x1FC00] =	vst v63  }
0x83: {  	_ =	swait.ge [sflag:s29], $0x2000  }
0x84: {  	[sflag:s29] =	ssyncset.done $0x0  }
0x85: {  	[sflag:s29] =	ssyncadd.s32 $0xFFFFE000  }
0x86: {  	[spmem:s2] =	stream.indirect.scatter.add.f32 [tilespmem:s25], [sflag:$0x5], $0x80, s8, s19, $0xb8;
	[tilespmem:$0x1FC00] =	vst v63  }
.Ltmp6:
0x87: {  	_ =	swait.ge [sflag:s16], $0x2000;
	(pc) =	sbr.rel .LBB2_5-.Ltmp6, $4  }
0x88: {  	[sflag:s16] =	ssyncset.done $0x0  }
0x89: {  	[sflag:s16] =	ssyncadd.s32 $0xFFFFE000  }
0x8a: {  	[tilespmem:s25], [sflag:$0x4] =	stream.indirect.gather [hbm4b:s13+s19], $0x80, s0, s19, $0xb8;
	[tilespmem:$0x1FC00] =	vst v63  }
0x8b: {  	s1 =	sadd.s32 $0x800, s1;
	s0 =	sadd.s32 $0x100, s0  }
.LBB2_9:
0x8c: {  	_ =	sfence.sel $0x180000  }
0x8d: {  	[bflag:$0x0] =	sbarrier.arrive $0xFFFF  }
0x8e: {  	_ =	strace $0x9000004D  }
0x8f: {  	s0 =	stileid.u32;
	[bflag:$0x2] =	sbarrier.arrive $0xFFFF  }
0x90: {  	p0 =	sne.s32 s0, $0x0;
	s0 =	rddreg [dreg:$0x2]  }
0x91: {  	s0 =	sadd.s32 @!p0 $0x100000, s0  }
0x92: {  	[sflag:s0] =	ssyncadd.tile.s32 @!p0 $0x1;
	_ =	shalt  }
.Lfunc_end2:
_tile_overlayer_lowered:
.L_overlay_start_2:
0x93: {  	(tag) =	ssettag $0x2  }
0x94: {  	s0 =	rddreg [dreg:$0x0];
	s2 =	stileid.u32  }
0x95: {  	s1 =	rddreg [dreg:$0x1];
	p0 =	sne.s32 s2, $0x0  }
0x96: {  	s3 =	rddreg [dreg:$0x2];
	[bflag:$0x3] =	sbarrier.arrive $0xFFFF;
	s2 =	simm.s32 @!p0 $0x1C05  }
0x97: {  	[timem:s3], [sflag:s2] =	dma.local @!p0 [hbm:s0], s1  }
0x98: {  	s0 =	simm.s32 @!p0 $0x5  }
0x99: {  	_ =	swait.ge @!p0 [sflag:s0], s1  }
0x9a: {  	s1 =	ssub.s32 @!p0 $0x0, s1;
	[sflag:s0] =	ssyncset.done @!p0 $0x0  }
0x9b: {  	[sflag:s0] =	ssyncadd.s32 @!p0 s1  }
0x9c: {  	[bflag:$0x3] =	sbarrier.arrive $0xFFFF  }
0x9d: {  	_ =	shalt  }

// kernel: kernel.8.cloned.1.call-start
scs
__scs_entry_jumppad:
0x0: {  	(pc) =	sbr.rel $0x88, $3  }
0x1: {  	(tag) =	ssettag $0x0;
	lr =	simm.s32 $0x1  }
0x2: {  	[smem:$0x3F98] =	sst lr;
	_ =	strace $0xD0000000  }
0x3: {  	_ = 	snop  }
0x4: {  	_ = 	snop  }
0x5: {  	_ = 	snop  }
0x6: {  	_ = 	snop  }
0x7: {  	_ = 	snop  }
__scs_overlays_trampoline_lowered:
0x8: {  	[smem:$0x3FA7] =	sst s0  }
0x9: {  	[smem:$0x3FA8] =	sst s1  }
0xa: {  	[smem:$0x3FA9] =	sst s2  }
0xb: {  	[smem:$0x3FAA] =	sst s3  }
0xc: {  	[smem:$0x3FAB] =	sst s4  }
0xd: {  	[smem:$0x3FAC] =	sst s5  }
0xe: {  	[smem:$0x3FAD] =	sst s6  }
0xf: {  	[smem:$0x3FAE] =	sst s7  }
0x10: {  	[smem:$0x3FAF] =	sst s8  }
0x11: {  	[smem:$0x3FB0] =	sst s9;
	s0 =	simm.s32 @!p0 $0x0  }
0x12: {  	s1 =	sld [smem:$0x3F96];
	s0 =	simm.s32 @p0 $0x1  }
0x13: {  	[smem:$0x3FB1] =	sst s0;
	s0 =	simm.s32 @!p1 $0x0  }
0x14: {  	s2 =	sld [smem:$0x3F95];
	s0 =	simm.s32 @p1 $0x1  }
0x15: {  	[smem:$0x3FB2] =	sst s0;
	s0 =	simm.s32 @!p2 $0x0  }
0x16: {  	s3 =	sld [smem:$0x3FDB];
	s0 =	simm.s32 @p2 $0x1  }
0x17: {  	s4 =	simm.s32 $0x1BF5;
	[smem:$0x3FB4] =	sst s0  }
0x18: {  	s0 =	sld [smem:$0x3F97];
	_ =	swait.ge [sflag:s4], $0x0  }
0x19: {  	s7 =	sld [smem:$0x3F98]  }
0x1a: {  	s8 =	sadd.s32 $0xFFFFE003, lr  }
0x1b: {  	s9 =	sadd.s32 $0xFFFFFEF7, lr;
	s5 =	simm.s32 $0xFFFFFFFF;
	p2 =	slt.u32 s8, $0xFFFFF086  }
0x1c: {  	p1 =	slt.u32 s9, $0xF7A;
	s5 =	simm.s32 @!p2 $0x0  }
0x1d: {  	s5 =	simm.s32 @p1 $0x1;
	p0 =	seq.s32 s7, s2  }
0x1e: {  	s7 =	smul.u32 @!p0 $0xF7A, s2;
	p2 =	seq.s32 @!p0 s5, $0x0  }
0x1f: {  	s9 =	smul.u32 $0xF7A, s1;
	s8 =	simm.s32 @!p0 $0x1BF5;
	p2 =	por !p2, p0  }
0x20: {  	[sflag:s8] =	ssyncset.s32 @!p0 $0xFFFFF086;
	s6 =	sadd.s32 @!p0 s3, s7;
	s7 =	simm.s32 @!p0 $0x108  }
0x21: {  	s3 =	sadd.s32 s3, s9;
	s6 =	sadd.s32 @!p0 $0x88, s6;
	s7 =	simm.s32 @p2 $0x1082  }
0x22: {  	[simem:s7], [sflag:s8] =	dma.local @!p0 [hbm:s6], $0xF7A  }
0x23: {  	s9 =	sor.u32 $0xD0000000, s2;
	s6 =	simm.s32 $0x108;
	_ =	swait.ge @!p0 [sflag:s8], $0x0  }
0x24: {  	s3 =	sadd.s32 $0x88, s3;
	s6 =	simm.s32 @!p1 $0x1082;
	[sflag:s4] =	ssyncset.s32 $0xFFFFF086  }
0x25: {  	[simem:s6], [sflag:s4] =	dma.local [hbm:s3], $0xF7A  }
0x26: {  	[smem:$0x3F98] =	sst s1;
	(tag) =	ssettag s2;
	_ =	strace s9  }
0x27: {  	s1 =	sld [smem:$0x3FA8]  }
0x28: {  	s2 =	sld [smem:$0x3FA9]  }
0x29: {  	s4 =	sld [smem:$0x3FAB]  }
0x2a: {  	p0 =	seq.s32 s5, $0x0;
	s5 =	sld [smem:$0x3FAC]  }
0x2b: {  	s6 =	sld [smem:$0x3FAD]  }
0x2c: {  	s7 =	sld [smem:$0x3FAE]  }
0x2d: {  	s3 =	simm.s32 $0x108;
	s8 =	sld [smem:$0x3FAF]  }
0x2e: {  	s3 =	simm.s32 @!p0 $0x1082;
	s9 =	sld [smem:$0x3FB0]  }
0x2f: {  	lr =	sadd.s32 s0, s3;
	s0 =	sld [smem:$0x3FA7]  }
0x30: {  	s3 =	sld [smem:$0x3FAA]  }
0x31: {  	[smem:$0x3FB3] =	sst s10  }
0x32: {  	s10 =	sld [smem:$0x3FB1];
	_ =	sdelay $0x3  }
0x33: {  	p0 =	seq.s32 s10, $0x1;
	s10 =	sld [smem:$0x3FB3];
	_ =	sdelay $0x3  }
0x34: {  	[smem:$0x3FB3] =	sst s10  }
0x35: {  	s10 =	sld [smem:$0x3FB2];
	_ =	sdelay $0x3  }
0x36: {  	p1 =	seq.s32 s10, $0x1;
	s10 =	sld [smem:$0x3FB3];
	_ =	sdelay $0x3  }
0x37: {  	[smem:$0x3FB3] =	sst s10  }
0x38: {  	s10 =	sld [smem:$0x3FB4]  }
0x39: {  	_ = 	snop;
	(pc) =	sbr.ind lr, $3  }
0x3a: {  	_ = 	snop  }
0x3b: {  	_ = 	snop  }
0x3c: {  	p2 =	seq.s32 s10, $0x1;
	s10 =	sld [smem:$0x3FB3]  }
0x3d: {  	_ =	shalt  }
0x3e: {  	_ =	shalt  }
0x3f: {  	_ =	shalt  }
0x40: {  	_ =	shalt  }
0x41: {  	_ =	shalt  }
0x42: {  	_ =	shalt  }
0x43: {  	_ =	shalt  }
0x44: {  	_ =	shalt  }
0x45: {  	_ =	shalt  }
0x46: {  	_ =	shalt  }
0x47: {  	_ =	shalt  }
0x48: {  	_ =	shalt  }
0x49: {  	_ =	shalt  }
0x4a: {  	_ =	shalt  }
0x4b: {  	_ =	shalt  }
0x4c: {  	_ =	shalt  }
0x4d: {  	_ =	shalt  }
0x4e: {  	_ =	shalt  }
0x4f: {  	_ =	shalt  }
0x50: {  	_ =	shalt  }
0x51: {  	_ =	shalt  }
0x52: {  	_ =	shalt  }
0x53: {  	_ =	shalt  }
0x54: {  	_ =	shalt  }
0x55: {  	_ =	shalt  }
0x56: {  	_ =	shalt  }
0x57: {  	_ =	shalt  }
0x58: {  	_ =	shalt  }
0x59: {  	_ =	shalt  }
0x5a: {  	_ =	shalt  }
0x5b: {  	_ =	shalt  }
0x5c: {  	_ =	shalt  }
0x5d: {  	_ =	shalt  }
0x5e: {  	_ =	shalt  }
0x5f: {  	_ =	shalt  }
0x60: {  	_ =	shalt  }
0x61: {  	_ =	shalt  }
0x62: {  	_ =	shalt  }
0x63: {  	_ =	shalt  }
0x64: {  	_ =	shalt  }
0x65: {  	_ =	shalt  }
0x66: {  	_ =	shalt  }
0x67: {  	_ =	shalt  }
0x68: {  	_ =	shalt  }
0x69: {  	_ =	shalt  }
0x6a: {  	_ =	shalt  }
0x6b: {  	_ =	shalt  }
0x6c: {  	_ =	shalt  }
0x6d: {  	_ =	shalt  }
0x6e: {  	_ =	shalt  }
0x6f: {  	_ =	shalt  }
0x70: {  	_ =	shalt  }
0x71: {  	_ =	shalt  }
0x72: {  	_ =	shalt  }
0x73: {  	_ =	shalt  }
0x74: {  	_ =	shalt  }
0x75: {  	_ =	shalt  }
0x76: {  	_ =	shalt  }
0x77: {  	_ =	shalt  }
0x78: {  	_ =	shalt  }
0x79: {  	_ =	shalt  }
0x7a: {  	_ =	shalt  }
0x7b: {  	_ =	shalt  }
0x7c: {  	_ =	shalt  }
0x7d: {  	_ =	shalt  }
0x7e: {  	_ =	shalt  }
0x7f: {  	_ =	shalt  }
0x80: {  	_ =	shalt  }
0x81: {  	_ =	shalt  }
0x82: {  	_ =	shalt  }
0x83: {  	_ =	shalt  }
0x84: {  	_ =	shalt  }
0x85: {  	_ =	shalt  }
0x86: {  	_ =	shalt  }
0x87: {  	_ =	shalt  }
.Lfunc_end0:
.L_simem_size_0:
called_computation_lowered:
.L_overlay_start_0:
0x88: {  	s2 =	sld [smem:$0x3FD9]  }
0x89: {  	s3 =	sld [smem:$0x3FFE];
	_ =	sdelay $0x1  }
0x8a: {  	s1 =	srdreg.scid  }
0x8b: {  	s0 =	sand.u32 $0x1, s1  }
0x8c: {  	s16 =	sshll.u32 s0, $0xA;
	s2 =	sadd.s32 s3, s2  }
0x8d: {  	s2 =	sadd.s32 s2, s16  }
0x8e: {  	[smem:$0x3FBF] =	sst s2  }
0x8f: {  	_ = 	snop  }
0x90: {  	(tm) =	ssettm $0x1  }
0x91: {  	s17 =	sld [smem:$0x3FFB];
	_ =	sdelay $0x3  }
0x92: {  	_ =	strace s17  }
0x93: {  	s2 =	sld [smem:$0x3FFC];
	_ =	sdelay $0x3  }
0x94: {  	_ =	strace s2  }
0x95: {  	s2 =	sld [smem:$0x3FFD];
	_ =	sdelay $0x3  }
0x96: {  	_ =	strace s2  }
0x97: {  	_ =	strace $0x8FFFFFFF  }
0x98: {  	s18 =	sld [smem:$0x3FDB];
	_ =	sdelay $0x1  }
0x99: {  	s19 =	simm.s32 $_scs_section_size  }
0x9a: {  	s4 =	simm.s32 $_size__tile_overlayer_lowered;
	s5 =	simm.s32 $_tile_overlayer_lowered  }
0x9b: {  	s22 =	simm.s32 $0x1BFF;
	s21 =	sshll.u32 s5, $0x1;
	s2 =	sadd.s32 s19, s18  }
0x9c: {  	s6 =	simm.s32 $0x0;
	s20 =	sshll.u32 s4, $0x1;
	s4 =	sadd.s32 s21, s2  }
0x9d: {  	[timem:s6], [sflag:s22] =	dma.local [hbm:s4], s20  }
0x9e: {  	_ =	swait.ge [sflag:s22], s20  }
0x9f: {  	s3 =	ssub.s32 $0x0, s20;
	[sflag:s22] =	ssyncset.done $0x0  }
0xa0: {  	[sflag:s22] =	ssyncadd.s32 s3;
	_ =	sdelay $0x1  }
0xa1: {  	s23 =	simm.s32 $0x1B8B  }
0xa2: {  	_ =	swait.ge [sflag:s23], $0x1  }
0xa3: {  	[sflag:s23] =	ssyncset.done $0x0  }
0xa4: {  	s25 =	simm.s32 $0x1B8E;
	s24 =	sld [smem:$0x3FFE];
	[sflag:s23] =	ssyncadd.s32 $0xFFFFFFFF  }
0xa5: {  	s26 =	simm.s32 $execute0_lowered;
	[smem:$0x3FD2] =	sst s25  }
0xa6: {  	s4 =	sshll.u32 s26, $0x1;
	_ =	strace $0x80000046;
	[dreg:$0x1] =	wrdreg $0xFFFFFFFF  }
0xa7: {  	s28 =	simm.s32 $_size_execute0_lowered;
	s2 =	sadd.s32 s2, s4;
	[dreg:$0x0] =	wrdreg $0x0  }
0xa8: {  	s4 =	sshll.u32 s28, $0x1;
	[dreg:$0x2] =	wrdreg s2  }
0xa9: {  	[dreg:$0x3] =	wrdreg s4  }
0xaa: {  	[dreg:$0x4] =	wrdreg $0xC0  }
0xab: {  	_ =	task [dreg:s6], $0x5FFFF  }
0xac: {  	[dreg:$0x1] =	wrdreg $0xFFFFFFFF  }
0xad: {  	[dreg:$0x0] =	wrdreg $0x60  }
0xae: {  	[dreg:$0x2] =	wrdreg s24  }
0xaf: {  	[dreg:$0x3] =	wrdreg $0x0  }
0xb0: {  	[dreg:$0x4] =	wrdreg $0x9  }
0xb1: {  	_ =	task.clear_ibuf [dreg:s6], $0x5FFFF;
	_ =	strace $0x90000046  }
0xb2: {  	s29 =	simm.s32 $0x9;
	_ =	strace $0x80000048  }
0xb3: {  	_ =	swait.ge [sflag:s29], $0x1  }
0xb4: {  	[sflag:s29] =	ssyncadd.s32 $0xFFFFFFFF  }
0xb5: {  	_ =	strace $0x90000048  }
0xb6: {  	_ =	sfence  }
0xb7: {  	s30 =	sld [smem:$0x0];
	_ =	sdelay $0x2  }
0xb8: {  	s31 =	sshll.u32 s1, $0xD;
	s1 =	sshrl.u32 s1, $0x2  }
0xb9: {  	s3 =	sand.u32 $0x4000, s31;
	s1 =	sadd.s32 s1, s30  }
0xba: {  	s0 =	sor.u32 s3, s0;
	s1 =	sshll.u32 s1, $0x11  }
0xbb: {  	s0 =	sor.u32 s1, s0  }
0xbc: {  	s0 =	sadd.s32 $0x8F2B, s0  }
0xbd: {  	[sflag:s0] =	ssyncadd.remote.s32 $0x1  }
0xbe: {  	_ =	sfence.sel $0xFFFF  }
0xbf: {  	[dreg:$0x0] =	wrdreg $0xFFFFFFFF;
	(pc) =	sbr.abs _section_cstart, $3  }
0xc0: {  	[dreg:$0x1] =	wrdreg $0xFFFFFFFF  }
0xc1: {  	_ =	task.clear_ibuf [dreg:s6], $0x2FFFF;
	_ =	strace $0x9FFFFFFF  }
0xc2: {  	(tm) =	ssettm $0x7FFFFFFF  }
0xc3: {  	_ =	shalt  }
tec
execute0_lowered:
.L_overlay_start_1:
0x0: {  	(tag) =	ssettag $0x1  }
0x1: {  	s4 =	rddreg [dreg:$0x0];
	s0 =	srdreg.scid  }
0x2: {  	s2 =	rddreg [dreg:$0x1];
	s1 =	stileid.u32  }
0x3: {  	s3 =	simm.s32 $0x0;
	s12 =	simm.s32 $0x2B00;
	s13 =	simm.s32 $0x2  }
0x4: {  	s14 =	simm.s32 $0x280;
	s15 =	simm.s32 $0x80;
	s16 =	simm.s32 $0x2A80  }
0x5: {  	s17 =	simm.s32 $0x1;
	s20 =	simm.s32 $0x20;
	s21 =	simm.s32 $0x10  }
0x6: {  	s5 =	sand.u32 $0x1, s0;
	s0 =	rddreg [dreg:$0x2];
	s7 =	smul.u32 $0x500, s1  }
0x7: {  	s22 =	simm.s32 $0x0;
	[smem:$0x7FF] =	sst s3;
	s30 =	smul.u32 $0xA00, s1  }
0x8: {  	s18 =	sshll.u32 s1, $0x6;
	s6 =	sshll.u32 s5, $0x4;
	s8 =	sshll.u32 s5, $0x7  }
0x9: {  	_ =	strace $0x80000047;
	s5 =	ssub.s32 $0x2, s5;
	s18 =	sor.u32 $0x1C02, s18  }
0xa: {  	s6 =	sor.u32 s1, s6;
	s7 =	sor.u32 s8, s7;
	s31 =	sshrl.u32 s5, $0x1  }
0xb: {  	s8 =	sshrl.u32 s30, $0x2;
	s6 =	smul.u32 $0x500, s6;
	s7 =	sshrl.u32 s7, $0x3  }
0xc: {  	s9 =	ssub.s32 s5, s31;
	s5 =	sadd.s32 s8, s2;
	s7 =	sadd.s32 s7, s4  }
0xd: {  	s8 =	sadd.s32 $0x80, s5;
	s10 =	sadd.s32 $0x180, s5;
	s6 =	sadd.s32 s6, s4  }
0xe: {  	s11 =	sadd.s32 $0x200, s5;
	s19 =	sshrl.u32 s5, $0x3;
	s4 =	sadd.s32 $0x4E00, s6  }
0xf: {  	v0 =	vimm.f32 $1.000000000e+00;
	v1 =	vimm.f32 $0.0e+00;
	s6 =	sadd.s32 $0x18E00, s7;
	s7 =	smax.u32 s9, $0x1;
	s9 =	sadd.s32 $0x100, s5  }
.LBB2_1:
0x10: {  	[tilespmem:$0x2A80] =	vst v0  }
0x11: {  	[tilespmem:$0x2B00] =	vst v1  }
0x12: {  	[tilespmem:$0x2A90] =	vst v0  }
0x13: {  	[tilespmem:$0x2B10] =	vst v1  }
0x14: {  	[tilespmem:$0x2AA0] =	vst v0  }
0x15: {  	[tilespmem:$0x2B20] =	vst v1  }
0x16: {  	[tilespmem:$0x2AB0] =	vst v0  }
0x17: {  	[tilespmem:$0x2B30] =	vst v1  }
0x18: {  	[tilespmem:$0x2AC0] =	vst v0  }
0x19: {  	[tilespmem:$0x2B40] =	vst v1  }
0x1a: {  	[tilespmem:$0x2AD0] =	vst v0  }
0x1b: {  	[tilespmem:$0x2B50] =	vst v1  }
0x1c: {  	[tilespmem:$0x2AE0] =	vst v0  }
0x1d: {  	[tilespmem:$0x2B60] =	vst v1  }
0x1e: {  	[tilespmem:$0x2AF0] =	vst v0  }
0x1f: {  	[tilespmem:$0x2B70] =	vst v1  }
0x20: {  	[spmem:s5] =	stream.linear.scatter [tilespmem:s12], [sflag:$0x2], $0x80, $0x38;
	[tilespmem:$0x2B80] =	vst v63  }
0x21: {  	_ =	swait.ge [sflag:s13], $0x80  }
0x22: {  	[sflag:s13] =	ssyncset.done $0x0  }
0x23: {  	[sflag:s13] =	ssyncadd.s32 $0xFFFFFF80  }
0x24: {  	[spmem:s8] =	stream.linear.scatter [tilespmem:s12], [sflag:$0x2], $0x80, $0x38;
	[tilespmem:$0x2B80] =	vst v63  }
0x25: {  	_ =	swait.ge [sflag:s13], $0x80  }
0x26: {  	[sflag:s13] =	ssyncset.done $0x0  }
0x27: {  	[sflag:s13] =	ssyncadd.s32 $0xFFFFFF80  }
0x28: {  	[spmem:s9] =	stream.linear.scatter [tilespmem:s12], [sflag:$0x2], $0x80, $0x38;
	[tilespmem:$0x2B80] =	vst v63  }
0x29: {  	_ =	swait.ge [sflag:s13], $0x80  }
0x2a: {  	[sflag:s13] =	ssyncset.done $0x0  }
0x2b: {  	[sflag:s13] =	ssyncadd.s32 $0xFFFFFF80  }
0x2c: {  	[spmem:s10] =	stream.linear.scatter [tilespmem:s12], [sflag:$0x2], $0x80, $0x38;
	[tilespmem:$0x2B80] =	vst v63  }
0x2d: {  	_ =	swait.ge [sflag:s13], $0x80  }
0x2e: {  	[sflag:s13] =	ssyncset.done $0x0  }
0x2f: {  	[sflag:s13] =	ssyncadd.s32 $0xFFFFFF80  }
0x30: {  	[spmem:s11] =	stream.linear.scatter [tilespmem:s12], [sflag:$0x2], $0x80, $0x38;
	[tilespmem:$0x2B80] =	vst v63  }
0x31: {  	_ =	swait.ge [sflag:s13], $0x80  }
0x32: {  	[sflag:s13] =	ssyncset.done $0x0  }
0x33: {  	[sflag:s13] =	ssyncadd.s32 $0xFFFFFF80  }
0x34: {  	[tilespmem:s14], [sflag:$0x2] =	stream.linear.gather [hbm4b:s4+s3], $0x2800, $0x38;
	[tilespmem:$0x2B80] =	vst v63  }
0x35: {  	_ =	swait.ge [sflag:s13], $0x2800  }
0x36: {  	[sflag:s13] =	ssyncset.done $0x0  }
0x37: {  	[sflag:s13] =	ssyncadd.s32 $0xFFFFD800  }
0x38: {  	s23 =	simm.s32 $0x280;
	[bflag:$0x0] =	sbarrier.arrive $0xFFFF  }
0x39: {  	[spmem:s2] =	stream.indirect.scatter.add.f32 [tilespmem:s16], [sflag:$0x1], $0x1, s23, s15, $0xb8;
	[tilespmem:$0x2B80] =	vst v63  }
0x3a: {  	s24 =	simm.s32 $0x300  }
0x3b: {  	[spmem:s2] =	stream.indirect.scatter.add.f32 [tilespmem:s16], [sflag:$0x1], $0x1, s24, s15, $0xb8;
	[tilespmem:$0x2B80] =	vst v63  }
0x3c: {  	s25 =	simm.s32 $0x380  }
0x3d: {  	[spmem:s2] =	stream.indirect.scatter.add.f32 [tilespmem:s16], [sflag:$0x1], $0x1, s25, s15, $0xb8;
	[tilespmem:$0x2B80] =	vst v63  }
0x3e: {  	s26 =	simm.s32 $0x400  }
0x3f: {  	[spmem:s2] =	stream.indirect.scatter.add.f32 [tilespmem:s16], [sflag:$0x1], $0x1, s26, s15, $0xb8;
	[tilespmem:$0x2B80] =	vst v63  }
0x40: {  	s28 =	simm.s32 $0x480  }
0x41: {  	[spmem:s2] =	stream.indirect.scatter.add.f32 [tilespmem:s16], [sflag:$0x1], $0x1, s28, s15, $0xb8;
	[tilespmem:$0x2B80] =	vst v63  }
0x42: {  	s29 =	simm.s32 $0x500  }
0x43: {  	[spmem:s2] =	stream.indirect.scatter.add.f32 [tilespmem:s16], [sflag:$0x1], $0x1, s29, s15, $0xb8;
	[tilespmem:$0x2B80] =	vst v63  }
0x44: {  	s30 =	simm.s32 $0x580  }
0x45: {  	[spmem:s2] =	stream.indirect.scatter.add.f32 [tilespmem:s16], [sflag:$0x1], $0x1, s30, s15, $0xb8;
	[tilespmem:$0x2B80] =	vst v63  }
0x46: {  	s31 =	simm.s32 $0x600  }
0x47: {  	[spmem:s2] =	stream.indirect.scatter.add.f32 [tilespmem:s16], [sflag:$0x1], $0x1, s31, s15, $0xb8;
	[tilespmem:$0x2B80] =	vst v63  }
0x48: {  	_ =	swait.ge [sflag:s17], $0x80  }
0x49: {  	[sflag:s17] =	ssyncset.done $0x0  }
0x4a: {  	[sflag:s17] =	ssyncadd.s32 $0xFFFFFF80  }
0x4b: {  	_ =	swait.ge [sflag:s17], $0x80  }
0x4c: {  	[sflag:s17] =	ssyncset.done $0x0  }
0x4d: {  	[sflag:s17] =	ssyncadd.s32 $0xFFFFFF80  }
0x4e: {  	_ =	swait.ge [sflag:s17], $0x80  }
0x4f: {  	[sflag:s17] =	ssyncset.done $0x0  }
0x50: {  	[sflag:s17] =	ssyncadd.s32 $0xFFFFFF80  }
0x51: {  	_ =	swait.ge [sflag:s17], $0x80  }
0x52: {  	[sflag:s17] =	ssyncset.done $0x0  }
0x53: {  	[sflag:s17] =	ssyncadd.s32 $0xFFFFFF80  }
0x54: {  	_ =	swait.ge [sflag:s17], $0x80  }
0x55: {  	[sflag:s17] =	ssyncset.done $0x0  }
0x56: {  	[sflag:s17] =	ssyncadd.s32 $0xFFFFFF80  }
0x57: {  	_ =	swait.ge [sflag:s17], $0x80  }
0x58: {  	[sflag:s17] =	ssyncset.done $0x0  }
0x59: {  	[sflag:s17] =	ssyncadd.s32 $0xFFFFFF80  }
0x5a: {  	_ =	swait.ge [sflag:s17], $0x80  }
0x5b: {  	[sflag:s17] =	ssyncset.done $0x0  }
0x5c: {  	[sflag:s17] =	ssyncadd.s32 $0xFFFFFF80  }
0x5d: {  	_ =	swait.ge [sflag:s17], $0x80  }
0x5e: {  	s25 =	simm.s32 $0x400;
	s26 =	simm.s32 $0x2000;
	[sflag:s17] =	ssyncset.done $0x0  }
.LBB2_2:
0x5f: {  	s28 =	sadd.s32 $0x280, s25  }
0x60: {  	[sflag:s17] =	ssyncadd.s32 $0xFFFFFF80;
	s24 =	smov.u32 s26;
	s23 =	sadd.s32 $0x1000, s26  }
0x61: {  	[spmem:s2] =	stream.indirect.scatter.add.f32 [tilespmem:s16], [sflag:$0x1], $0x1, s28, s15, $0xb8;
	[tilespmem:$0x2B80] =	vst v63  }
0x62: {  	p0 =	sne.s32 s26, $0x9000;
	s26 =	sadd.s32 $0x300, s25  }
0x63: {  	[spmem:s2] =	stream.indirect.scatter.add.f32 [tilespmem:s16], [sflag:$0x1], $0x1, s26, s15, $0xb8;
	[tilespmem:$0x2B80] =	vst v63  }
0x64: {  	s26 =	sadd.s32 $0x380, s25  }
0x65: {  	[spmem:s2] =	stream.indirect.scatter.add.f32 [tilespmem:s16], [sflag:$0x1], $0x1, s26, s15, $0xb8;
	[tilespmem:$0x2B80] =	vst v63  }
0x66: {  	s26 =	sadd.s32 $0x400, s25  }
0x67: {  	[spmem:s2] =	stream.indirect.scatter.add.f32 [tilespmem:s16], [sflag:$0x1], $0x1, s26, s15, $0xb8;
	[tilespmem:$0x2B80] =	vst v63  }
0x68: {  	s26 =	sadd.s32 $0x480, s25  }
0x69: {  	[spmem:s2] =	stream.indirect.scatter.add.f32 [tilespmem:s16], [sflag:$0x1], $0x1, s26, s15, $0xb8;
	[tilespmem:$0x2B80] =	vst v63  }
0x6a: {  	s26 =	sadd.s32 $0x500, s25  }
0x6b: {  	[spmem:s2] =	stream.indirect.scatter.add.f32 [tilespmem:s16], [sflag:$0x1], $0x1, s26, s15, $0xb8;
	[tilespmem:$0x2B80] =	vst v63  }
0x6c: {  	s26 =	sadd.s32 $0x580, s25  }
0x6d: {  	[spmem:s2] =	stream.indirect.scatter.add.f32 [tilespmem:s16], [sflag:$0x1], $0x1, s26, s15, $0xb8;
	[tilespmem:$0x2B80] =	vst v63  }
0x6e: {  	s25 =	sadd.s32 $0x600, s25  }
0x6f: {  	[spmem:s2] =	stream.indirect.scatter.add.f32 [tilespmem:s16], [sflag:$0x1], $0x1, s25, s15, $0xb8;
	[tilespmem:$0x2B80] =	vst v63  }
0x70: {  	_ =	swait.ge [sflag:s17], $0x80  }
0x71: {  	[sflag:s17] =	ssyncset.done $0x0  }
0x72: {  	[sflag:s17] =	ssyncadd.s32 $0xFFFFFF80  }
0x73: {  	_ =	swait.ge [sflag:s17], $0x80  }
0x74: {  	[sflag:s17] =	ssyncset.done $0x0  }
0x75: {  	[sflag:s17] =	ssyncadd.s32 $0xFFFFFF80  }
0x76: {  	_ =	swait.ge [sflag:s17], $0x80  }
0x77: {  	[sflag:s17] =	ssyncset.done $0x0  }
0x78: {  	[sflag:s17] =	ssyncadd.s32 $0xFFFFFF80  }
0x79: {  	_ =	swait.ge [sflag:s17], $0x80  }
0x7a: {  	[sflag:s17] =	ssyncset.done $0x0  }
0x7b: {  	[sflag:s17] =	ssyncadd.s32 $0xFFFFFF80  }
0x7c: {  	_ =	swait.ge [sflag:s17], $0x80  }
0x7d: {  	[sflag:s17] =	ssyncset.done $0x0  }
0x7e: {  	[sflag:s17] =	ssyncadd.s32 $0xFFFFFF80  }
0x7f: {  	_ =	swait.ge [sflag:s17], $0x80  }
0x80: {  	[sflag:s17] =	ssyncset.done $0x0  }
0x81: {  	[sflag:s17] =	ssyncadd.s32 $0xFFFFFF80  }
.Ltmp0:
0x82: {  	_ =	swait.ge [sflag:s17], $0x80;
	(pc) =	sbr.rel @p0 .LBB2_2-.Ltmp0, $4  }
0x83: {  	[sflag:s17] =	ssyncset.done $0x0  }
0x84: {  	[sflag:s17] =	ssyncadd.s32 $0xFFFFFF80  }
0x85: {  	_ =	swait.ge [sflag:s17], $0x80  }
0x86: {  	s26 =	smov.u32 s23;
	s25 =	sshra.s32 s24, $0x2;
	[sflag:s17] =	ssyncset.done $0x0  }
0x87: {  	s23 =	sadd.s32 $0x280, s25;
	[sflag:s17] =	ssyncadd.s32 $0xFFFFFF80  }
0x88: {  	[spmem:s2] =	stream.indirect.scatter.add.f32 [tilespmem:s16], [sflag:$0x1], $0x1, s23, s15, $0xb8;
	[tilespmem:$0x2B80] =	vst v63  }
0x89: {  	s31 =	sadd.s32 $0x300, s25  }
0x8a: {  	[spmem:s2] =	stream.indirect.scatter.add.f32 [tilespmem:s16], [sflag:$0x1], $0x1, s31, s15, $0xb8;
	[tilespmem:$0x2B80] =	vst v63  }
0x8b: {  	s24 =	sadd.s32 $0x380, s25  }
0x8c: {  	[spmem:s2] =	stream.indirect.scatter.add.f32 [tilespmem:s16], [sflag:$0x1], $0x1, s24, s15, $0xb8;
	[tilespmem:$0x2B80] =	vst v63  }
0x8d: {  	s26 =	sadd.s32 $0x400, s25  }
0x8e: {  	[spmem:s2] =	stream.indirect.scatter.add.f32 [tilespmem:s16], [sflag:$0x1], $0x1, s26, s15, $0xb8;
	[tilespmem:$0x2B80] =	vst v63  }
0x8f: {  	s28 =	sadd.s32 $0x480, s25  }
0x90: {  	[spmem:s2] =	stream.indirect.scatter.add.f32 [tilespmem:s16], [sflag:$0x1], $0x1, s28, s15, $0xb8;
	[tilespmem:$0x2B80] =	vst v63  }
0x91: {  	s29 =	sadd.s32 $0x500, s25  }
0x92: {  	[spmem:s2] =	stream.indirect.scatter.add.f32 [tilespmem:s16], [sflag:$0x1], $0x1, s29, s15, $0xb8;
	[tilespmem:$0x2B80] =	vst v63  }
0x93: {  	s30 =	sadd.s32 $0x580, s25  }
0x94: {  	[spmem:s2] =	stream.indirect.scatter.add.f32 [tilespmem:s16], [sflag:$0x1], $0x1, s30, s15, $0xb8;
	[tilespmem:$0x2B80] =	vst v63  }
0x95: {  	s31 =	sadd.s32 $0x600, s25  }
0x96: {  	[spmem:s2] =	stream.indirect.scatter.add.f32 [tilespmem:s16], [sflag:$0x1], $0x1, s31, s15, $0xb8;
	[tilespmem:$0x2B80] =	vst v63  }
0x97: {  	_ =	swait.ge [sflag:s17], $0x80  }
0x98: {  	[sflag:s17] =	ssyncset.done $0x0  }
0x99: {  	[sflag:s17] =	ssyncadd.s32 $0xFFFFFF80  }
0x9a: {  	_ =	swait.ge [sflag:s17], $0x80  }
0x9b: {  	[sflag:s17] =	ssyncset.done $0x0  }
0x9c: {  	[sflag:s17] =	ssyncadd.s32 $0xFFFFFF80  }
0x9d: {  	_ =	swait.ge [sflag:s17], $0x80  }
0x9e: {  	[sflag:s17] =	ssyncset.done $0x0  }
0x9f: {  	[sflag:s17] =	ssyncadd.s32 $0xFFFFFF80  }
0xa0: {  	_ =	swait.ge [sflag:s17], $0x80  }
0xa1: {  	[sflag:s17] =	ssyncset.done $0x0  }
0xa2: {  	[sflag:s17] =	ssyncadd.s32 $0xFFFFFF80  }
0xa3: {  	_ =	swait.ge [sflag:s17], $0x80  }
0xa4: {  	[sflag:s17] =	ssyncset.done $0x0  }
0xa5: {  	[sflag:s17] =	ssyncadd.s32 $0xFFFFFF80  }
0xa6: {  	_ =	swait.ge [sflag:s17], $0x80  }
0xa7: {  	[sflag:s17] =	ssyncset.done $0x0  }
0xa8: {  	[sflag:s17] =	ssyncadd.s32 $0xFFFFFF80  }
0xa9: {  	_ =	swait.ge [sflag:s17], $0x80  }
0xaa: {  	[sflag:s17] =	ssyncset.done $0x0  }
0xab: {  	[sflag:s17] =	ssyncadd.s32 $0xFFFFFF80  }
0xac: {  	_ =	swait.ge [sflag:s17], $0x80  }
0xad: {  	s22 =	sadd.s32 $0x1, s22;
	[sflag:s17] =	ssyncset.done $0x0  }
0xae: {  	p0 =	sne.s32 s22, s7;
	[sflag:s17] =	ssyncadd.s32 $0xFFFFFF80  }
.Ltmp1:
0xaf: {  	[bflag:$0x0] =	sbarrier.arrive $0xFFFF;
	(pc) =	sbr.rel @p0 .LBB2_1-.Ltmp1, $4  }
0xb0: {  	[hbm:s6@s20], [sflag:s18] =	dma.strided [spmem:s19@s21], $0x50, s17, $0x10   }
0xb1: {  	_ =	swait.ge [sflag:s13], $0x50  }
0xb2: {  	[sflag:s13] =	ssyncset.done $0x0  }
0xb3: {  	[sflag:s13] =	ssyncadd.s32 $0xFFFFFFB0  }
0xb4: {  	_ =	sfence.sel $0x180000  }
0xb5: {  	[bflag:$0x0] =	sbarrier.arrive $0xFFFF  }
0xb6: {  	p0 =	sne.s32 s1, $0x0;
	_ =	strace $0x90000047  }
0xb7: {  	s0 =	sadd.s32 @!p0 $0x100000, s0;
	[bflag:$0x2] =	sbarrier.arrive $0xFFFF  }
0xb8: {  	[sflag:s0] =	ssyncadd.tile.s32 @!p0 $0x1;
	_ =	shalt  }
.Lfunc_end2:
_tile_overlayer_lowered:
.L_overlay_start_2:
0xb9: {  	(tag) =	ssettag $0x2  }
0xba: {  	s0 =	rddreg [dreg:$0x0];
	s2 =	stileid.u32  }
0xbb: {  	s1 =	rddreg [dreg:$0x1];
	p0 =	sne.s32 s2, $0x0  }
0xbc: {  	s3 =	rddreg [dreg:$0x2];
	[bflag:$0x3] =	sbarrier.arrive $0xFFFF;
	s2 =	simm.s32 @!p0 $0x1C02  }
0xbd: {  	[timem:s3], [sflag:s2] =	dma.local @!p0 [hbm:s0], s1  }
0xbe: {  	s0 =	simm.s32 @!p0 $0x2  }
0xbf: {  	_ =	swait.ge @!p0 [sflag:s0], s1  }
0xc0: {  	s1 =	ssub.s32 @!p0 $0x0, s1;
	[sflag:s0] =	ssyncset.done @!p0 $0x0  }
0xc1: {  	[sflag:s0] =	ssyncadd.s32 @!p0 s1  }
0xc2: {  	[bflag:$0x3] =	sbarrier.arrive $0xFFFF  }
0xc3: {  	_ =	shalt  }

</sc_bundles>
